<compile_context>
chip_gen: v7x
topology: tpu7x:2x2x1
jax: 0.10.2.dev20260603
libtpu: 0.0.44.dev20260713+nightly
codegen_flags: <defaults>
</compile_context>

<pallas_src>
import functools

import jax
import jax.numpy as jnp
from jax import lax
from jax.experimental import pallas as pl
from jax.experimental.pallas import tpu as pltpu
from jax.experimental.pallas import tpu_sc as plsc

N = 10000
D = 128
E = 320000
NP = 10240
NC = 2
NS = 16
NW = NC * NS
EPW = E // NW
CH = 128
NCHF = EPW // CH
TAIL = EPW - NCHF * CH
RPT = NP // NS

_mesh = plsc.VectorSubcoreMesh(core_axis_name="c", subcore_axis_name="s")


def _copy_chunk_idx(dst2, k, src_all, i):
    for j in range(CH // 16):
        dst2[k, pl.ds(j * 16, 16)] = src_all[pl.ds(i * CH + j * 16, 16)]


@functools.partial(
    pl.kernel,
    out_type=jax.ShapeDtypeStruct((NC, NP), jnp.float32),
    mesh=_mesh,
    scratch_types=[
        pltpu.VMEM((EPW,), jnp.int32),
        pltpu.VMEM((2, CH), jnp.int32),
        pltpu.VMEM((TAIL,), jnp.int32),
        pltpu.VMEM((CH,), jnp.float32),
        pltpu.VMEM((RPT,), jnp.float32),
        pltpu.VMEM_SHARED((NP,), jnp.float32),
        pltpu.SemaphoreType.DMA,
        pltpu.SemaphoreType.DMA,
    ],
)
def _deg_kernel(dst_hbm, out_hbm, didx_all, didx2, tidx, ones, zbuf, acc,
                s0, s1):
    cid = lax.axis_index("c")
    sid = lax.axis_index("s")
    wid = cid * NS + sid
    sems = (s0, s1)

    for k in range(CH // 16):
        ones[pl.ds(k * 16, 16)] = jnp.ones((16,), jnp.float32)

    def _zrow(i, _):
        zbuf[pl.ds(i * 16, 16)] = jnp.zeros((16,), jnp.float32)
        return 0

    lax.fori_loop(0, RPT // 16, _zrow, 0)
    pltpu.sync_copy(zbuf, acc.at[pl.ds(sid * RPT, RPT)])
    pltpu.sync_copy(dst_hbm.at[pl.ds(wid * EPW, EPW)], didx_all)
    plsc.subcore_barrier()

    pltpu.async_copy(dst_hbm.at[pl.ds(0, CH)], didx2.at[1], s1)

    def _block(blk, _):
        for u in range(2):
            i = blk * 2 + u
            pltpu.make_async_copy(ones, acc.at[didx2.at[1 - u]],
                                  sems[1 - u]).wait()
            _copy_chunk_idx(didx2, u, didx_all, i)
            pltpu.async_copy(ones, acc.at[didx2.at[u]], sems[u], add=True)
        return 0

    lax.fori_loop(0, NCHF // 2, _block, 0, unroll=3)
    pltpu.make_async_copy(ones, acc.at[didx2.at[1]], s1).wait()

    tidx[pl.ds(0, 16)] = didx_all[pl.ds(NCHF * CH, 16)]
    pltpu.sync_copy(ones.at[pl.ds(0, TAIL)], acc.at[tidx], add=True)

    plsc.subcore_barrier()
    pltpu.sync_copy(acc.at[pl.ds(sid * RPT, RPT)],
                    out_hbm.at[cid, pl.ds(sid * RPT, RPT)])


@functools.partial(
    pl.kernel,
    out_type=jax.ShapeDtypeStruct((NC, NP, D), jnp.float32),
    mesh=_mesh,
    scratch_types=[
        pltpu.VMEM((EPW,), jnp.int32),
        pltpu.VMEM((2, CH), jnp.int32),
        pltpu.VMEM((TAIL,), jnp.int32),
        pltpu.VMEM((TAIL,), jnp.int32),
        pltpu.VMEM((2, CH, D), jnp.float32),
        pltpu.VMEM_SHARED((NP, D), jnp.float32),
        pltpu.SemaphoreType.DMA,
        pltpu.SemaphoreType.DMA,
        pltpu.SemaphoreType.DMA,
        pltpu.SemaphoreType.DMA,
    ],
)
def _prop_kernel(hs_hbm, src_hbm, dst_hbm, zeros_hbm, out_hbm,
                 sidx_all, didx2, tsidx, tdidx, rows, acc,
                 g0, g1, s0, s1):
    cid = lax.axis_index("c")
    sid = lax.axis_index("s")
    wid = cid * NS + sid
    gsem = (g0, g1)
    ssem = (s0, s1)
    ebase = wid * EPW

    r0 = sid * RPT

    @pl.when(cid == 0)
    def _():
        pltpu.sync_copy(hs_hbm.at[pl.ds(r0, RPT)], acc.at[pl.ds(r0, RPT)])

    @pl.when(cid != 0)
    def _():
        pltpu.sync_copy(zeros_hbm.at[pl.ds(r0, RPT)], acc.at[pl.ds(r0, RPT)])

    pltpu.sync_copy(src_hbm.at[pl.ds(ebase, EPW)], sidx_all)
    plsc.subcore_barrier()

    pltpu.async_copy(zeros_hbm.at[pl.ds(0, CH)], rows.at[1], s1)
    pltpu.async_copy(hs_hbm.at[sidx_all.at[pl.ds(0, CH)]], rows.at[0], g0)
    pltpu.async_copy(dst_hbm.at[pl.ds(ebase, CH)], didx2.at[0], g0)

    def _block(blk, _):
        for u in range(2):
            i = blk * 2 + u
            pltpu.make_async_copy(rows.at[1 - u], acc.at[didx2.at[1 - u]],
                                  ssem[1 - u]).wait()

            @pl.when(i + 1 < NCHF)
            def _():
                pltpu.async_copy(
                    hs_hbm.at[sidx_all.at[pl.ds((i + 1) * CH, CH)]],
                    rows.at[1 - u], gsem[1 - u])
                pltpu.async_copy(dst_hbm.at[pl.ds(ebase + (i + 1) * CH, CH)],
                                 didx2.at[1 - u], gsem[1 - u])

            pltpu.make_async_copy(
                hs_hbm.at[sidx_all.at[pl.ds(i * CH, CH)]],
                rows.at[u], gsem[u]).wait()
            pltpu.make_async_copy(dst_hbm.at[pl.ds(ebase + i * CH, CH)],
                                  didx2.at[u], gsem[u]).wait()
            pltpu.async_copy(rows.at[u], acc.at[didx2.at[u]], ssem[u],
                             add=True)
        return 0

    lax.fori_loop(0, NCHF // 2, _block, 0)
    pltpu.make_async_copy(rows.at[1], acc.at[didx2.at[1]], s1).wait()

    tsidx[pl.ds(0, 16)] = sidx_all[pl.ds(NCHF * CH, 16)]
    pltpu.sync_copy(dst_hbm.at[pl.ds(ebase + NCHF * CH, TAIL)], tdidx)
    pltpu.sync_copy(hs_hbm.at[tsidx], rows.at[0].at[pl.ds(0, TAIL)])
    pltpu.sync_copy(rows.at[0].at[pl.ds(0, TAIL)], acc.at[tdidx], add=True)

    plsc.subcore_barrier()
    pltpu.sync_copy(acc.at[pl.ds(r0, RPT)], out_hbm.at[cid, pl.ds(r0, RPT)])


def _mm1_body(degp_ref, x_ref, w1_ref, hs_ref):
    deg = degp_ref[0, :N] + degp_ref[1, :N] + 1.0
    dinv = lax.rsqrt(deg).reshape(N, 1)
    xw = jnp.dot(x_ref[...], w1_ref[...], preferred_element_type=jnp.float32)
    hs_ref[pl.ds(0, N), :] = xw * dinv
    hs_ref[pl.ds(N, NP - N), :] = jnp.zeros((NP - N, D), jnp.float32)


def _mid_body(p_ref, degp_ref, b1_ref, g_ref, bt_ref, w2_ref, hs2_ref):
    deg = degp_ref[0, :N] + degp_ref[1, :N] + 1.0
    dinv = lax.rsqrt(deg).reshape(N, 1)
    acc = p_ref[0, :N, :] + p_ref[1, :N, :]
    h = acc * dinv + b1_ref[...].reshape(1, D)
    scale = g_ref[...].reshape(1, D) * (1.0 / jnp.sqrt(1.0 + 1e-5))
    h = h * scale + bt_ref[...].reshape(1, D)
    h = jnp.maximum(h, 0.0)
    hw = jnp.dot(h, w2_ref[...], preferred_element_type=jnp.float32)
    hs2_ref[pl.ds(0, N), :] = hw * dinv
    hs2_ref[pl.ds(N, NP - N), :] = jnp.zeros((NP - N, D), jnp.float32)


def _final_body(p_ref, degp_ref, b2_ref, l2w_ref, l2b_ref,
                l3w_ref, l3b_ref, out_ref):
    deg = degp_ref[0, :N] + degp_ref[1, :N] + 1.0
    dinv = lax.rsqrt(deg).reshape(N, 1)
    acc = p_ref[0, :N, :] + p_ref[1, :N, :]
    h2 = acc * dinv + b2_ref[...].reshape(1, D)
    h = jnp.dot(h2, l2w_ref[...], preferred_element_type=jnp.float32)
    h = h + l2b_ref[...].reshape(1, D)
    m = jnp.max(h, axis=1, keepdims=True)
    e = jnp.exp(h - m)
    p = e / jnp.sum(e, axis=1, keepdims=True)
    ent = -jnp.sum(p * jnp.log(p + 1e-9), axis=1, keepdims=True)
    w = 1.0 / (ent + 1e-10)
    wmin = jnp.min(w, axis=0, keepdims=True)
    wmax = jnp.max(w, axis=0, keepdims=True)
    w = (w - wmin) / (wmax - wmin)
    nm = jnp.max(w, axis=0, keepdims=True)
    ew = jnp.exp(w - nm)
    w = ew / jnp.sum(ew, axis=0, keepdims=True)
    pooled = jnp.sum(h * w, axis=0, keepdims=True)
    out_ref[...] = (
        jnp.dot(pooled, l3w_ref[...], preferred_element_type=jnp.float32)
        + l3b_ref[...].reshape(1, D)
    )


def _tc_call(body, out_shape, n_in):
    return pl.pallas_call(
        body,
        out_shape=out_shape,
        in_specs=[pl.BlockSpec(memory_space=pltpu.VMEM)
                  for _ in range(n_in)],
        out_specs=pl.BlockSpec(memory_space=pltpu.VMEM),
    )


@jax.jit
def kernel(x, edge_index, W1, b1, W2, b2, bn_gamma, bn_beta,
           lin2_W, lin2_b, lin3_W, lin3_b):
    src = edge_index[0].astype(jnp.int32)
    dst = edge_index[1].astype(jnp.int32)
    zeros = jnp.zeros((NP, D), jnp.float32)

    degp = _deg_kernel(dst)

    hs1 = _tc_call(_mm1_body, jax.ShapeDtypeStruct((NP, D), jnp.float32), 3)(
        degp, x, W1)

    p1 = _prop_kernel(hs1, src, dst, zeros)

    hs2 = _tc_call(_mid_body, jax.ShapeDtypeStruct((NP, D), jnp.float32), 6)(
        p1, degp, b1, bn_gamma, bn_beta, W2)

    p2 = _prop_kernel(hs2, src, dst, zeros)

    graph = _tc_call(_final_body, jax.ShapeDtypeStruct((1, D), jnp.float32), 7)(
        p2, degp, b2, lin2_W, lin2_b, lin3_W, lin3_b)
    return graph

# --- scband reference (transcript-rebuilt; emitter-appended) ---
"""Pipeline reference for scband-gcn-74706661146648 (READ-ONLY COPY).

The authoritative reference and input builder live on the scoring server;
editing this copy changes nothing except your own understanding.
"""

import jax, jax.numpy as jnp
import numpy as np

N_NODES = 10000
D = 128
N_EDGES = 320000


def _gcn_conv(x, edge_index, W, b, n_nodes):
    # PyG GCNConv: linear transform, add self loops, sym-normalize, scatter-add, bias
    x = x @ W
    loop = jnp.arange(n_nodes, dtype=edge_index.dtype)
    src = jnp.concatenate([edge_index[0], loop])
    dst = jnp.concatenate([edge_index[1], loop])
    deg = jax.ops.segment_sum(jnp.ones_like(src, dtype=x.dtype), dst, num_segments=n_nodes)
    dinv = jnp.where(deg > 0, 1.0 / jnp.sqrt(deg), 0.0)
    norm = dinv[src] * dinv[dst]
    msg = x[src] * norm[:, None]
    out = jax.ops.segment_sum(msg, dst, num_segments=n_nodes)
    return out + b


def setup_inputs(seed: int = 0) -> dict:
    key = jax.random.key(seed)
    ks = [jax.random.fold_in(key, i) for i in range(16)]
    x = jax.random.normal(ks[0], (N_NODES, D), dtype=jnp.float32)
    edge_index = jax.random.randint(ks[1], (2, N_EDGES), 0, N_NODES, dtype=jnp.int64)
    s = 1.0 / np.sqrt(D)
    W1 = jax.random.uniform(ks[2], (D, D), jnp.float32, -s, s)
    b1 = jnp.zeros((D,), jnp.float32)
    W2 = jax.random.uniform(ks[3], (D, D), jnp.float32, -s, s)
    b2 = jnp.zeros((D,), jnp.float32)
    bn_gamma = jnp.ones((D,), jnp.float32)
    bn_beta = jnp.zeros((D,), jnp.float32)
    lin2_W = jax.random.uniform(ks[4], (D, D), jnp.float32, -s, s)
    lin2_b = jax.random.uniform(ks[5], (D,), jnp.float32, -s, s)
    lin3_W = jax.random.uniform(ks[6], (D, D), jnp.float32, -s, s)
    lin3_b = jax.random.uniform(ks[7], (D,), jnp.float32, -s, s)
    return {"x": x, "edge_index": edge_index, "W1": W1, "b1": b1, "W2": W2, "b2": b2,
            "bn_gamma": bn_gamma, "bn_beta": bn_beta, "lin2_W": lin2_W, "lin2_b": lin2_b,
            "lin3_W": lin3_W, "lin3_b": lin3_b}


def reference(x, edge_index, W1, b1, W2, b2, bn_gamma, bn_beta, lin2_W, lin2_b, lin3_W, lin3_b):
    n = x.shape[0]
    h = _gcn_conv(x, edge_index, W1, b1, n)
    # BatchNorm1d in eval mode: running_mean=0, running_var=1
    h = (h - 0.0) / jnp.sqrt(1.0 + 1e-5) * bn_gamma + bn_beta
    h = jax.nn.relu(h)
    # dropout is identity in eval mode
    h = _gcn_conv(h, edge_index, W2, b2, n)
    h = h @ lin2_W + lin2_b
    p = jax.nn.softmax(h, axis=-1)
    entropy = -jnp.sum(p * jnp.log(p + 1e-9), axis=-1)
    w = 1.0 / (entropy + 1e-10)
    w = (w - jnp.min(w)) / (jnp.max(w) - jnp.min(w))
    w = jax.nn.softmax(w, axis=0)
    graph = jnp.sum(h * w[:, None], axis=0, keepdims=True)
    graph = graph @ lin3_W + lin3_b
    return graph

if __name__ == "__main__":
    import jax
    _d = setup_inputs()
    print(jax.jit(kernel)(*tuple(_d.values())))

</pallas_src>

<mosaic_0001>
#map = affine_map<(d0, d1) -> (0)>
#map1 = affine_map<(d0, d1) -> (0, 0)>
module attributes {stable_mosaic.version = 14 : i64} {
  func.func @_deg_kernel(%arg0: i32, %arg1: i32, %arg2: memref<320000xi32, #tpu.memory_space<hbm>>, %arg3: memref<2x10240xf32, #tpu.memory_space<hbm>>, %arg4: memref<10000xi32, #tpu.memory_space<vmem>>, %arg5: memref<2x128xi32, #tpu.memory_space<vmem>>, %arg6: memref<16xi32, #tpu.memory_space<vmem>>, %arg7: memref<128xf32, #tpu.memory_space<vmem>>, %arg8: memref<640xf32, #tpu.memory_space<vmem>>, %arg9: memref<10240xf32, #tpu.memory_space<vmem_shared>>, %arg10: memref<!tpu.dma_semaphore, #tpu.memory_space<semaphore_mem>>, %arg11: memref<!tpu.dma_semaphore, #tpu.memory_space<semaphore_mem>>) attributes {dimension_semantics = [#tpu.dimension_semantics<core_parallel>, #tpu.dimension_semantics<subcore_parallel>], iteration_bounds = array<i64: 2, 16>, scalar_prefetch = 0 : i64, scratch_operands = 8 : i64, tpu.core_type = #tpu.core_type<sc_vector_subcore>, window_params = [{transform_indices = #map}, {transform_indices = #map1}]} {
    %mul3A = arith.constant 16 : i32
    %mul3A_0 = arith.muli %arg0, %mul3A : i32
    %add3A = arith.addi %mul3A_0, %arg1 : i32
    %broadcast_in_dim3A = arith.constant 1.000000e+00 : f32
    %broadcast_in_dim3A_1 = vector.broadcast %broadcast_in_dim3A : f32 to vector<16xf32>
    %swap3A = arith.constant 0 : index
    %swap3A_2 = tpu.vector_load %arg7[%swap3A] {strides = array<i32>} : memref<128xf32, #tpu.memory_space<vmem>>, vector<16xf32>,
    %swap3A_3 = vector.shape_cast %swap3A_2 : vector<16xf32> to vector<16xf32>
    %swap3A_4 = vector.shape_cast %broadcast_in_dim3A_1 : vector<16xf32> to vector<16xf32>
    tpu.vector_store %arg7[%swap3A], %swap3A_4 {strides = array<i32>} : memref<128xf32, #tpu.memory_space<vmem>>, vector<16xf32>,
    %broadcast_in_dim3A_5 = arith.constant 1.000000e+00 : f32
    %broadcast_in_dim3A_6 = vector.broadcast %broadcast_in_dim3A_5 : f32 to vector<16xf32>
    %swap3A_7 = arith.constant 16 : index
    %swap3A_8 = tpu.vector_load %arg7[%swap3A_7] {strides = array<i32>} : memref<128xf32, #tpu.memory_space<vmem>>, vector<16xf32>,
    %swap3A_9 = vector.shape_cast %swap3A_8 : vector<16xf32> to vector<16xf32>
    %swap3A_10 = vector.shape_cast %broadcast_in_dim3A_6 : vector<16xf32> to vector<16xf32>
    tpu.vector_store %arg7[%swap3A_7], %swap3A_10 {strides = array<i32>} : memref<128xf32, #tpu.memory_space<vmem>>, vector<16xf32>,
    %broadcast_in_dim3A_11 = arith.constant 1.000000e+00 : f32
    %broadcast_in_dim3A_12 = vector.broadcast %broadcast_in_dim3A_11 : f32 to vector<16xf32>
    %swap3A_13 = arith.constant 32 : index
    %swap3A_14 = tpu.vector_load %arg7[%swap3A_13] {strides = array<i32>} : memref<128xf32, #tpu.memory_space<vmem>>, vector<16xf32>,
    %swap3A_15 = vector.shape_cast %swap3A_14 : vector<16xf32> to vector<16xf32>
    %swap3A_16 = vector.shape_cast %broadcast_in_dim3A_12 : vector<16xf32> to vector<16xf32>
    tpu.vector_store %arg7[%swap3A_13], %swap3A_16 {strides = array<i32>} : memref<128xf32, #tpu.memory_space<vmem>>, vector<16xf32>,
    %broadcast_in_dim3A_17 = arith.constant 1.000000e+00 : f32
    %broadcast_in_dim3A_18 = vector.broadcast %broadcast_in_dim3A_17 : f32 to vector<16xf32>
    %swap3A_19 = arith.constant 48 : index
    %swap3A_20 = tpu.vector_load %arg7[%swap3A_19] {strides = array<i32>} : memref<128xf32, #tpu.memory_space<vmem>>, vector<16xf32>,
    %swap3A_21 = vector.shape_cast %swap3A_20 : vector<16xf32> to vector<16xf32>
    %swap3A_22 = vector.shape_cast %broadcast_in_dim3A_18 : vector<16xf32> to vector<16xf32>
    tpu.vector_store %arg7[%swap3A_19], %swap3A_22 {strides = array<i32>} : memref<128xf32, #tpu.memory_space<vmem>>, vector<16xf32>,
    %broadcast_in_dim3A_23 = arith.constant 1.000000e+00 : f32
    %broadcast_in_dim3A_24 = vector.broadcast %broadcast_in_dim3A_23 : f32 to vector<16xf32>
    %swap3A_25 = arith.constant 64 : index
    %swap3A_26 = tpu.vector_load %arg7[%swap3A_25] {strides = array<i32>} : memref<128xf32, #tpu.memory_space<vmem>>, vector<16xf32>,
    %swap3A_27 = vector.shape_cast %swap3A_26 : vector<16xf32> to vector<16xf32>
    %swap3A_28 = vector.shape_cast %broadcast_in_dim3A_24 : vector<16xf32> to vector<16xf32>
    tpu.vector_store %arg7[%swap3A_25], %swap3A_28 {strides = array<i32>} : memref<128xf32, #tpu.memory_space<vmem>>, vector<16xf32>,
    %broadcast_in_dim3A_29 = arith.constant 1.000000e+00 : f32
    %broadcast_in_dim3A_30 = vector.broadcast %broadcast_in_dim3A_29 : f32 to vector<16xf32>
    %swap3A_31 = arith.constant 80 : index
    %swap3A_32 = tpu.vector_load %arg7[%swap3A_31] {strides = array<i32>} : memref<128xf32, #tpu.memory_space<vmem>>, vector<16xf32>,
    %swap3A_33 = vector.shape_cast %swap3A_32 : vector<16xf32> to vector<16xf32>
    %swap3A_34 = vector.shape_cast %broadcast_in_dim3A_30 : vector<16xf32> to vector<16xf32>
    tpu.vector_store %arg7[%swap3A_31], %swap3A_34 {strides = array<i32>} : memref<128xf32, #tpu.memory_space<vmem>>, vector<16xf32>,
    %broadcast_in_dim3A_35 = arith.constant 1.000000e+00 : f32
    %broadcast_in_dim3A_36 = vector.broadcast %broadcast_in_dim3A_35 : f32 to vector<16xf32>
    %swap3A_37 = arith.constant 96 : index
    %swap3A_38 = tpu.vector_load %arg7[%swap3A_37] {strides = array<i32>} : memref<128xf32, #tpu.memory_space<vmem>>, vector<16xf32>,
    %swap3A_39 = vector.shape_cast %swap3A_38 : vector<16xf32> to vector<16xf32>
    %swap3A_40 = vector.shape_cast %broadcast_in_dim3A_36 : vector<16xf32> to vector<16xf32>
    tpu.vector_store %arg7[%swap3A_37], %swap3A_40 {strides = array<i32>} : memref<128xf32, #tpu.memory_space<vmem>>, vector<16xf32>,
    %broadcast_in_dim3A_41 = arith.constant 1.000000e+00 : f32
    %broadcast_in_dim3A_42 = vector.broadcast %broadcast_in_dim3A_41 : f32 to vector<16xf32>
    %swap3A_43 = arith.constant 112 : index
    %swap3A_44 = tpu.vector_load %arg7[%swap3A_43] {strides = array<i32>} : memref<128xf32, #tpu.memory_space<vmem>>, vector<16xf32>,
    %swap3A_45 = vector.shape_cast %swap3A_44 : vector<16xf32> to vector<16xf32>
    %swap3A_46 = vector.shape_cast %broadcast_in_dim3A_42 : vector<16xf32> to vector<16xf32>
    tpu.vector_store %arg7[%swap3A_43], %swap3A_46 {strides = array<i32>} : memref<128xf32, #tpu.memory_space<vmem>>, vector<16xf32>,
    %scan3A = arith.constant 0 : i32
    %scan3A_47 = arith.constant 0 : i32
    %scan3A_48 = arith.constant 40 : i32
    %scan3A_49 = arith.addi %scan3A_47, %scan3A_48 : i32
    %scan3A_50 = arith.constant 1 : i32
    %scan3A_51 = scf.for %scan3A_90 = %scan3A_47 to %scan3A_49 step %scan3A_50 iter_args(%scan3A_91 = %scan3A) -> (i32)  : i32 {
      %broadcast_in_dim3A_92 = arith.constant 0.000000e+00 : f32
      %broadcast_in_dim3A_93 = vector.broadcast %broadcast_in_dim3A_92 : f32 to vector<16xf32>
      %mul3A_94 = arith.constant 16 : i32
      %mul3A_95 = arith.muli %scan3A_90, %mul3A_94 : i32
      %swap3A_96 = arith.index_cast %mul3A_95 : i32 to index
      %swap3A_97 = tpu.vector_load %arg8[%swap3A_96] {strides = array<i32>} : memref<640xf32, #tpu.memory_space<vmem>>, vector<16xf32>,
      %swap3A_98 = vector.shape_cast %swap3A_97 : vector<16xf32> to vector<16xf32>
      %swap3A_99 = vector.shape_cast %broadcast_in_dim3A_93 : vector<16xf32> to vector<16xf32>
      tpu.vector_store %arg8[%swap3A_96], %swap3A_99 {strides = array<i32>} : memref<640xf32, #tpu.memory_space<vmem>>, vector<16xf32>,
      %scan3A_100 = arith.constant 0 : i32
      scf.yield %scan3A_100 : i32
    }
    %scan3A_52 = arith.constant 40 : i32
    %mul3A_53 = arith.constant 640 : i32
    %mul3A_54 = arith.muli %arg1, %mul3A_53 : i32
    "tpu.region"() ({
      %run_scoped3A = tpu.sem_alloc : memref<!tpu.dma_semaphore, #tpu.memory_space<semaphore_mem>>
      %dma_start3A_90 = tpu.memref_slice %arg9[%mul3A_54] : memref<10240xf32, #tpu.memory_space<vmem_shared>> -> memref<640xf32, #tpu.memory_space<vmem_shared>>
      %dma_start3A_91 = tpu.memref_slice %arg9[%mul3A_54] : memref<10240xf32, #tpu.memory_space<vmem_shared>> -> memref<640xf32, #tpu.memory_space<vmem_shared>>
      tpu.enqueue_dma source(%arg8 : memref<640xf32, #tpu.memory_space<vmem>>) target(%dma_start3A_91 : memref<640xf32, #tpu.memory_space<vmem_shared>>) target_semaphore(%run_scoped3A : memref<!tpu.dma_semaphore, #tpu.memory_space<semaphore_mem>>)
      %dma_wait3A_92 = tpu.memref_slice %arg9[%mul3A_54] : memref<10240xf32, #tpu.memory_space<vmem_shared>> -> memref<640xf32, #tpu.memory_space<vmem_shared>>
      %dma_wait3A_93 = tpu.memref_slice %arg9[%mul3A_54] : memref<10240xf32, #tpu.memory_space<vmem_shared>> -> memref<640xf32, #tpu.memory_space<vmem_shared>>
      tpu.wait_dma2 semaphore(%run_scoped3A : memref<!tpu.dma_semaphore, #tpu.memory_space<semaphore_mem>>) src(%arg8 : memref<640xf32, #tpu.memory_space<vmem>>) dst(%dma_wait3A_93 : memref<640xf32, #tpu.memory_space<vmem_shared>>)
      tpu.yield
    }) : () -> ()
    %mul3A_55 = arith.constant 10000 : i32
    %mul3A_56 = arith.muli %add3A, %mul3A_55 : i32
    "tpu.region"() ({
      %run_scoped3A = tpu.sem_alloc : memref<!tpu.dma_semaphore, #tpu.memory_space<semaphore_mem>>
      %dma_start3A_90 = tpu.memref_slice %arg2[%mul3A_56] : memref<320000xi32, #tpu.memory_space<hbm>> -> memref<10000xi32, #tpu.memory_space<hbm>>
      %dma_start3A_91 = tpu.memref_slice %arg2[%mul3A_56] : memref<320000xi32, #tpu.memory_space<hbm>> -> memref<10000xi32, #tpu.memory_space<hbm>>
      tpu.enqueue_dma source(%dma_start3A_91 : memref<10000xi32, #tpu.memory_space<hbm>>) target(%arg4 : memref<10000xi32, #tpu.memory_space<vmem>>) target_semaphore(%run_scoped3A : memref<!tpu.dma_semaphore, #tpu.memory_space<semaphore_mem>>)
      %dma_wait3A_92 = tpu.memref_slice %arg2[%mul3A_56] : memref<320000xi32, #tpu.memory_space<hbm>> -> memref<10000xi32, #tpu.memory_space<hbm>>
      %dma_wait3A_93 = tpu.memref_slice %arg2[%mul3A_56] : memref<320000xi32, #tpu.memory_space<hbm>> -> memref<10000xi32, #tpu.memory_space<hbm>>
      tpu.wait_dma2 semaphore(%run_scoped3A : memref<!tpu.dma_semaphore, #tpu.memory_space<semaphore_mem>>) src(%dma_wait3A_93 : memref<10000xi32, #tpu.memory_space<hbm>>) dst(%arg4 : memref<10000xi32, #tpu.memory_space<vmem>>)
      tpu.yield
    }) : () -> ()
    %barrier3A = arith.constant 0 : index
    tpu.barrier barrier_id(%barrier3A)
    %dma_start3A = arith.constant 1 : i32
    %dma_start3A_57 = arith.constant 0 : i32
    %dma_start3A_58 = tpu.memref_slice %arg5[%dma_start3A, %dma_start3A_57] : memref<2x128xi32, #tpu.memory_space<vmem>> -> memref<1x128xi32, #tpu.memory_space<vmem>>
    %dma_start3A_59 = tpu.memref_squeeze %dma_start3A_58 : memref<1x128xi32, #tpu.memory_space<vmem>> -> memref<128xi32, #tpu.memory_space<vmem>>
    %dma_start3A_60 = arith.constant 0 : i32
    %dma_start3A_61 = tpu.memref_slice %arg2[%dma_start3A_60] : memref<320000xi32, #tpu.memory_space<hbm>> -> memref<128xi32, #tpu.memory_space<hbm>>
    %dma_start3A_62 = arith.constant 0 : i32
    %dma_start3A_63 = tpu.memref_slice %arg5[%dma_start3A, %dma_start3A_62] : memref<2x128xi32, #tpu.memory_space<vmem>> -> memref<1x128xi32, #tpu.memory_space<vmem>>
    %dma_start3A_64 = tpu.memref_squeeze %dma_start3A_63 : memref<1x128xi32, #tpu.memory_space<vmem>> -> memref<128xi32, #tpu.memory_space<vmem>>
    %dma_start3A_65 = arith.constant 0 : i32
    %dma_start3A_66 = tpu.memref_slice %arg2[%dma_start3A_65] : memref<320000xi32, #tpu.memory_space<hbm>> -> memref<128xi32, #tpu.memory_space<hbm>>
    tpu.enqueue_dma source(%dma_start3A_66 : memref<128xi32, #tpu.memory_space<hbm>>) target(%dma_start3A_64 : memref<128xi32, #tpu.memory_space<vmem>>) target_semaphore(%arg11 : memref<!tpu.dma_semaphore, #tpu.memory_space<semaphore_mem>>)
    %scan3A_67 = arith.constant 0 : i32
    %scan3A_68 = arith.constant 0 : i32
    %scan3A_69 = arith.constant 39 : i32
    %scan3A_70 = arith.addi %scan3A_68, %scan3A_69 : i32
    %scan3A_71 = arith.constant 3 : i32
    %scan3A_72 = scf.for %scan3A_90 = %scan3A_68 to %scan3A_70 step %scan3A_71 iter_args(%scan3A_91 = %scan3A_67) -> (i32)  : i32 {
      %mul3A_92 = arith.constant 2 : i32
      %mul3A_93 = arith.muli %scan3A_90, %mul3A_92 : i32
      %add3A_94 = arith.constant 0 : i32
      %add3A_95 = arith.addi %mul3A_93, %add3A_94 : i32
      %dma_wait3A_96 = arith.constant 1 : i32
      %dma_wait3A_97 = arith.constant 0 : i32
      %dma_wait3A_98 = tpu.memref_slice %arg5[%dma_wait3A_96, %dma_wait3A_97] : memref<2x128xi32, #tpu.memory_space<vmem>> -> memref<1x128xi32, #tpu.memory_space<vmem>>
      %dma_wait3A_99 = tpu.memref_squeeze %dma_wait3A_98 : memref<1x128xi32, #tpu.memory_space<vmem>> -> memref<128xi32, #tpu.memory_space<vmem>>
      %dma_wait3A_100 = arith.constant 0 : i32
      %dma_wait3A_101 = tpu.memref_slice %arg9[%dma_wait3A_100] : memref<10240xf32, #tpu.memory_space<vmem_shared>> -> memref<10240xf32, #tpu.memory_space<vmem_shared>>
      tpu.wait_indirect_dma semaphore(%arg11 : memref<!tpu.dma_semaphore, #tpu.memory_space<semaphore_mem>>) src(%arg7 : memref<128xf32, #tpu.memory_space<vmem>>) dst(%dma_wait3A_101 : memref<10240xf32, #tpu.memory_space<vmem_shared>>)
      %mul3A_102 = arith.constant 128 : i32
      %mul3A_103 = arith.muli %add3A_95, %mul3A_102 : i32
      %add3A_104 = arith.constant 0 : i32
      %add3A_105 = arith.addi %mul3A_103, %add3A_104 : i32
      %get3A_106 = arith.index_cast %add3A_105 : i32 to index
      %get3A_107 = tpu.vector_load %arg4[%get3A_106] {strides = array<i32>} : memref<10000xi32, #tpu.memory_space<vmem>>, vector<16xi32>,
      %get3A_108 = vector.shape_cast %get3A_107 : vector<16xi32> to vector<16xi32>
      %swap3A_109 = arith.constant 0 : i32
      %swap3A_110 = arith.index_cast %swap3A_109 : i32 to index
      %swap3A_111 = arith.constant 0 : index
      %swap3A_112 = tpu.vector_load %arg5[%swap3A_110, %swap3A_111] {strides = array<i32>} : memref<2x128xi32, #tpu.memory_space<vmem>>, vector<1x16xi32>,
      %swap3A_113 = vector.shape_cast %swap3A_112 : vector<1x16xi32> to vector<16xi32>
      %swap3A_114 = vector.shape_cast %get3A_108 : vector<16xi32> to vector<1x16xi32>
      tpu.vector_store %arg5[%swap3A_110, %swap3A_111], %swap3A_114 {strides = array<i32>} : memref<2x128xi32, #tpu.memory_space<vmem>>, vector<1x16xi32>,
      %mul3A_115 = arith.constant 128 : i32
      %mul3A_116 = arith.muli %add3A_95, %mul3A_115 : i32
      %add3A_117 = arith.constant 16 : i32
      %add3A_118 = arith.addi %mul3A_116, %add3A_117 : i32
      %get3A_119 = arith.index_cast %add3A_118 : i32 to index
      %get3A_120 = tpu.vector_load %arg4[%get3A_119] {strides = array<i32>} : memref<10000xi32, #tpu.memory_space<vmem>>, vector<16xi32>,
      %get3A_121 = vector.shape_cast %get3A_120 : vector<16xi32> to vector<16xi32>
      %swap3A_122 = arith.constant 0 : i32
      %swap3A_123 = arith.index_cast %swap3A_122 : i32 to index
      %swap3A_124 = arith.constant 16 : index
      %swap3A_125 = tpu.vector_load %arg5[%swap3A_123, %swap3A_124] {strides = array<i32>} : memref<2x128xi32, #tpu.memory_space<vmem>>, vector<1x16xi32>,
      %swap3A_126 = vector.shape_cast %swap3A_125 : vector<1x16xi32> to vector<16xi32>
      %swap3A_127 = vector.shape_cast %get3A_121 : vector<16xi32> to vector<1x16xi32>
      tpu.vector_store %arg5[%swap3A_123, %swap3A_124], %swap3A_127 {strides = array<i32>} : memref<2x128xi32, #tpu.memory_space<vmem>>, vector<1x16xi32>,
      %mul3A_128 = arith.constant 128 : i32
      %mul3A_129 = arith.muli %add3A_95, %mul3A_128 : i32
      %add3A_130 = arith.constant 32 : i32
      %add3A_131 = arith.addi %mul3A_129, %add3A_130 : i32
      %get3A_132 = arith.index_cast %add3A_131 : i32 to index
      %get3A_133 = tpu.vector_load %arg4[%get3A_132] {strides = array<i32>} : memref<10000xi32, #tpu.memory_space<vmem>>, vector<16xi32>,
      %get3A_134 = vector.shape_cast %get3A_133 : vector<16xi32> to vector<16xi32>
      %swap3A_135 = arith.constant 0 : i32
      %swap3A_136 = arith.index_cast %swap3A_135 : i32 to index
      %swap3A_137 = arith.constant 32 : index
      %swap3A_138 = tpu.vector_load %arg5[%swap3A_136, %swap3A_137] {strides = array<i32>} : memref<2x128xi32, #tpu.memory_space<vmem>>, vector<1x16xi32>,
      %swap3A_139 = vector.shape_cast %swap3A_138 : vector<1x16xi32> to vector<16xi32>
      %swap3A_140 = vector.shape_cast %get3A_134 : vector<16xi32> to vector<1x16xi32>
      tpu.vector_store %arg5[%swap3A_136, %swap3A_137], %swap3A_140 {strides = array<i32>} : memref<2x128xi32, #tpu.memory_space<vmem>>, vector<1x16xi32>,
      %mul3A_141 = arith.constant 128 : i32
      %mul3A_142 = arith.muli %add3A_95, %mul3A_141 : i32
      %add3A_143 = arith.constant 48 : i32
      %add3A_144 = arith.addi %mul3A_142, %add3A_143 : i32
      %get3A_145 = arith.index_cast %add3A_144 : i32 to index
      %get3A_146 = tpu.vector_load %arg4[%get3A_145] {strides = array<i32>} : memref<10000xi32, #tpu.memory_space<vmem>>, vector<16xi32>,
      %get3A_147 = vector.shape_cast %get3A_146 : vector<16xi32> to vector<16xi32>
      %swap3A_148 = arith.constant 0 : i32
      %swap3A_149 = arith.index_cast %swap3A_148 : i32 to index
      %swap3A_150 = arith.constant 48 : index
      %swap3A_151 = tpu.vector_load %arg5[%swap3A_149, %swap3A_150] {strides = array<i32>} : memref<2x128xi32, #tpu.memory_space<vmem>>, vector<1x16xi32>,
      %swap3A_152 = vector.shape_cast %swap3A_151 : vector<1x16xi32> to vector<16xi32>
      %swap3A_153 = vector.shape_cast %get3A_147 : vector<16xi32> to vector<1x16xi32>
      tpu.vector_store %arg5[%swap3A_149, %swap3A_150], %swap3A_153 {strides = array<i32>} : memref<2x128xi32, #tpu.memory_space<vmem>>, vector<1x16xi32>,
      %mul3A_154 = arith.constant 128 : i32
      %mul3A_155 = arith.muli %add3A_95, %mul3A_154 : i32
      %add3A_156 = arith.constant 64 : i32
      %add3A_157 = arith.addi %mul3A_155, %add3A_156 : i32
      %get3A_158 = arith.index_cast %add3A_157 : i32 to index
      %get3A_159 = tpu.vector_load %arg4[%get3A_158] {strides = array<i32>} : memref<10000xi32, #tpu.memory_space<vmem>>, vector<16xi32>,
      %get3A_160 = vector.shape_cast %get3A_159 : vector<16xi32> to vector<16xi32>
      %swap3A_161 = arith.constant 0 : i32
      %swap3A_162 = arith.index_cast %swap3A_161 : i32 to index
      %swap3A_163 = arith.constant 64 : index
      %swap3A_164 = tpu.vector_load %arg5[%swap3A_162, %swap3A_163] {strides = array<i32>} : memref<2x128xi32, #tpu.memory_space<vmem>>, vector<1x16xi32>,
      %swap3A_165 = vector.shape_cast %swap3A_164 : vector<1x16xi32> to vector<16xi32>
      %swap3A_166 = vector.shape_cast %get3A_160 : vector<16xi32> to vector<1x16xi32>
      tpu.vector_store %arg5[%swap3A_162, %swap3A_163], %swap3A_166 {strides = array<i32>} : memref<2x128xi32, #tpu.memory_space<vmem>>, vector<1x16xi32>,
      %mul3A_167 = arith.constant 128 : i32
      %mul3A_168 = arith.muli %add3A_95, %mul3A_167 : i32
      %add3A_169 = arith.constant 80 : i32
      %add3A_170 = arith.addi %mul3A_168, %add3A_169 : i32
      %get3A_171 = arith.index_cast %add3A_170 : i32 to index
      %get3A_172 = tpu.vector_load %arg4[%get3A_171] {strides = array<i32>} : memref<10000xi32, #tpu.memory_space<vmem>>, vector<16xi32>,
      %get3A_173 = vector.shape_cast %get3A_172 : vector<16xi32> to vector<16xi32>
      %swap3A_174 = arith.constant 0 : i32
      %swap3A_175 = arith.index_cast %swap3A_174 : i32 to index
      %swap3A_176 = arith.constant 80 : index
      %swap3A_177 = tpu.vector_load %arg5[%swap3A_175, %swap3A_176] {strides = array<i32>} : memref<2x128xi32, #tpu.memory_space<vmem>>, vector<1x16xi32>,
      %swap3A_178 = vector.shape_cast %swap3A_177 : vector<1x16xi32> to vector<16xi32>
      %swap3A_179 = vector.shape_cast %get3A_173 : vector<16xi32> to vector<1x16xi32>
      tpu.vector_store %arg5[%swap3A_175, %swap3A_176], %swap3A_179 {strides = array<i32>} : memref<2x128xi32, #tpu.memory_space<vmem>>, vector<1x16xi32>,
      %mul3A_180 = arith.constant 128 : i32
      %mul3A_181 = arith.muli %add3A_95, %mul3A_180 : i32
      %add3A_182 = arith.constant 96 : i32
      %add3A_183 = arith.addi %mul3A_181, %add3A_182 : i32
      %get3A_184 = arith.index_cast %add3A_183 : i32 to index
      %get3A_185 = tpu.vector_load %arg4[%get3A_184] {strides = array<i32>} : memref<10000xi32, #tpu.memory_space<vmem>>, vector<16xi32>,
      %get3A_186 = vector.shape_cast %get3A_185 : vector<16xi32> to vector<16xi32>
      %swap3A_187 = arith.constant 0 : i32
      %swap3A_188 = arith.index_cast %swap3A_187 : i32 to index
      %swap3A_189 = arith.constant 96 : index
      %swap3A_190 = tpu.vector_load %arg5[%swap3A_188, %swap3A_189] {strides = array<i32>} : memref<2x128xi32, #tpu.memory_space<vmem>>, vector<1x16xi32>,
      %swap3A_191 = vector.shape_cast %swap3A_190 : vector<1x16xi32> to vector<16xi32>
      %swap3A_192 = vector.shape_cast %get3A_186 : vector<16xi32> to vector<1x16xi32>
      tpu.vector_store %arg5[%swap3A_188, %swap3A_189], %swap3A_192 {strides = array<i32>} : memref<2x128xi32, #tpu.memory_space<vmem>>, vector<1x16xi32>,
      %mul3A_193 = arith.constant 128 : i32
      %mul3A_194 = arith.muli %add3A_95, %mul3A_193 : i32
      %add3A_195 = arith.constant 112 : i32
      %add3A_196 = arith.addi %mul3A_194, %add3A_195 : i32
      %get3A_197 = arith.index_cast %add3A_196 : i32 to index
      %get3A_198 = tpu.vector_load %arg4[%get3A_197] {strides = array<i32>} : memref<10000xi32, #tpu.memory_space<vmem>>, vector<16xi32>,
      %get3A_199 = vector.shape_cast %get3A_198 : vector<16xi32> to vector<16xi32>
      %swap3A_200 = arith.constant 0 : i32
      %swap3A_201 = arith.index_cast %swap3A_200 : i32 to index
      %swap3A_202 = arith.constant 112 : index
      %swap3A_203 = tpu.vector_load %arg5[%swap3A_201, %swap3A_202] {strides = array<i32>} : memref<2x128xi32, #tpu.memory_space<vmem>>, vector<1x16xi32>,
      %swap3A_204 = vector.shape_cast %swap3A_203 : vector<1x16xi32> to vector<16xi32>
      %swap3A_205 = vector.shape_cast %get3A_199 : vector<16xi32> to vector<1x16xi32>
      tpu.vector_store %arg5[%swap3A_201, %swap3A_202], %swap3A_205 {strides = array<i32>} : memref<2x128xi32, #tpu.memory_space<vmem>>, vector<1x16xi32>,
      %dma_start3A_206 = arith.constant 0 : i32
      %dma_start3A_207 = arith.constant 0 : i32
      %dma_start3A_208 = tpu.memref_slice %arg5[%dma_start3A_206, %dma_start3A_207] : memref<2x128xi32, #tpu.memory_space<vmem>> -> memref<1x128xi32, #tpu.memory_space<vmem>>
      %dma_start3A_209 = tpu.memref_squeeze %dma_start3A_208 : memref<1x128xi32, #tpu.memory_space<vmem>> -> memref<128xi32, #tpu.memory_space<vmem>>
      %dma_start3A_210 = arith.constant 0 : i32
      %dma_start3A_211 = tpu.memref_slice %arg9[%dma_start3A_210] : memref<10240xf32, #tpu.memory_space<vmem_shared>> -> memref<10240xf32, #tpu.memory_space<vmem_shared>>
      tpu.enqueue_indirect_dma source(%arg7 : memref<128xf32, #tpu.memory_space<vmem>>) target(%dma_start3A_211 : memref<10240xf32, #tpu.memory_space<vmem_shared>>) offsets(%dma_start3A_209 : memref<128xi32, #tpu.memory_space<vmem>>) semaphore(%arg10 : memref<!tpu.dma_semaphore, #tpu.memory_space<semaphore_mem>>) {add = true}
      %mul3A_212 = arith.constant 2 : i32
      %mul3A_213 = arith.muli %scan3A_90, %mul3A_212 : i32
      %add3A_214 = arith.constant 1 : i32
      %add3A_215 = arith.addi %mul3A_213, %add3A_214 : i32
      %dma_wait3A_216 = arith.constant 0 : i32
      %dma_wait3A_217 = arith.constant 0 : i32
      %dma_wait3A_218 = tpu.memref_slice %arg5[%dma_wait3A_216, %dma_wait3A_217] : memref<2x128xi32, #tpu.memory_space<vmem>> -> memref<1x128xi32, #tpu.memory_space<vmem>>
      %dma_wait3A_219 = tpu.memref_squeeze %dma_wait3A_218 : memref<1x128xi32, #tpu.memory_space<vmem>> -> memref<128xi32, #tpu.memory_space<vmem>>
      %dma_wait3A_220 = arith.constant 0 : i32
      %dma_wait3A_221 = tpu.memref_slice %arg9[%dma_wait3A_220] : memref<10240xf32, #tpu.memory_space<vmem_shared>> -> memref<10240xf32, #tpu.memory_space<vmem_shared>>
      tpu.wait_indirect_dma semaphore(%arg10 : memref<!tpu.dma_semaphore, #tpu.memory_space<semaphore_mem>>) src(%arg7 : memref<128xf32, #tpu.memory_space<vmem>>) dst(%dma_wait3A_221 : memref<10240xf32, #tpu.memory_space<vmem_shared>>)
      %mul3A_222 = arith.constant 128 : i32
      %mul3A_223 = arith.muli %add3A_215, %mul3A_222 : i32
      %add3A_224 = arith.constant 0 : i32
      %add3A_225 = arith.addi %mul3A_223, %add3A_224 : i32
      %get3A_226 = arith.index_cast %add3A_225 : i32 to index
      %get3A_227 = tpu.vector_load %arg4[%get3A_226] {strides = array<i32>} : memref<10000xi32, #tpu.memory_space<vmem>>, vector<16xi32>,
      %get3A_228 = vector.shape_cast %get3A_227 : vector<16xi32> to vector<16xi32>
      %swap3A_229 = arith.constant 1 : i32
      %swap3A_230 = arith.index_cast %swap3A_229 : i32 to index
      %swap3A_231 = arith.constant 0 : index
      %swap3A_232 = tpu.vector_load %arg5[%swap3A_230, %swap3A_231] {strides = array<i32>} : memref<2x128xi32, #tpu.memory_space<vmem>>, vector<1x16xi32>,
      %swap3A_233 = vector.shape_cast %swap3A_232 : vector<1x16xi32> to vector<16xi32>
      %swap3A_234 = vector.shape_cast %get3A_228 : vector<16xi32> to vector<1x16xi32>
      tpu.vector_store %arg5[%swap3A_230, %swap3A_231], %swap3A_234 {strides = array<i32>} : memref<2x128xi32, #tpu.memory_space<vmem>>, vector<1x16xi32>,
      %mul3A_235 = arith.constant 128 : i32
      %mul3A_236 = arith.muli %add3A_215, %mul3A_235 : i32
      %add3A_237 = arith.constant 16 : i32
      %add3A_238 = arith.addi %mul3A_236, %add3A_237 : i32
      %get3A_239 = arith.index_cast %add3A_238 : i32 to index
      %get3A_240 = tpu.vector_load %arg4[%get3A_239] {strides = array<i32>} : memref<10000xi32, #tpu.memory_space<vmem>>, vector<16xi32>,
      %get3A_241 = vector.shape_cast %get3A_240 : vector<16xi32> to vector<16xi32>
      %swap3A_242 = arith.constant 1 : i32
      %swap3A_243 = arith.index_cast %swap3A_242 : i32 to index
      %swap3A_244 = arith.constant 16 : index
      %swap3A_245 = tpu.vector_load %arg5[%swap3A_243, %swap3A_244] {strides = array<i32>} : memref<2x128xi32, #tpu.memory_space<vmem>>, vector<1x16xi32>,
      %swap3A_246 = vector.shape_cast %swap3A_245 : vector<1x16xi32> to vector<16xi32>
      %swap3A_247 = vector.shape_cast %get3A_241 : vector<16xi32> to vector<1x16xi32>
      tpu.vector_store %arg5[%swap3A_243, %swap3A_244], %swap3A_247 {strides = array<i32>} : memref<2x128xi32, #tpu.memory_space<vmem>>, vector<1x16xi32>,
      %mul3A_248 = arith.constant 128 : i32
      %mul3A_249 = arith.muli %add3A_215, %mul3A_248 : i32
      %add3A_250 = arith.constant 32 : i32
      %add3A_251 = arith.addi %mul3A_249, %add3A_250 : i32
      %get3A_252 = arith.index_cast %add3A_251 : i32 to index
      %get3A_253 = tpu.vector_load %arg4[%get3A_252] {strides = array<i32>} : memref<10000xi32, #tpu.memory_space<vmem>>, vector<16xi32>,
      %get3A_254 = vector.shape_cast %get3A_253 : vector<16xi32> to vector<16xi32>
      %swap3A_255 = arith.constant 1 : i32
      %swap3A_256 = arith.index_cast %swap3A_255 : i32 to index
      %swap3A_257 = arith.constant 32 : index
      %swap3A_258 = tpu.vector_load %arg5[%swap3A_256, %swap3A_257] {strides = array<i32>} : memref<2x128xi32, #tpu.memory_space<vmem>>, vector<1x16xi32>,
      %swap3A_259 = vector.shape_cast %swap3A_258 : vector<1x16xi32> to vector<16xi32>
      %swap3A_260 = vector.shape_cast %get3A_254 : vector<16xi32> to vector<1x16xi32>
      tpu.vector_store %arg5[%swap3A_256, %swap3A_257], %swap3A_260 {strides = array<i32>} : memref<2x128xi32, #tpu.memory_space<vmem>>, vector<1x16xi32>,
      %mul3A_261 = arith.constant 128 : i32
      %mul3A_262 = arith.muli %add3A_215, %mul3A_261 : i32
      %add3A_263 = arith.constant 48 : i32
      %add3A_264 = arith.addi %mul3A_262, %add3A_263 : i32
      %get3A_265 = arith.index_cast %add3A_264 : i32 to index
      %get3A_266 = tpu.vector_load %arg4[%get3A_265] {strides = array<i32>} : memref<10000xi32, #tpu.memory_space<vmem>>, vector<16xi32>,
      %get3A_267 = vector.shape_cast %get3A_266 : vector<16xi32> to vector<16xi32>
      %swap3A_268 = arith.constant 1 : i32
      %swap3A_269 = arith.index_cast %swap3A_268 : i32 to index
      %swap3A_270 = arith.constant 48 : index
      %swap3A_271 = tpu.vector_load %arg5[%swap3A_269, %swap3A_270] {strides = array<i32>} : memref<2x128xi32, #tpu.memory_space<vmem>>, vector<1x16xi32>,
      %swap3A_272 = vector.shape_cast %swap3A_271 : vector<1x16xi32> to vector<16xi32>
      %swap3A_273 = vector.shape_cast %get3A_267 : vector<16xi32> to vector<1x16xi32>
      tpu.vector_store %arg5[%swap3A_269, %swap3A_270], %swap3A_273 {strides = array<i32>} : memref<2x128xi32, #tpu.memory_space<vmem>>, vector<1x16xi32>,
      %mul3A_274 = arith.constant 128 : i32
      %mul3A_275 = arith.muli %add3A_215, %mul3A_274 : i32
      %add3A_276 = arith.constant 64 : i32
      %add3A_277 = arith.addi %mul3A_275, %add3A_276 : i32
      %get3A_278 = arith.index_cast %add3A_277 : i32 to index
      %get3A_279 = tpu.vector_load %arg4[%get3A_278] {strides = array<i32>} : memref<10000xi32, #tpu.memory_space<vmem>>, vector<16xi32>,
      %get3A_280 = vector.shape_cast %get3A_279 : vector<16xi32> to vector<16xi32>
      %swap3A_281 = arith.constant 1 : i32
      %swap3A_282 = arith.index_cast %swap3A_281 : i32 to index
      %swap3A_283 = arith.constant 64 : index
      %swap3A_284 = tpu.vector_load %arg5[%swap3A_282, %swap3A_283] {strides = array<i32>} : memref<2x128xi32, #tpu.memory_space<vmem>>, vector<1x16xi32>,
      %swap3A_285 = vector.shape_cast %swap3A_284 : vector<1x16xi32> to vector<16xi32>
      %swap3A_286 = vector.shape_cast %get3A_280 : vector<16xi32> to vector<1x16xi32>
      tpu.vector_store %arg5[%swap3A_282, %swap3A_283], %swap3A_286 {strides = array<i32>} : memref<2x128xi32, #tpu.memory_space<vmem>>, vector<1x16xi32>,
      %mul3A_287 = arith.constant 128 : i32
      %mul3A_288 = arith.muli %add3A_215, %mul3A_287 : i32
      %add3A_289 = arith.constant 80 : i32
      %add3A_290 = arith.addi %mul3A_288, %add3A_289 : i32
      %get3A_291 = arith.index_cast %add3A_290 : i32 to index
      %get3A_292 = tpu.vector_load %arg4[%get3A_291] {strides = array<i32>} : memref<10000xi32, #tpu.memory_space<vmem>>, vector<16xi32>,
      %get3A_293 = vector.shape_cast %get3A_292 : vector<16xi32> to vector<16xi32>
      %swap3A_294 = arith.constant 1 : i32
      %swap3A_295 = arith.index_cast %swap3A_294 : i32 to index
      %swap3A_296 = arith.constant 80 : index
      %swap3A_297 = tpu.vector_load %arg5[%swap3A_295, %swap3A_296] {strides = array<i32>} : memref<2x128xi32, #tpu.memory_space<vmem>>, vector<1x16xi32>,
      %swap3A_298 = vector.shape_cast %swap3A_297 : vector<1x16xi32> to vector<16xi32>
      %swap3A_299 = vector.shape_cast %get3A_293 : vector<16xi32> to vector<1x16xi32>
      tpu.vector_store %arg5[%swap3A_295, %swap3A_296], %swap3A_299 {strides = array<i32>} : memref<2x128xi32, #tpu.memory_space<vmem>>, vector<1x16xi32>,
      %mul3A_300 = arith.constant 128 : i32
      %mul3A_301 = arith.muli %add3A_215, %mul3A_300 : i32
      %add3A_302 = arith.constant 96 : i32
      %add3A_303 = arith.addi %mul3A_301, %add3A_302 : i32
      %get3A_304 = arith.index_cast %add3A_303 : i32 to index
      %get3A_305 = tpu.vector_load %arg4[%get3A_304] {strides = array<i32>} : memref<10000xi32, #tpu.memory_space<vmem>>, vector<16xi32>,
      %get3A_306 = vector.shape_cast %get3A_305 : vector<16xi32> to vector<16xi32>
      %swap3A_307 = arith.constant 1 : i32
      %swap3A_308 = arith.index_cast %swap3A_307 : i32 to index
      %swap3A_309 = arith.constant 96 : index
      %swap3A_310 = tpu.vector_load %arg5[%swap3A_308, %swap3A_309] {strides = array<i32>} : memref<2x128xi32, #tpu.memory_space<vmem>>, vector<1x16xi32>,
      %swap3A_311 = vector.shape_cast %swap3A_310 : vector<1x16xi32> to vector<16xi32>
      %swap3A_312 = vector.shape_cast %get3A_306 : vector<16xi32> to vector<1x16xi32>
      tpu.vector_store %arg5[%swap3A_308, %swap3A_309], %swap3A_312 {strides = array<i32>} : memref<2x128xi32, #tpu.memory_space<vmem>>, vector<1x16xi32>,
      %mul3A_313 = arith.constant 128 : i32
      %mul3A_314 = arith.muli %add3A_215, %mul3A_313 : i32
      %add3A_315 = arith.constant 112 : i32
      %add3A_316 = arith.addi %mul3A_314, %add3A_315 : i32
      %get3A_317 = arith.index_cast %add3A_316 : i32 to index
      %get3A_318 = tpu.vector_load %arg4[%get3A_317] {strides = array<i32>} : memref<10000xi32, #tpu.memory_space<vmem>>, vector<16xi32>,
      %get3A_319 = vector.shape_cast %get3A_318 : vector<16xi32> to vector<16xi32>
      %swap3A_320 = arith.constant 1 : i32
      %swap3A_321 = arith.index_cast %swap3A_320 : i32 to index
      %swap3A_322 = arith.constant 112 : index
      %swap3A_323 = tpu.vector_load %arg5[%swap3A_321, %swap3A_322] {strides = array<i32>} : memref<2x128xi32, #tpu.memory_space<vmem>>, vector<1x16xi32>,
      %swap3A_324 = vector.shape_cast %swap3A_323 : vector<1x16xi32> to vector<16xi32>
      %swap3A_325 = vector.shape_cast %get3A_319 : vector<16xi32> to vector<1x16xi32>
      tpu.vector_store %arg5[%swap3A_321, %swap3A_322], %swap3A_325 {strides = array<i32>} : memref<2x128xi32, #tpu.memory_space<vmem>>, vector<1x16xi32>,
      %dma_start3A_326 = arith.constant 1 : i32
      %dma_start3A_327 = arith.constant 0 : i32
      %dma_start3A_328 = tpu.memref_slice %arg5[%dma_start3A_326, %dma_start3A_327] : memref<2x128xi32, #tpu.memory_space<vmem>> -> memref<1x128xi32, #tpu.memory_space<vmem>>
      %dma_start3A_329 = tpu.memref_squeeze %dma_start3A_328 : memref<1x128xi32, #tpu.memory_space<vmem>> -> memref<128xi32, #tpu.memory_space<vmem>>
      %dma_start3A_330 = arith.constant 0 : i32
      %dma_start3A_331 = tpu.memref_slice %arg9[%dma_start3A_330] : memref<10240xf32, #tpu.memory_space<vmem_shared>> -> memref<10240xf32, #tpu.memory_space<vmem_shared>>
      tpu.enqueue_indirect_dma source(%arg7 : memref<128xf32, #tpu.memory_space<vmem>>) target(%dma_start3A_331 : memref<10240xf32, #tpu.memory_space<vmem_shared>>) offsets(%dma_start3A_329 : memref<128xi32, #tpu.memory_space<vmem>>) semaphore(%arg11 : memref<!tpu.dma_semaphore, #tpu.memory_space<semaphore_mem>>) {add = true}
      %scan3A_332 = arith.constant 0 : i32
      %scan3A_333 = arith.constant 1 : i32
      %scan3A_334 = arith.addi %scan3A_90, %scan3A_333 : i32
      %mul3A_335 = arith.constant 2 : i32
      %mul3A_336 = arith.muli %scan3A_334, %mul3A_335 : i32
      %add3A_337 = arith.constant 0 : i32
      %add3A_338 = arith.addi %mul3A_336, %add3A_337 : i32
      %dma_wait3A_339 = arith.constant 1 : i32
      %dma_wait3A_340 = arith.constant 0 : i32
      %dma_wait3A_341 = tpu.memref_slice %arg5[%dma_wait3A_339, %dma_wait3A_340] : memref<2x128xi32, #tpu.memory_space<vmem>> -> memref<1x128xi32, #tpu.memory_space<vmem>>
      %dma_wait3A_342 = tpu.memref_squeeze %dma_wait3A_341 : memref<1x128xi32, #tpu.memory_space<vmem>> -> memref<128xi32, #tpu.memory_space<vmem>>
      %dma_wait3A_343 = arith.constant 0 : i32
      %dma_wait3A_344 = tpu.memref_slice %arg9[%dma_wait3A_343] : memref<10240xf32, #tpu.memory_space<vmem_shared>> -> memref<10240xf32, #tpu.memory_space<vmem_shared>>
      tpu.wait_indirect_dma semaphore(%arg11 : memref<!tpu.dma_semaphore, #tpu.memory_space<semaphore_mem>>) src(%arg7 : memref<128xf32, #tpu.memory_space<vmem>>) dst(%dma_wait3A_344 : memref<10240xf32, #tpu.memory_space<vmem_shared>>)
      %mul3A_345 = arith.constant 128 : i32
      %mul3A_346 = arith.muli %add3A_338, %mul3A_345 : i32
      %add3A_347 = arith.constant 0 : i32
      %add3A_348 = arith.addi %mul3A_346, %add3A_347 : i32
      %get3A_349 = arith.index_cast %add3A_348 : i32 to index
      %get3A_350 = tpu.vector_load %arg4[%get3A_349] {strides = array<i32>} : memref<10000xi32, #tpu.memory_space<vmem>>, vector<16xi32>,
      %get3A_351 = vector.shape_cast %get3A_350 : vector<16xi32> to vector<16xi32>
      %swap3A_352 = arith.constant 0 : i32
      %swap3A_353 = arith.index_cast %swap3A_352 : i32 to index
      %swap3A_354 = arith.constant 0 : index
      %swap3A_355 = tpu.vector_load %arg5[%swap3A_353, %swap3A_354] {strides = array<i32>} : memref<2x128xi32, #tpu.memory_space<vmem>>, vector<1x16xi32>,
      %swap3A_356 = vector.shape_cast %swap3A_355 : vector<1x16xi32> to vector<16xi32>
      %swap3A_357 = vector.shape_cast %get3A_351 : vector<16xi32> to vector<1x16xi32>
      tpu.vector_store %arg5[%swap3A_353, %swap3A_354], %swap3A_357 {strides = array<i32>} : memref<2x128xi32, #tpu.memory_space<vmem>>, vector<1x16xi32>,
      %mul3A_358 = arith.constant 128 : i32
      %mul3A_359 = arith.muli %add3A_338, %mul3A_358 : i32
      %add3A_360 = arith.constant 16 : i32
      %add3A_361 = arith.addi %mul3A_359, %add3A_360 : i32
      %get3A_362 = arith.index_cast %add3A_361 : i32 to index
      %get3A_363 = tpu.vector_load %arg4[%get3A_362] {strides = array<i32>} : memref<10000xi32, #tpu.memory_space<vmem>>, vector<16xi32>,
      %get3A_364 = vector.shape_cast %get3A_363 : vector<16xi32> to vector<16xi32>
      %swap3A_365 = arith.constant 0 : i32
      %swap3A_366 = arith.index_cast %swap3A_365 : i32 to index
      %swap3A_367 = arith.constant 16 : index
      %swap3A_368 = tpu.vector_load %arg5[%swap3A_366, %swap3A_367] {strides = array<i32>} : memref<2x128xi32, #tpu.memory_space<vmem>>, vector<1x16xi32>,
      %swap3A_369 = vector.shape_cast %swap3A_368 : vector<1x16xi32> to vector<16xi32>
      %swap3A_370 = vector.shape_cast %get3A_364 : vector<16xi32> to vector<1x16xi32>
      tpu.vector_store %arg5[%swap3A_366, %swap3A_367], %swap3A_370 {strides = array<i32>} : memref<2x128xi32, #tpu.memory_space<vmem>>, vector<1x16xi32>,
      %mul3A_371 = arith.constant 128 : i32
      %mul3A_372 = arith.muli %add3A_338, %mul3A_371 : i32
      %add3A_373 = arith.constant 32 : i32
      %add3A_374 = arith.addi %mul3A_372, %add3A_373 : i32
      %get3A_375 = arith.index_cast %add3A_374 : i32 to index
      %get3A_376 = tpu.vector_load %arg4[%get3A_375] {strides = array<i32>} : memref<10000xi32, #tpu.memory_space<vmem>>, vector<16xi32>,
      %get3A_377 = vector.shape_cast %get3A_376 : vector<16xi32> to vector<16xi32>
      %swap3A_378 = arith.constant 0 : i32
      %swap3A_379 = arith.index_cast %swap3A_378 : i32 to index
      %swap3A_380 = arith.constant 32 : index
      %swap3A_381 = tpu.vector_load %arg5[%swap3A_379, %swap3A_380] {strides = array<i32>} : memref<2x128xi32, #tpu.memory_space<vmem>>, vector<1x16xi32>,
      %swap3A_382 = vector.shape_cast %swap3A_381 : vector<1x16xi32> to vector<16xi32>
      %swap3A_383 = vector.shape_cast %get3A_377 : vector<16xi32> to vector<1x16xi32>
      tpu.vector_store %arg5[%swap3A_379, %swap3A_380], %swap3A_383 {strides = array<i32>} : memref<2x128xi32, #tpu.memory_space<vmem>>, vector<1x16xi32>,
      %mul3A_384 = arith.constant 128 : i32
      %mul3A_385 = arith.muli %add3A_338, %mul3A_384 : i32
      %add3A_386 = arith.constant 48 : i32
      %add3A_387 = arith.addi %mul3A_385, %add3A_386 : i32
      %get3A_388 = arith.index_cast %add3A_387 : i32 to index
      %get3A_389 = tpu.vector_load %arg4[%get3A_388] {strides = array<i32>} : memref<10000xi32, #tpu.memory_space<vmem>>, vector<16xi32>,
      %get3A_390 = vector.shape_cast %get3A_389 : vector<16xi32> to vector<16xi32>
      %swap3A_391 = arith.constant 0 : i32
      %swap3A_392 = arith.index_cast %swap3A_391 : i32 to index
      %swap3A_393 = arith.constant 48 : index
      %swap3A_394 = tpu.vector_load %arg5[%swap3A_392, %swap3A_393] {strides = array<i32>} : memref<2x128xi32, #tpu.memory_space<vmem>>, vector<1x16xi32>,
      %swap3A_395 = vector.shape_cast %swap3A_394 : vector<1x16xi32> to vector<16xi32>
      %swap3A_396 = vector.shape_cast %get3A_390 : vector<16xi32> to vector<1x16xi32>
      tpu.vector_store %arg5[%swap3A_392, %swap3A_393], %swap3A_396 {strides = array<i32>} : memref<2x128xi32, #tpu.memory_space<vmem>>, vector<1x16xi32>,
      %mul3A_397 = arith.constant 128 : i32
      %mul3A_398 = arith.muli %add3A_338, %mul3A_397 : i32
      %add3A_399 = arith.constant 64 : i32
      %add3A_400 = arith.addi %mul3A_398, %add3A_399 : i32
      %get3A_401 = arith.index_cast %add3A_400 : i32 to index
      %get3A_402 = tpu.vector_load %arg4[%get3A_401] {strides = array<i32>} : memref<10000xi32, #tpu.memory_space<vmem>>, vector<16xi32>,
      %get3A_403 = vector.shape_cast %get3A_402 : vector<16xi32> to vector<16xi32>
      %swap3A_404 = arith.constant 0 : i32
      %swap3A_405 = arith.index_cast %swap3A_404 : i32 to index
      %swap3A_406 = arith.constant 64 : index
      %swap3A_407 = tpu.vector_load %arg5[%swap3A_405, %swap3A_406] {strides = array<i32>} : memref<2x128xi32, #tpu.memory_space<vmem>>, vector<1x16xi32>,
      %swap3A_408 = vector.shape_cast %swap3A_407 : vector<1x16xi32> to vector<16xi32>
      %swap3A_409 = vector.shape_cast %get3A_403 : vector<16xi32> to vector<1x16xi32>
      tpu.vector_store %arg5[%swap3A_405, %swap3A_406], %swap3A_409 {strides = array<i32>} : memref<2x128xi32, #tpu.memory_space<vmem>>, vector<1x16xi32>,
      %mul3A_410 = arith.constant 128 : i32
      %mul3A_411 = arith.muli %add3A_338, %mul3A_410 : i32
      %add3A_412 = arith.constant 80 : i32
      %add3A_413 = arith.addi %mul3A_411, %add3A_412 : i32
      %get3A_414 = arith.index_cast %add3A_413 : i32 to index
      %get3A_415 = tpu.vector_load %arg4[%get3A_414] {strides = array<i32>} : memref<10000xi32, #tpu.memory_space<vmem>>, vector<16xi32>,
      %get3A_416 = vector.shape_cast %get3A_415 : vector<16xi32> to vector<16xi32>
      %swap3A_417 = arith.constant 0 : i32
      %swap3A_418 = arith.index_cast %swap3A_417 : i32 to index
      %swap3A_419 = arith.constant 80 : index
      %swap3A_420 = tpu.vector_load %arg5[%swap3A_418, %swap3A_419] {strides = array<i32>} : memref<2x128xi32, #tpu.memory_space<vmem>>, vector<1x16xi32>,
      %swap3A_421 = vector.shape_cast %swap3A_420 : vector<1x16xi32> to vector<16xi32>
      %swap3A_422 = vector.shape_cast %get3A_416 : vector<16xi32> to vector<1x16xi32>
      tpu.vector_store %arg5[%swap3A_418, %swap3A_419], %swap3A_422 {strides = array<i32>} : memref<2x128xi32, #tpu.memory_space<vmem>>, vector<1x16xi32>,
      %mul3A_423 = arith.constant 128 : i32
      %mul3A_424 = arith.muli %add3A_338, %mul3A_423 : i32
      %add3A_425 = arith.constant 96 : i32
      %add3A_426 = arith.addi %mul3A_424, %add3A_425 : i32
      %get3A_427 = arith.index_cast %add3A_426 : i32 to index
      %get3A_428 = tpu.vector_load %arg4[%get3A_427] {strides = array<i32>} : memref<10000xi32, #tpu.memory_space<vmem>>, vector<16xi32>,
      %get3A_429 = vector.shape_cast %get3A_428 : vector<16xi32> to vector<16xi32>
      %swap3A_430 = arith.constant 0 : i32
      %swap3A_431 = arith.index_cast %swap3A_430 : i32 to index
      %swap3A_432 = arith.constant 96 : index
      %swap3A_433 = tpu.vector_load %arg5[%swap3A_431, %swap3A_432] {strides = array<i32>} : memref<2x128xi32, #tpu.memory_space<vmem>>, vector<1x16xi32>,
      %swap3A_434 = vector.shape_cast %swap3A_433 : vector<1x16xi32> to vector<16xi32>
      %swap3A_435 = vector.shape_cast %get3A_429 : vector<16xi32> to vector<1x16xi32>
      tpu.vector_store %arg5[%swap3A_431, %swap3A_432], %swap3A_435 {strides = array<i32>} : memref<2x128xi32, #tpu.memory_space<vmem>>, vector<1x16xi32>,
      %mul3A_436 = arith.constant 128 : i32
      %mul3A_437 = arith.muli %add3A_338, %mul3A_436 : i32
      %add3A_438 = arith.constant 112 : i32
      %add3A_439 = arith.addi %mul3A_437, %add3A_438 : i32
      %get3A_440 = arith.index_cast %add3A_439 : i32 to index
      %get3A_441 = tpu.vector_load %arg4[%get3A_440] {strides = array<i32>} : memref<10000xi32, #tpu.memory_space<vmem>>, vector<16xi32>,
      %get3A_442 = vector.shape_cast %get3A_441 : vector<16xi32> to vector<16xi32>
      %swap3A_443 = arith.constant 0 : i32
      %swap3A_444 = arith.index_cast %swap3A_443 : i32 to index
      %swap3A_445 = arith.constant 112 : index
      %swap3A_446 = tpu.vector_load %arg5[%swap3A_444, %swap3A_445] {strides = array<i32>} : memref<2x128xi32, #tpu.memory_space<vmem>>, vector<1x16xi32>,
      %swap3A_447 = vector.shape_cast %swap3A_446 : vector<1x16xi32> to vector<16xi32>
      %swap3A_448 = vector.shape_cast %get3A_442 : vector<16xi32> to vector<1x16xi32>
      tpu.vector_store %arg5[%swap3A_444, %swap3A_445], %swap3A_448 {strides = array<i32>} : memref<2x128xi32, #tpu.memory_space<vmem>>, vector<1x16xi32>,
      %dma_start3A_449 = arith.constant 0 : i32
      %dma_start3A_450 = arith.constant 0 : i32
      %dma_start3A_451 = tpu.memref_slice %arg5[%dma_start3A_449, %dma_start3A_450] : memref<2x128xi32, #tpu.memory_space<vmem>> -> memref<1x128xi32, #tpu.memory_space<vmem>>
      %dma_start3A_452 = tpu.memref_squeeze %dma_start3A_451 : memref<1x128xi32, #tpu.memory_space<vmem>> -> memref<128xi32, #tpu.memory_space<vmem>>
      %dma_start3A_453 = arith.constant 0 : i32
      %dma_start3A_454 = tpu.memref_slice %arg9[%dma_start3A_453] : memref<10240xf32, #tpu.memory_space<vmem_shared>> -> memref<10240xf32, #tpu.memory_space<vmem_shared>>
      tpu.enqueue_indirect_dma source(%arg7 : memref<128xf32, #tpu.memory_space<vmem>>) target(%dma_start3A_454 : memref<10240xf32, #tpu.memory_space<vmem_shared>>) offsets(%dma_start3A_452 : memref<128xi32, #tpu.memory_space<vmem>>) semaphore(%arg10 : memref<!tpu.dma_semaphore, #tpu.memory_space<semaphore_mem>>) {add = true}
      %mul3A_455 = arith.constant 2 : i32
      %mul3A_456 = arith.muli %scan3A_334, %mul3A_455 : i32
      %add3A_457 = arith.constant 1 : i32
      %add3A_458 = arith.addi %mul3A_456, %add3A_457 : i32
      %dma_wait3A_459 = arith.constant 0 : i32
      %dma_wait3A_460 = arith.constant 0 : i32
      %dma_wait3A_461 = tpu.memref_slice %arg5[%dma_wait3A_459, %dma_wait3A_460] : memref<2x128xi32, #tpu.memory_space<vmem>> -> memref<1x128xi32, #tpu.memory_space<vmem>>
      %dma_wait3A_462 = tpu.memref_squeeze %dma_wait3A_461 : memref<1x128xi32, #tpu.memory_space<vmem>> -> memref<128xi32, #tpu.memory_space<vmem>>
      %dma_wait3A_463 = arith.constant 0 : i32
      %dma_wait3A_464 = tpu.memref_slice %arg9[%dma_wait3A_463] : memref<10240xf32, #tpu.memory_space<vmem_shared>> -> memref<10240xf32, #tpu.memory_space<vmem_shared>>
      tpu.wait_indirect_dma semaphore(%arg10 : memref<!tpu.dma_semaphore, #tpu.memory_space<semaphore_mem>>) src(%arg7 : memref<128xf32, #tpu.memory_space<vmem>>) dst(%dma_wait3A_464 : memref<10240xf32, #tpu.memory_space<vmem_shared>>)
      %mul3A_465 = arith.constant 128 : i32
      %mul3A_466 = arith.muli %add3A_458, %mul3A_465 : i32
      %add3A_467 = arith.constant 0 : i32
      %add3A_468 = arith.addi %mul3A_466, %add3A_467 : i32
      %get3A_469 = arith.index_cast %add3A_468 : i32 to index
      %get3A_470 = tpu.vector_load %arg4[%get3A_469] {strides = array<i32>} : memref<10000xi32, #tpu.memory_space<vmem>>, vector<16xi32>,
      %get3A_471 = vector.shape_cast %get3A_470 : vector<16xi32> to vector<16xi32>
      %swap3A_472 = arith.constant 1 : i32
      %swap3A_473 = arith.index_cast %swap3A_472 : i32 to index
      %swap3A_474 = arith.constant 0 : index
      %swap3A_475 = tpu.vector_load %arg5[%swap3A_473, %swap3A_474] {strides = array<i32>} : memref<2x128xi32, #tpu.memory_space<vmem>>, vector<1x16xi32>,
      %swap3A_476 = vector.shape_cast %swap3A_475 : vector<1x16xi32> to vector<16xi32>
      %swap3A_477 = vector.shape_cast %get3A_471 : vector<16xi32> to vector<1x16xi32>
      tpu.vector_store %arg5[%swap3A_473, %swap3A_474], %swap3A_477 {strides = array<i32>} : memref<2x128xi32, #tpu.memory_space<vmem>>, vector<1x16xi32>,
      %mul3A_478 = arith.constant 128 : i32
      %mul3A_479 = arith.muli %add3A_458, %mul3A_478 : i32
      %add3A_480 = arith.constant 16 : i32
      %add3A_481 = arith.addi %mul3A_479, %add3A_480 : i32
      %get3A_482 = arith.index_cast %add3A_481 : i32 to index
      %get3A_483 = tpu.vector_load %arg4[%get3A_482] {strides = array<i32>} : memref<10000xi32, #tpu.memory_space<vmem>>, vector<16xi32>,
      %get3A_484 = vector.shape_cast %get3A_483 : vector<16xi32> to vector<16xi32>
      %swap3A_485 = arith.constant 1 : i32
      %swap3A_486 = arith.index_cast %swap3A_485 : i32 to index
      %swap3A_487 = arith.constant 16 : index
      %swap3A_488 = tpu.vector_load %arg5[%swap3A_486, %swap3A_487] {strides = array<i32>} : memref<2x128xi32, #tpu.memory_space<vmem>>, vector<1x16xi32>,
      %swap3A_489 = vector.shape_cast %swap3A_488 : vector<1x16xi32> to vector<16xi32>
      %swap3A_490 = vector.shape_cast %get3A_484 : vector<16xi32> to vector<1x16xi32>
      tpu.vector_store %arg5[%swap3A_486, %swap3A_487], %swap3A_490 {strides = array<i32>} : memref<2x128xi32, #tpu.memory_space<vmem>>, vector<1x16xi32>,
      %mul3A_491 = arith.constant 128 : i32
      %mul3A_492 = arith.muli %add3A_458, %mul3A_491 : i32
      %add3A_493 = arith.constant 32 : i32
      %add3A_494 = arith.addi %mul3A_492, %add3A_493 : i32
      %get3A_495 = arith.index_cast %add3A_494 : i32 to index
      %get3A_496 = tpu.vector_load %arg4[%get3A_495] {strides = array<i32>} : memref<10000xi32, #tpu.memory_space<vmem>>, vector<16xi32>,
      %get3A_497 = vector.shape_cast %get3A_496 : vector<16xi32> to vector<16xi32>
      %swap3A_498 = arith.constant 1 : i32
      %swap3A_499 = arith.index_cast %swap3A_498 : i32 to index
      %swap3A_500 = arith.constant 32 : index
      %swap3A_501 = tpu.vector_load %arg5[%swap3A_499, %swap3A_500] {strides = array<i32>} : memref<2x128xi32, #tpu.memory_space<vmem>>, vector<1x16xi32>,
      %swap3A_502 = vector.shape_cast %swap3A_501 : vector<1x16xi32> to vector<16xi32>
      %swap3A_503 = vector.shape_cast %get3A_497 : vector<16xi32> to vector<1x16xi32>
      tpu.vector_store %arg5[%swap3A_499, %swap3A_500], %swap3A_503 {strides = array<i32>} : memref<2x128xi32, #tpu.memory_space<vmem>>, vector<1x16xi32>,
      %mul3A_504 = arith.constant 128 : i32
      %mul3A_505 = arith.muli %add3A_458, %mul3A_504 : i32
      %add3A_506 = arith.constant 48 : i32
      %add3A_507 = arith.addi %mul3A_505, %add3A_506 : i32
      %get3A_508 = arith.index_cast %add3A_507 : i32 to index
      %get3A_509 = tpu.vector_load %arg4[%get3A_508] {strides = array<i32>} : memref<10000xi32, #tpu.memory_space<vmem>>, vector<16xi32>,
      %get3A_510 = vector.shape_cast %get3A_509 : vector<16xi32> to vector<16xi32>
      %swap3A_511 = arith.constant 1 : i32
      %swap3A_512 = arith.index_cast %swap3A_511 : i32 to index
      %swap3A_513 = arith.constant 48 : index
      %swap3A_514 = tpu.vector_load %arg5[%swap3A_512, %swap3A_513] {strides = array<i32>} : memref<2x128xi32, #tpu.memory_space<vmem>>, vector<1x16xi32>,
      %swap3A_515 = vector.shape_cast %swap3A_514 : vector<1x16xi32> to vector<16xi32>
      %swap3A_516 = vector.shape_cast %get3A_510 : vector<16xi32> to vector<1x16xi32>
      tpu.vector_store %arg5[%swap3A_512, %swap3A_513], %swap3A_516 {strides = array<i32>} : memref<2x128xi32, #tpu.memory_space<vmem>>, vector<1x16xi32>,
      %mul3A_517 = arith.constant 128 : i32
      %mul3A_518 = arith.muli %add3A_458, %mul3A_517 : i32
      %add3A_519 = arith.constant 64 : i32
      %add3A_520 = arith.addi %mul3A_518, %add3A_519 : i32
      %get3A_521 = arith.index_cast %add3A_520 : i32 to index
      %get3A_522 = tpu.vector_load %arg4[%get3A_521] {strides = array<i32>} : memref<10000xi32, #tpu.memory_space<vmem>>, vector<16xi32>,
      %get3A_523 = vector.shape_cast %get3A_522 : vector<16xi32> to vector<16xi32>
      %swap3A_524 = arith.constant 1 : i32
      %swap3A_525 = arith.index_cast %swap3A_524 : i32 to index
      %swap3A_526 = arith.constant 64 : index
      %swap3A_527 = tpu.vector_load %arg5[%swap3A_525, %swap3A_526] {strides = array<i32>} : memref<2x128xi32, #tpu.memory_space<vmem>>, vector<1x16xi32>,
      %swap3A_528 = vector.shape_cast %swap3A_527 : vector<1x16xi32> to vector<16xi32>
      %swap3A_529 = vector.shape_cast %get3A_523 : vector<16xi32> to vector<1x16xi32>
      tpu.vector_store %arg5[%swap3A_525, %swap3A_526], %swap3A_529 {strides = array<i32>} : memref<2x128xi32, #tpu.memory_space<vmem>>, vector<1x16xi32>,
      %mul3A_530 = arith.constant 128 : i32
      %mul3A_531 = arith.muli %add3A_458, %mul3A_530 : i32
      %add3A_532 = arith.constant 80 : i32
      %add3A_533 = arith.addi %mul3A_531, %add3A_532 : i32
      %get3A_534 = arith.index_cast %add3A_533 : i32 to index
      %get3A_535 = tpu.vector_load %arg4[%get3A_534] {strides = array<i32>} : memref<10000xi32, #tpu.memory_space<vmem>>, vector<16xi32>,
      %get3A_536 = vector.shape_cast %get3A_535 : vector<16xi32> to vector<16xi32>
      %swap3A_537 = arith.constant 1 : i32
      %swap3A_538 = arith.index_cast %swap3A_537 : i32 to index
      %swap3A_539 = arith.constant 80 : index
      %swap3A_540 = tpu.vector_load %arg5[%swap3A_538, %swap3A_539] {strides = array<i32>} : memref<2x128xi32, #tpu.memory_space<vmem>>, vector<1x16xi32>,
      %swap3A_541 = vector.shape_cast %swap3A_540 : vector<1x16xi32> to vector<16xi32>
      %swap3A_542 = vector.shape_cast %get3A_536 : vector<16xi32> to vector<1x16xi32>
      tpu.vector_store %arg5[%swap3A_538, %swap3A_539], %swap3A_542 {strides = array<i32>} : memref<2x128xi32, #tpu.memory_space<vmem>>, vector<1x16xi32>,
      %mul3A_543 = arith.constant 128 : i32
      %mul3A_544 = arith.muli %add3A_458, %mul3A_543 : i32
      %add3A_545 = arith.constant 96 : i32
      %add3A_546 = arith.addi %mul3A_544, %add3A_545 : i32
      %get3A_547 = arith.index_cast %add3A_546 : i32 to index
      %get3A_548 = tpu.vector_load %arg4[%get3A_547] {strides = array<i32>} : memref<10000xi32, #tpu.memory_space<vmem>>, vector<16xi32>,
      %get3A_549 = vector.shape_cast %get3A_548 : vector<16xi32> to vector<16xi32>
      %swap3A_550 = arith.constant 1 : i32
      %swap3A_551 = arith.index_cast %swap3A_550 : i32 to index
      %swap3A_552 = arith.constant 96 : index
      %swap3A_553 = tpu.vector_load %arg5[%swap3A_551, %swap3A_552] {strides = array<i32>} : memref<2x128xi32, #tpu.memory_space<vmem>>, vector<1x16xi32>,
      %swap3A_554 = vector.shape_cast %swap3A_553 : vector<1x16xi32> to vector<16xi32>
      %swap3A_555 = vector.shape_cast %get3A_549 : vector<16xi32> to vector<1x16xi32>
      tpu.vector_store %arg5[%swap3A_551, %swap3A_552], %swap3A_555 {strides = array<i32>} : memref<2x128xi32, #tpu.memory_space<vmem>>, vector<1x16xi32>,
      %mul3A_556 = arith.constant 128 : i32
      %mul3A_557 = arith.muli %add3A_458, %mul3A_556 : i32
      %add3A_558 = arith.constant 112 : i32
      %add3A_559 = arith.addi %mul3A_557, %add3A_558 : i32
      %get3A_560 = arith.index_cast %add3A_559 : i32 to index
      %get3A_561 = tpu.vector_load %arg4[%get3A_560] {strides = array<i32>} : memref<10000xi32, #tpu.memory_space<vmem>>, vector<16xi32>,
      %get3A_562 = vector.shape_cast %get3A_561 : vector<16xi32> to vector<16xi32>
      %swap3A_563 = arith.constant 1 : i32
      %swap3A_564 = arith.index_cast %swap3A_563 : i32 to index
      %swap3A_565 = arith.constant 112 : index
      %swap3A_566 = tpu.vector_load %arg5[%swap3A_564, %swap3A_565] {strides = array<i32>} : memref<2x128xi32, #tpu.memory_space<vmem>>, vector<1x16xi32>,
      %swap3A_567 = vector.shape_cast %swap3A_566 : vector<1x16xi32> to vector<16xi32>
      %swap3A_568 = vector.shape_cast %get3A_562 : vector<16xi32> to vector<1x16xi32>
      tpu.vector_store %arg5[%swap3A_564, %swap3A_565], %swap3A_568 {strides = array<i32>} : memref<2x128xi32, #tpu.memory_space<vmem>>, vector<1x16xi32>,
      %dma_start3A_569 = arith.constant 1 : i32
      %dma_start3A_570 = arith.constant 0 : i32
      %dma_start3A_571 = tpu.memref_slice %arg5[%dma_start3A_569, %dma_start3A_570] : memref<2x128xi32, #tpu.memory_space<vmem>> -> memref<1x128xi32, #tpu.memory_space<vmem>>
      %dma_start3A_572 = tpu.memref_squeeze %dma_start3A_571 : memref<1x128xi32, #tpu.memory_space<vmem>> -> memref<128xi32, #tpu.memory_space<vmem>>
      %dma_start3A_573 = arith.constant 0 : i32
      %dma_start3A_574 = tpu.memref_slice %arg9[%dma_start3A_573] : memref<10240xf32, #tpu.memory_space<vmem_shared>> -> memref<10240xf32, #tpu.memory_space<vmem_shared>>
      tpu.enqueue_indirect_dma source(%arg7 : memref<128xf32, #tpu.memory_space<vmem>>) target(%dma_start3A_574 : memref<10240xf32, #tpu.memory_space<vmem_shared>>) offsets(%dma_start3A_572 : memref<128xi32, #tpu.memory_space<vmem>>) semaphore(%arg11 : memref<!tpu.dma_semaphore, #tpu.memory_space<semaphore_mem>>) {add = true}
      %scan3A_575 = arith.constant 0 : i32
      %scan3A_576 = arith.constant 2 : i32
      %scan3A_577 = arith.addi %scan3A_90, %scan3A_576 : i32
      %mul3A_578 = arith.constant 2 : i32
      %mul3A_579 = arith.muli %scan3A_577, %mul3A_578 : i32
      %add3A_580 = arith.constant 0 : i32
      %add3A_581 = arith.addi %mul3A_579, %add3A_580 : i32
      %dma_wait3A_582 = arith.constant 1 : i32
      %dma_wait3A_583 = arith.constant 0 : i32
      %dma_wait3A_584 = tpu.memref_slice %arg5[%dma_wait3A_582, %dma_wait3A_583] : memref<2x128xi32, #tpu.memory_space<vmem>> -> memref<1x128xi32, #tpu.memory_space<vmem>>
      %dma_wait3A_585 = tpu.memref_squeeze %dma_wait3A_584 : memref<1x128xi32, #tpu.memory_space<vmem>> -> memref<128xi32, #tpu.memory_space<vmem>>
      %dma_wait3A_586 = arith.constant 0 : i32
      %dma_wait3A_587 = tpu.memref_slice %arg9[%dma_wait3A_586] : memref<10240xf32, #tpu.memory_space<vmem_shared>> -> memref<10240xf32, #tpu.memory_space<vmem_shared>>
      tpu.wait_indirect_dma semaphore(%arg11 : memref<!tpu.dma_semaphore, #tpu.memory_space<semaphore_mem>>) src(%arg7 : memref<128xf32, #tpu.memory_space<vmem>>) dst(%dma_wait3A_587 : memref<10240xf32, #tpu.memory_space<vmem_shared>>)
      %mul3A_588 = arith.constant 128 : i32
      %mul3A_589 = arith.muli %add3A_581, %mul3A_588 : i32
      %add3A_590 = arith.constant 0 : i32
      %add3A_591 = arith.addi %mul3A_589, %add3A_590 : i32
      %get3A_592 = arith.index_cast %add3A_591 : i32 to index
      %get3A_593 = tpu.vector_load %arg4[%get3A_592] {strides = array<i32>} : memref<10000xi32, #tpu.memory_space<vmem>>, vector<16xi32>,
      %get3A_594 = vector.shape_cast %get3A_593 : vector<16xi32> to vector<16xi32>
      %swap3A_595 = arith.constant 0 : i32
      %swap3A_596 = arith.index_cast %swap3A_595 : i32 to index
      %swap3A_597 = arith.constant 0 : index
      %swap3A_598 = tpu.vector_load %arg5[%swap3A_596, %swap3A_597] {strides = array<i32>} : memref<2x128xi32, #tpu.memory_space<vmem>>, vector<1x16xi32>,
      %swap3A_599 = vector.shape_cast %swap3A_598 : vector<1x16xi32> to vector<16xi32>
      %swap3A_600 = vector.shape_cast %get3A_594 : vector<16xi32> to vector<1x16xi32>
      tpu.vector_store %arg5[%swap3A_596, %swap3A_597], %swap3A_600 {strides = array<i32>} : memref<2x128xi32, #tpu.memory_space<vmem>>, vector<1x16xi32>,
      %mul3A_601 = arith.constant 128 : i32
      %mul3A_602 = arith.muli %add3A_581, %mul3A_601 : i32
      %add3A_603 = arith.constant 16 : i32
      %add3A_604 = arith.addi %mul3A_602, %add3A_603 : i32
      %get3A_605 = arith.index_cast %add3A_604 : i32 to index
      %get3A_606 = tpu.vector_load %arg4[%get3A_605] {strides = array<i32>} : memref<10000xi32, #tpu.memory_space<vmem>>, vector<16xi32>,
      %get3A_607 = vector.shape_cast %get3A_606 : vector<16xi32> to vector<16xi32>
      %swap3A_608 = arith.constant 0 : i32
      %swap3A_609 = arith.index_cast %swap3A_608 : i32 to index
      %swap3A_610 = arith.constant 16 : index
      %swap3A_611 = tpu.vector_load %arg5[%swap3A_609, %swap3A_610] {strides = array<i32>} : memref<2x128xi32, #tpu.memory_space<vmem>>, vector<1x16xi32>,
      %swap3A_612 = vector.shape_cast %swap3A_611 : vector<1x16xi32> to vector<16xi32>
      %swap3A_613 = vector.shape_cast %get3A_607 : vector<16xi32> to vector<1x16xi32>
      tpu.vector_store %arg5[%swap3A_609, %swap3A_610], %swap3A_613 {strides = array<i32>} : memref<2x128xi32, #tpu.memory_space<vmem>>, vector<1x16xi32>,
      %mul3A_614 = arith.constant 128 : i32
      %mul3A_615 = arith.muli %add3A_581, %mul3A_614 : i32
      %add3A_616 = arith.constant 32 : i32
      %add3A_617 = arith.addi %mul3A_615, %add3A_616 : i32
      %get3A_618 = arith.index_cast %add3A_617 : i32 to index
      %get3A_619 = tpu.vector_load %arg4[%get3A_618] {strides = array<i32>} : memref<10000xi32, #tpu.memory_space<vmem>>, vector<16xi32>,
      %get3A_620 = vector.shape_cast %get3A_619 : vector<16xi32> to vector<16xi32>
      %swap3A_621 = arith.constant 0 : i32
      %swap3A_622 = arith.index_cast %swap3A_621 : i32 to index
      %swap3A_623 = arith.constant 32 : index
      %swap3A_624 = tpu.vector_load %arg5[%swap3A_622, %swap3A_623] {strides = array<i32>} : memref<2x128xi32, #tpu.memory_space<vmem>>, vector<1x16xi32>,
      %swap3A_625 = vector.shape_cast %swap3A_624 : vector<1x16xi32> to vector<16xi32>
      %swap3A_626 = vector.shape_cast %get3A_620 : vector<16xi32> to vector<1x16xi32>
      tpu.vector_store %arg5[%swap3A_622, %swap3A_623], %swap3A_626 {strides = array<i32>} : memref<2x128xi32, #tpu.memory_space<vmem>>, vector<1x16xi32>,
      %mul3A_627 = arith.constant 128 : i32
      %mul3A_628 = arith.muli %add3A_581, %mul3A_627 : i32
      %add3A_629 = arith.constant 48 : i32
      %add3A_630 = arith.addi %mul3A_628, %add3A_629 : i32
      %get3A_631 = arith.index_cast %add3A_630 : i32 to index
      %get3A_632 = tpu.vector_load %arg4[%get3A_631] {strides = array<i32>} : memref<10000xi32, #tpu.memory_space<vmem>>, vector<16xi32>,
      %get3A_633 = vector.shape_cast %get3A_632 : vector<16xi32> to vector<16xi32>
      %swap3A_634 = arith.constant 0 : i32
      %swap3A_635 = arith.index_cast %swap3A_634 : i32 to index
      %swap3A_636 = arith.constant 48 : index
      %swap3A_637 = tpu.vector_load %arg5[%swap3A_635, %swap3A_636] {strides = array<i32>} : memref<2x128xi32, #tpu.memory_space<vmem>>, vector<1x16xi32>,
      %swap3A_638 = vector.shape_cast %swap3A_637 : vector<1x16xi32> to vector<16xi32>
      %swap3A_639 = vector.shape_cast %get3A_633 : vector<16xi32> to vector<1x16xi32>
      tpu.vector_store %arg5[%swap3A_635, %swap3A_636], %swap3A_639 {strides = array<i32>} : memref<2x128xi32, #tpu.memory_space<vmem>>, vector<1x16xi32>,
      %mul3A_640 = arith.constant 128 : i32
      %mul3A_641 = arith.muli %add3A_581, %mul3A_640 : i32
      %add3A_642 = arith.constant 64 : i32
      %add3A_643 = arith.addi %mul3A_641, %add3A_642 : i32
      %get3A_644 = arith.index_cast %add3A_643 : i32 to index
      %get3A_645 = tpu.vector_load %arg4[%get3A_644] {strides = array<i32>} : memref<10000xi32, #tpu.memory_space<vmem>>, vector<16xi32>,
      %get3A_646 = vector.shape_cast %get3A_645 : vector<16xi32> to vector<16xi32>
      %swap3A_647 = arith.constant 0 : i32
      %swap3A_648 = arith.index_cast %swap3A_647 : i32 to index
      %swap3A_649 = arith.constant 64 : index
      %swap3A_650 = tpu.vector_load %arg5[%swap3A_648, %swap3A_649] {strides = array<i32>} : memref<2x128xi32, #tpu.memory_space<vmem>>, vector<1x16xi32>,
      %swap3A_651 = vector.shape_cast %swap3A_650 : vector<1x16xi32> to vector<16xi32>
      %swap3A_652 = vector.shape_cast %get3A_646 : vector<16xi32> to vector<1x16xi32>
      tpu.vector_store %arg5[%swap3A_648, %swap3A_649], %swap3A_652 {strides = array<i32>} : memref<2x128xi32, #tpu.memory_space<vmem>>, vector<1x16xi32>,
      %mul3A_653 = arith.constant 128 : i32
      %mul3A_654 = arith.muli %add3A_581, %mul3A_653 : i32
      %add3A_655 = arith.constant 80 : i32
      %add3A_656 = arith.addi %mul3A_654, %add3A_655 : i32
      %get3A_657 = arith.index_cast %add3A_656 : i32 to index
      %get3A_658 = tpu.vector_load %arg4[%get3A_657] {strides = array<i32>} : memref<10000xi32, #tpu.memory_space<vmem>>, vector<16xi32>,
      %get3A_659 = vector.shape_cast %get3A_658 : vector<16xi32> to vector<16xi32>
      %swap3A_660 = arith.constant 0 : i32
      %swap3A_661 = arith.index_cast %swap3A_660 : i32 to index
      %swap3A_662 = arith.constant 80 : index
      %swap3A_663 = tpu.vector_load %arg5[%swap3A_661, %swap3A_662] {strides = array<i32>} : memref<2x128xi32, #tpu.memory_space<vmem>>, vector<1x16xi32>,
      %swap3A_664 = vector.shape_cast %swap3A_663 : vector<1x16xi32> to vector<16xi32>
      %swap3A_665 = vector.shape_cast %get3A_659 : vector<16xi32> to vector<1x16xi32>
      tpu.vector_store %arg5[%swap3A_661, %swap3A_662], %swap3A_665 {strides = array<i32>} : memref<2x128xi32, #tpu.memory_space<vmem>>, vector<1x16xi32>,
      %mul3A_666 = arith.constant 128 : i32
      %mul3A_667 = arith.muli %add3A_581, %mul3A_666 : i32
      %add3A_668 = arith.constant 96 : i32
      %add3A_669 = arith.addi %mul3A_667, %add3A_668 : i32
      %get3A_670 = arith.index_cast %add3A_669 : i32 to index
      %get3A_671 = tpu.vector_load %arg4[%get3A_670] {strides = array<i32>} : memref<10000xi32, #tpu.memory_space<vmem>>, vector<16xi32>,
      %get3A_672 = vector.shape_cast %get3A_671 : vector<16xi32> to vector<16xi32>
      %swap3A_673 = arith.constant 0 : i32
      %swap3A_674 = arith.index_cast %swap3A_673 : i32 to index
      %swap3A_675 = arith.constant 96 : index
      %swap3A_676 = tpu.vector_load %arg5[%swap3A_674, %swap3A_675] {strides = array<i32>} : memref<2x128xi32, #tpu.memory_space<vmem>>, vector<1x16xi32>,
      %swap3A_677 = vector.shape_cast %swap3A_676 : vector<1x16xi32> to vector<16xi32>
      %swap3A_678 = vector.shape_cast %get3A_672 : vector<16xi32> to vector<1x16xi32>
      tpu.vector_store %arg5[%swap3A_674, %swap3A_675], %swap3A_678 {strides = array<i32>} : memref<2x128xi32, #tpu.memory_space<vmem>>, vector<1x16xi32>,
      %mul3A_679 = arith.constant 128 : i32
      %mul3A_680 = arith.muli %add3A_581, %mul3A_679 : i32
      %add3A_681 = arith.constant 112 : i32
      %add3A_682 = arith.addi %mul3A_680, %add3A_681 : i32
      %get3A_683 = arith.index_cast %add3A_682 : i32 to index
      %get3A_684 = tpu.vector_load %arg4[%get3A_683] {strides = array<i32>} : memref<10000xi32, #tpu.memory_space<vmem>>, vector<16xi32>,
      %get3A_685 = vector.shape_cast %get3A_684 : vector<16xi32> to vector<16xi32>
      %swap3A_686 = arith.constant 0 : i32
      %swap3A_687 = arith.index_cast %swap3A_686 : i32 to index
      %swap3A_688 = arith.constant 112 : index
      %swap3A_689 = tpu.vector_load %arg5[%swap3A_687, %swap3A_688] {strides = array<i32>} : memref<2x128xi32, #tpu.memory_space<vmem>>, vector<1x16xi32>,
      %swap3A_690 = vector.shape_cast %swap3A_689 : vector<1x16xi32> to vector<16xi32>
      %swap3A_691 = vector.shape_cast %get3A_685 : vector<16xi32> to vector<1x16xi32>
      tpu.vector_store %arg5[%swap3A_687, %swap3A_688], %swap3A_691 {strides = array<i32>} : memref<2x128xi32, #tpu.memory_space<vmem>>, vector<1x16xi32>,
      %dma_start3A_692 = arith.constant 0 : i32
      %dma_start3A_693 = arith.constant 0 : i32
      %dma_start3A_694 = tpu.memref_slice %arg5[%dma_start3A_692, %dma_start3A_693] : memref<2x128xi32, #tpu.memory_space<vmem>> -> memref<1x128xi32, #tpu.memory_space<vmem>>
      %dma_start3A_695 = tpu.memref_squeeze %dma_start3A_694 : memref<1x128xi32, #tpu.memory_space<vmem>> -> memref<128xi32, #tpu.memory_space<vmem>>
      %dma_start3A_696 = arith.constant 0 : i32
      %dma_start3A_697 = tpu.memref_slice %arg9[%dma_start3A_696] : memref<10240xf32, #tpu.memory_space<vmem_shared>> -> memref<10240xf32, #tpu.memory_space<vmem_shared>>
      tpu.enqueue_indirect_dma source(%arg7 : memref<128xf32, #tpu.memory_space<vmem>>) target(%dma_start3A_697 : memref<10240xf32, #tpu.memory_space<vmem_shared>>) offsets(%dma_start3A_695 : memref<128xi32, #tpu.memory_space<vmem>>) semaphore(%arg10 : memref<!tpu.dma_semaphore, #tpu.memory_space<semaphore_mem>>) {add = true}
      %mul3A_698 = arith.constant 2 : i32
      %mul3A_699 = arith.muli %scan3A_577, %mul3A_698 : i32
      %add3A_700 = arith.constant 1 : i32
      %add3A_701 = arith.addi %mul3A_699, %add3A_700 : i32
      %dma_wait3A_702 = arith.constant 0 : i32
      %dma_wait3A_703 = arith.constant 0 : i32
      %dma_wait3A_704 = tpu.memref_slice %arg5[%dma_wait3A_702, %dma_wait3A_703] : memref<2x128xi32, #tpu.memory_space<vmem>> -> memref<1x128xi32, #tpu.memory_space<vmem>>
      %dma_wait3A_705 = tpu.memref_squeeze %dma_wait3A_704 : memref<1x128xi32, #tpu.memory_space<vmem>> -> memref<128xi32, #tpu.memory_space<vmem>>
      %dma_wait3A_706 = arith.constant 0 : i32
      %dma_wait3A_707 = tpu.memref_slice %arg9[%dma_wait3A_706] : memref<10240xf32, #tpu.memory_space<vmem_shared>> -> memref<10240xf32, #tpu.memory_space<vmem_shared>>
      tpu.wait_indirect_dma semaphore(%arg10 : memref<!tpu.dma_semaphore, #tpu.memory_space<semaphore_mem>>) src(%arg7 : memref<128xf32, #tpu.memory_space<vmem>>) dst(%dma_wait3A_707 : memref<10240xf32, #tpu.memory_space<vmem_shared>>)
      %mul3A_708 = arith.constant 128 : i32
      %mul3A_709 = arith.muli %add3A_701, %mul3A_708 : i32
      %add3A_710 = arith.constant 0 : i32
      %add3A_711 = arith.addi %mul3A_709, %add3A_710 : i32
      %get3A_712 = arith.index_cast %add3A_711 : i32 to index
      %get3A_713 = tpu.vector_load %arg4[%get3A_712] {strides = array<i32>} : memref<10000xi32, #tpu.memory_space<vmem>>, vector<16xi32>,
      %get3A_714 = vector.shape_cast %get3A_713 : vector<16xi32> to vector<16xi32>
      %swap3A_715 = arith.constant 1 : i32
      %swap3A_716 = arith.index_cast %swap3A_715 : i32 to index
      %swap3A_717 = arith.constant 0 : index
      %swap3A_718 = tpu.vector_load %arg5[%swap3A_716, %swap3A_717] {strides = array<i32>} : memref<2x128xi32, #tpu.memory_space<vmem>>, vector<1x16xi32>,
      %swap3A_719 = vector.shape_cast %swap3A_718 : vector<1x16xi32> to vector<16xi32>
      %swap3A_720 = vector.shape_cast %get3A_714 : vector<16xi32> to vector<1x16xi32>
      tpu.vector_store %arg5[%swap3A_716, %swap3A_717], %swap3A_720 {strides = array<i32>} : memref<2x128xi32, #tpu.memory_space<vmem>>, vector<1x16xi32>,
      %mul3A_721 = arith.constant 128 : i32
      %mul3A_722 = arith.muli %add3A_701, %mul3A_721 : i32
      %add3A_723 = arith.constant 16 : i32
      %add3A_724 = arith.addi %mul3A_722, %add3A_723 : i32
      %get3A_725 = arith.index_cast %add3A_724 : i32 to index
      %get3A_726 = tpu.vector_load %arg4[%get3A_725] {strides = array<i32>} : memref<10000xi32, #tpu.memory_space<vmem>>, vector<16xi32>,
      %get3A_727 = vector.shape_cast %get3A_726 : vector<16xi32> to vector<16xi32>
      %swap3A_728 = arith.constant 1 : i32
      %swap3A_729 = arith.index_cast %swap3A_728 : i32 to index
      %swap3A_730 = arith.constant 16 : index
      %swap3A_731 = tpu.vector_load %arg5[%swap3A_729, %swap3A_730] {strides = array<i32>} : memref<2x128xi32, #tpu.memory_space<vmem>>, vector<1x16xi32>,
      %swap3A_732 = vector.shape_cast %swap3A_731 : vector<1x16xi32> to vector<16xi32>
      %swap3A_733 = vector.shape_cast %get3A_727 : vector<16xi32> to vector<1x16xi32>
      tpu.vector_store %arg5[%swap3A_729, %swap3A_730], %swap3A_733 {strides = array<i32>} : memref<2x128xi32, #tpu.memory_space<vmem>>, vector<1x16xi32>,
      %mul3A_734 = arith.constant 128 : i32
      %mul3A_735 = arith.muli %add3A_701, %mul3A_734 : i32
      %add3A_736 = arith.constant 32 : i32
      %add3A_737 = arith.addi %mul3A_735, %add3A_736 : i32
      %get3A_738 = arith.index_cast %add3A_737 : i32 to index
      %get3A_739 = tpu.vector_load %arg4[%get3A_738] {strides = array<i32>} : memref<10000xi32, #tpu.memory_space<vmem>>, vector<16xi32>,
      %get3A_740 = vector.shape_cast %get3A_739 : vector<16xi32> to vector<16xi32>
      %swap3A_741 = arith.constant 1 : i32
      %swap3A_742 = arith.index_cast %swap3A_741 : i32 to index
      %swap3A_743 = arith.constant 32 : index
      %swap3A_744 = tpu.vector_load %arg5[%swap3A_742, %swap3A_743] {strides = array<i32>} : memref<2x128xi32, #tpu.memory_space<vmem>>, vector<1x16xi32>,
      %swap3A_745 = vector.shape_cast %swap3A_744 : vector<1x16xi32> to vector<16xi32>
      %swap3A_746 = vector.shape_cast %get3A_740 : vector<16xi32> to vector<1x16xi32>
      tpu.vector_store %arg5[%swap3A_742, %swap3A_743], %swap3A_746 {strides = array<i32>} : memref<2x128xi32, #tpu.memory_space<vmem>>, vector<1x16xi32>,
      %mul3A_747 = arith.constant 128 : i32
      %mul3A_748 = arith.muli %add3A_701, %mul3A_747 : i32
      %add3A_749 = arith.constant 48 : i32
      %add3A_750 = arith.addi %mul3A_748, %add3A_749 : i32
      %get3A_751 = arith.index_cast %add3A_750 : i32 to index
      %get3A_752 = tpu.vector_load %arg4[%get3A_751] {strides = array<i32>} : memref<10000xi32, #tpu.memory_space<vmem>>, vector<16xi32>,
      %get3A_753 = vector.shape_cast %get3A_752 : vector<16xi32> to vector<16xi32>
      %swap3A_754 = arith.constant 1 : i32
      %swap3A_755 = arith.index_cast %swap3A_754 : i32 to index
      %swap3A_756 = arith.constant 48 : index
      %swap3A_757 = tpu.vector_load %arg5[%swap3A_755, %swap3A_756] {strides = array<i32>} : memref<2x128xi32, #tpu.memory_space<vmem>>, vector<1x16xi32>,
      %swap3A_758 = vector.shape_cast %swap3A_757 : vector<1x16xi32> to vector<16xi32>
      %swap3A_759 = vector.shape_cast %get3A_753 : vector<16xi32> to vector<1x16xi32>
      tpu.vector_store %arg5[%swap3A_755, %swap3A_756], %swap3A_759 {strides = array<i32>} : memref<2x128xi32, #tpu.memory_space<vmem>>, vector<1x16xi32>,
      %mul3A_760 = arith.constant 128 : i32
      %mul3A_761 = arith.muli %add3A_701, %mul3A_760 : i32
      %add3A_762 = arith.constant 64 : i32
      %add3A_763 = arith.addi %mul3A_761, %add3A_762 : i32
      %get3A_764 = arith.index_cast %add3A_763 : i32 to index
      %get3A_765 = tpu.vector_load %arg4[%get3A_764] {strides = array<i32>} : memref<10000xi32, #tpu.memory_space<vmem>>, vector<16xi32>,
      %get3A_766 = vector.shape_cast %get3A_765 : vector<16xi32> to vector<16xi32>
      %swap3A_767 = arith.constant 1 : i32
      %swap3A_768 = arith.index_cast %swap3A_767 : i32 to index
      %swap3A_769 = arith.constant 64 : index
      %swap3A_770 = tpu.vector_load %arg5[%swap3A_768, %swap3A_769] {strides = array<i32>} : memref<2x128xi32, #tpu.memory_space<vmem>>, vector<1x16xi32>,
      %swap3A_771 = vector.shape_cast %swap3A_770 : vector<1x16xi32> to vector<16xi32>
      %swap3A_772 = vector.shape_cast %get3A_766 : vector<16xi32> to vector<1x16xi32>
      tpu.vector_store %arg5[%swap3A_768, %swap3A_769], %swap3A_772 {strides = array<i32>} : memref<2x128xi32, #tpu.memory_space<vmem>>, vector<1x16xi32>,
      %mul3A_773 = arith.constant 128 : i32
      %mul3A_774 = arith.muli %add3A_701, %mul3A_773 : i32
      %add3A_775 = arith.constant 80 : i32
      %add3A_776 = arith.addi %mul3A_774, %add3A_775 : i32
      %get3A_777 = arith.index_cast %add3A_776 : i32 to index
      %get3A_778 = tpu.vector_load %arg4[%get3A_777] {strides = array<i32>} : memref<10000xi32, #tpu.memory_space<vmem>>, vector<16xi32>,
      %get3A_779 = vector.shape_cast %get3A_778 : vector<16xi32> to vector<16xi32>
      %swap3A_780 = arith.constant 1 : i32
      %swap3A_781 = arith.index_cast %swap3A_780 : i32 to index
      %swap3A_782 = arith.constant 80 : index
      %swap3A_783 = tpu.vector_load %arg5[%swap3A_781, %swap3A_782] {strides = array<i32>} : memref<2x128xi32, #tpu.memory_space<vmem>>, vector<1x16xi32>,
      %swap3A_784 = vector.shape_cast %swap3A_783 : vector<1x16xi32> to vector<16xi32>
      %swap3A_785 = vector.shape_cast %get3A_779 : vector<16xi32> to vector<1x16xi32>
      tpu.vector_store %arg5[%swap3A_781, %swap3A_782], %swap3A_785 {strides = array<i32>} : memref<2x128xi32, #tpu.memory_space<vmem>>, vector<1x16xi32>,
      %mul3A_786 = arith.constant 128 : i32
      %mul3A_787 = arith.muli %add3A_701, %mul3A_786 : i32
      %add3A_788 = arith.constant 96 : i32
      %add3A_789 = arith.addi %mul3A_787, %add3A_788 : i32
      %get3A_790 = arith.index_cast %add3A_789 : i32 to index
      %get3A_791 = tpu.vector_load %arg4[%get3A_790] {strides = array<i32>} : memref<10000xi32, #tpu.memory_space<vmem>>, vector<16xi32>,
      %get3A_792 = vector.shape_cast %get3A_791 : vector<16xi32> to vector<16xi32>
      %swap3A_793 = arith.constant 1 : i32
      %swap3A_794 = arith.index_cast %swap3A_793 : i32 to index
      %swap3A_795 = arith.constant 96 : index
      %swap3A_796 = tpu.vector_load %arg5[%swap3A_794, %swap3A_795] {strides = array<i32>} : memref<2x128xi32, #tpu.memory_space<vmem>>, vector<1x16xi32>,
      %swap3A_797 = vector.shape_cast %swap3A_796 : vector<1x16xi32> to vector<16xi32>
      %swap3A_798 = vector.shape_cast %get3A_792 : vector<16xi32> to vector<1x16xi32>
      tpu.vector_store %arg5[%swap3A_794, %swap3A_795], %swap3A_798 {strides = array<i32>} : memref<2x128xi32, #tpu.memory_space<vmem>>, vector<1x16xi32>,
      %mul3A_799 = arith.constant 128 : i32
      %mul3A_800 = arith.muli %add3A_701, %mul3A_799 : i32
      %add3A_801 = arith.constant 112 : i32
      %add3A_802 = arith.addi %mul3A_800, %add3A_801 : i32
      %get3A_803 = arith.index_cast %add3A_802 : i32 to index
      %get3A_804 = tpu.vector_load %arg4[%get3A_803] {strides = array<i32>} : memref<10000xi32, #tpu.memory_space<vmem>>, vector<16xi32>,
      %get3A_805 = vector.shape_cast %get3A_804 : vector<16xi32> to vector<16xi32>
      %swap3A_806 = arith.constant 1 : i32
      %swap3A_807 = arith.index_cast %swap3A_806 : i32 to index
      %swap3A_808 = arith.constant 112 : index
      %swap3A_809 = tpu.vector_load %arg5[%swap3A_807, %swap3A_808] {strides = array<i32>} : memref<2x128xi32, #tpu.memory_space<vmem>>, vector<1x16xi32>,
      %swap3A_810 = vector.shape_cast %swap3A_809 : vector<1x16xi32> to vector<16xi32>
      %swap3A_811 = vector.shape_cast %get3A_805 : vector<16xi32> to vector<1x16xi32>
      tpu.vector_store %arg5[%swap3A_807, %swap3A_808], %swap3A_811 {strides = array<i32>} : memref<2x128xi32, #tpu.memory_space<vmem>>, vector<1x16xi32>,
      %dma_start3A_812 = arith.constant 1 : i32
      %dma_start3A_813 = arith.constant 0 : i32
      %dma_start3A_814 = tpu.memref_slice %arg5[%dma_start3A_812, %dma_start3A_813] : memref<2x128xi32, #tpu.memory_space<vmem>> -> memref<1x128xi32, #tpu.memory_space<vmem>>
      %dma_start3A_815 = tpu.memref_squeeze %dma_start3A_814 : memref<1x128xi32, #tpu.memory_space<vmem>> -> memref<128xi32, #tpu.memory_space<vmem>>
      %dma_start3A_816 = arith.constant 0 : i32
      %dma_start3A_817 = tpu.memref_slice %arg9[%dma_start3A_816] : memref<10240xf32, #tpu.memory_space<vmem_shared>> -> memref<10240xf32, #tpu.memory_space<vmem_shared>>
      tpu.enqueue_indirect_dma source(%arg7 : memref<128xf32, #tpu.memory_space<vmem>>) target(%dma_start3A_817 : memref<10240xf32, #tpu.memory_space<vmem_shared>>) offsets(%dma_start3A_815 : memref<128xi32, #tpu.memory_space<vmem>>) semaphore(%arg11 : memref<!tpu.dma_semaphore, #tpu.memory_space<semaphore_mem>>) {add = true}
      %scan3A_818 = arith.constant 0 : i32
      scf.yield %scan3A_818 : i32
    }
    %scan3A_73 = arith.constant 39 : i32
    %dma_wait3A = arith.constant 1 : i32
    %dma_wait3A_74 = arith.constant 0 : i32
    %dma_wait3A_75 = tpu.memref_slice %arg5[%dma_wait3A, %dma_wait3A_74] : memref<2x128xi32, #tpu.memory_space<vmem>> -> memref<1x128xi32, #tpu.memory_space<vmem>>
    %dma_wait3A_76 = tpu.memref_squeeze %dma_wait3A_75 : memref<1x128xi32, #tpu.memory_space<vmem>> -> memref<128xi32, #tpu.memory_space<vmem>>
    %dma_wait3A_77 = arith.constant 0 : i32
    %dma_wait3A_78 = tpu.memref_slice %arg9[%dma_wait3A_77] : memref<10240xf32, #tpu.memory_space<vmem_shared>> -> memref<10240xf32, #tpu.memory_space<vmem_shared>>
    tpu.wait_indirect_dma semaphore(%arg11 : memref<!tpu.dma_semaphore, #tpu.memory_space<semaphore_mem>>) src(%arg7 : memref<128xf32, #tpu.memory_space<vmem>>) dst(%dma_wait3A_78 : memref<10240xf32, #tpu.memory_space<vmem_shared>>)
    %get3A = arith.constant 9984 : index
    %get3A_79 = tpu.vector_load %arg4[%get3A] {strides = array<i32>} : memref<10000xi32, #tpu.memory_space<vmem>>, vector<16xi32>,
    %get3A_80 = vector.shape_cast %get3A_79 : vector<16xi32> to vector<16xi32>
    %swap3A_81 = arith.constant 0 : index
    %swap3A_82 = tpu.vector_load %arg6[%swap3A_81] {strides = array<i32>} : memref<16xi32, #tpu.memory_space<vmem>>, vector<16xi32>,
    %swap3A_83 = vector.shape_cast %swap3A_82 : vector<16xi32> to vector<16xi32>
    %swap3A_84 = vector.shape_cast %get3A_80 : vector<16xi32> to vector<16xi32>
    tpu.vector_store %arg6[%swap3A_81], %swap3A_84 {strides = array<i32>} : memref<16xi32, #tpu.memory_space<vmem>>, vector<16xi32>,
    "tpu.region"() ({
      %run_scoped3A = tpu.sem_alloc : memref<!tpu.dma_semaphore, #tpu.memory_space<semaphore_mem>>
      %dma_start3A_90 = arith.constant 0 : i32
      %dma_start3A_91 = tpu.memref_slice %arg7[%dma_start3A_90] : memref<128xf32, #tpu.memory_space<vmem>> -> memref<16xf32, #tpu.memory_space<vmem>>
      %dma_start3A_92 = arith.constant 0 : i32
      %dma_start3A_93 = tpu.memref_slice %arg9[%dma_start3A_92] : memref<10240xf32, #tpu.memory_space<vmem_shared>> -> memref<10240xf32, #tpu.memory_space<vmem_shared>>
      tpu.enqueue_indirect_dma source(%dma_start3A_91 : memref<16xf32, #tpu.memory_space<vmem>>) target(%dma_start3A_93 : memref<10240xf32, #tpu.memory_space<vmem_shared>>) offsets(%arg6 : memref<16xi32, #tpu.memory_space<vmem>>) semaphore(%run_scoped3A : memref<!tpu.dma_semaphore, #tpu.memory_space<semaphore_mem>>) {add = true}
      %dma_wait3A_94 = arith.constant 0 : i32
      %dma_wait3A_95 = tpu.memref_slice %arg7[%dma_wait3A_94] : memref<128xf32, #tpu.memory_space<vmem>> -> memref<16xf32, #tpu.memory_space<vmem>>
      %dma_wait3A_96 = arith.constant 0 : i32
      %dma_wait3A_97 = tpu.memref_slice %arg9[%dma_wait3A_96] : memref<10240xf32, #tpu.memory_space<vmem_shared>> -> memref<10240xf32, #tpu.memory_space<vmem_shared>>
      tpu.wait_indirect_dma semaphore(%run_scoped3A : memref<!tpu.dma_semaphore, #tpu.memory_space<semaphore_mem>>) src(%dma_wait3A_95 : memref<16xf32, #tpu.memory_space<vmem>>) dst(%dma_wait3A_97 : memref<10240xf32, #tpu.memory_space<vmem_shared>>)
      tpu.yield
    }) : () -> ()
    %barrier3A_85 = arith.constant 0 : index
    tpu.barrier barrier_id(%barrier3A_85)
    %mul3A_86 = arith.constant 640 : i32
    %mul3A_87 = arith.muli %arg1, %mul3A_86 : i32
    %mul3A_88 = arith.constant 640 : i32
    %mul3A_89 = arith.muli %arg1, %mul3A_88 : i32
    "tpu.region"() ({
      %run_scoped3A = tpu.sem_alloc : memref<!tpu.dma_semaphore, #tpu.memory_space<semaphore_mem>>
      %dma_start3A_90 = tpu.memref_slice %arg3[%arg0, %mul3A_89] : memref<2x10240xf32, #tpu.memory_space<hbm>> -> memref<1x640xf32, #tpu.memory_space<hbm>>
      %dma_start3A_91 = tpu.memref_squeeze %dma_start3A_90 : memref<1x640xf32, #tpu.memory_space<hbm>> -> memref<640xf32, #tpu.memory_space<hbm>>
      %dma_start3A_92 = tpu.memref_slice %arg9[%mul3A_87] : memref<10240xf32, #tpu.memory_space<vmem_shared>> -> memref<640xf32, #tpu.memory_space<vmem_shared>>
      tpu.enqueue_dma source(%dma_start3A_92 : memref<640xf32, #tpu.memory_space<vmem_shared>>) target(%dma_start3A_91 : memref<640xf32, #tpu.memory_space<hbm>>) target_semaphore(%run_scoped3A : memref<!tpu.dma_semaphore, #tpu.memory_space<semaphore_mem>>)
      %dma_wait3A_93 = tpu.memref_slice %arg3[%arg0, %mul3A_89] : memref<2x10240xf32, #tpu.memory_space<hbm>> -> memref<1x640xf32, #tpu.memory_space<hbm>>
      %dma_wait3A_94 = tpu.memref_squeeze %dma_wait3A_93 : memref<1x640xf32, #tpu.memory_space<hbm>> -> memref<640xf32, #tpu.memory_space<hbm>>
      %dma_wait3A_95 = tpu.memref_slice %arg9[%mul3A_87] : memref<10240xf32, #tpu.memory_space<vmem_shared>> -> memref<640xf32, #tpu.memory_space<vmem_shared>>
      tpu.wait_dma2 semaphore(%run_scoped3A : memref<!tpu.dma_semaphore, #tpu.memory_space<semaphore_mem>>) src(%dma_wait3A_95 : memref<640xf32, #tpu.memory_space<vmem_shared>>) dst(%dma_wait3A_94 : memref<640xf32, #tpu.memory_space<hbm>>)
      tpu.yield
    }) : () -> ()
    return
  }
}

#map = affine_map<(d0, d1) -> (0, 0)>
#map1 = affine_map<(d0, d1) -> (0)>
#map2 = affine_map<(d0, d1) -> (0, 0, 0)>
module attributes {stable_mosaic.version = 14 : i64} {
  func.func @_prop_kernel(%arg0: i32, %arg1: i32, %arg2: memref<10240x128xf32, #tpu.memory_space<hbm>>, %arg3: memref<320000xi32, #tpu.memory_space<hbm>>, %arg4: memref<320000xi32, #tpu.memory_space<hbm>>, %arg5: memref<10240x128xf32, #tpu.memory_space<hbm>>, %arg6: memref<2x10240x128xf32, #tpu.memory_space<hbm>>, %arg7: memref<10000xi32, #tpu.memory_space<vmem>>, %arg8: memref<2x128xi32, #tpu.memory_space<vmem>>, %arg9: memref<16xi32, #tpu.memory_space<vmem>>, %arg10: memref<16xi32, #tpu.memory_space<vmem>>, %arg11: memref<2x128x128xf32, #tpu.memory_space<vmem>>, %arg12: memref<10240x128xf32, #tpu.memory_space<vmem_shared>>, %arg13: memref<!tpu.dma_semaphore, #tpu.memory_space<semaphore_mem>>, %arg14: memref<!tpu.dma_semaphore, #tpu.memory_space<semaphore_mem>>, %arg15: memref<!tpu.dma_semaphore, #tpu.memory_space<semaphore_mem>>, %arg16: memref<!tpu.dma_semaphore, #tpu.memory_space<semaphore_mem>>) attributes {dimension_semantics = [#tpu.dimension_semantics<core_parallel>, #tpu.dimension_semantics<subcore_parallel>], iteration_bounds = array<i64: 2, 16>, scalar_prefetch = 0 : i64, scratch_operands = 10 : i64, tpu.core_type = #tpu.core_type<sc_vector_subcore>, window_params = [{transform_indices = #map}, {transform_indices = #map1}, {transform_indices = #map1}, {transform_indices = #map}, {transform_indices = #map2}]} {
    %mul3A = arith.constant 16 : i32
    %mul3A_0 = arith.muli %arg0, %mul3A : i32
    %add3A = arith.addi %mul3A_0, %arg1 : i32
    %mul3A_1 = arith.constant 10000 : i32
    %mul3A_2 = arith.muli %add3A, %mul3A_1 : i32
    %mul3A_3 = arith.constant 640 : i32
    %mul3A_4 = arith.muli %arg1, %mul3A_3 : i32
    %eq3A = arith.constant 0 : i32
    %eq3A_5 = arith.cmpi eq, %arg0, %eq3A : i32
    %convert_element_type3A = arith.extui %eq3A_5 : i1 to i32
    %cond3A = arith.constant 0 : i32
    %cond3A_6 = arith.cmpi ne, %convert_element_type3A, %cond3A : i32
    scf.if %cond3A_6 {
      "tpu.region"() ({
        %run_scoped3A_70 = tpu.sem_alloc : memref<!tpu.dma_semaphore, #tpu.memory_space<semaphore_mem>>
        %dma_start3A_71 = arith.constant 0 : i32
        %dma_start3A_72 = tpu.memref_slice %arg12[%mul3A_4, %dma_start3A_71] : memref<10240x128xf32, #tpu.memory_space<vmem_shared>> -> memref<640x128xf32, #tpu.memory_space<vmem_shared>>
        %dma_start3A_73 = arith.constant 0 : i32
        %dma_start3A_74 = tpu.memref_slice %arg2[%mul3A_4, %dma_start3A_73] : memref<10240x128xf32, #tpu.memory_space<hbm>> -> memref<640x128xf32, #tpu.memory_space<hbm>>
        tpu.enqueue_dma source(%dma_start3A_74 : memref<640x128xf32, #tpu.memory_space<hbm>>) target(%dma_start3A_72 : memref<640x128xf32, #tpu.memory_space<vmem_shared>>) target_semaphore(%run_scoped3A_70 : memref<!tpu.dma_semaphore, #tpu.memory_space<semaphore_mem>>)
        %dma_wait3A_75 = arith.constant 0 : i32
        %dma_wait3A_76 = tpu.memref_slice %arg12[%mul3A_4, %dma_wait3A_75] : memref<10240x128xf32, #tpu.memory_space<vmem_shared>> -> memref<640x128xf32, #tpu.memory_space<vmem_shared>>
        %dma_wait3A_77 = arith.constant 0 : i32
        %dma_wait3A_78 = tpu.memref_slice %arg2[%mul3A_4, %dma_wait3A_77] : memref<10240x128xf32, #tpu.memory_space<hbm>> -> memref<640x128xf32, #tpu.memory_space<hbm>>
        tpu.wait_dma2 semaphore(%run_scoped3A_70 : memref<!tpu.dma_semaphore, #tpu.memory_space<semaphore_mem>>) src(%dma_wait3A_78 : memref<640x128xf32, #tpu.memory_space<hbm>>) dst(%dma_wait3A_76 : memref<640x128xf32, #tpu.memory_space<vmem_shared>>)
        tpu.yield
      }) : () -> ()
    } else {
    }
    %ne3A = arith.constant 0 : i32
    %ne3A_7 = arith.cmpi ne, %arg0, %ne3A : i32
    %convert_element_type3A_8 = arith.extui %ne3A_7 : i1 to i32
    %cond3A_9 = arith.constant 0 : i32
    %cond3A_10 = arith.cmpi ne, %convert_element_type3A_8, %cond3A_9 : i32
    scf.if %cond3A_10 {
      "tpu.region"() ({
        %run_scoped3A_70 = tpu.sem_alloc : memref<!tpu.dma_semaphore, #tpu.memory_space<semaphore_mem>>
        %dma_start3A_71 = arith.constant 0 : i32
        %dma_start3A_72 = tpu.memref_slice %arg12[%mul3A_4, %dma_start3A_71] : memref<10240x128xf32, #tpu.memory_space<vmem_shared>> -> memref<640x128xf32, #tpu.memory_space<vmem_shared>>
        %dma_start3A_73 = arith.constant 0 : i32
        %dma_start3A_74 = tpu.memref_slice %arg5[%mul3A_4, %dma_start3A_73] : memref<10240x128xf32, #tpu.memory_space<hbm>> -> memref<640x128xf32, #tpu.memory_space<hbm>>
        tpu.enqueue_dma source(%dma_start3A_74 : memref<640x128xf32, #tpu.memory_space<hbm>>) target(%dma_start3A_72 : memref<640x128xf32, #tpu.memory_space<vmem_shared>>) target_semaphore(%run_scoped3A_70 : memref<!tpu.dma_semaphore, #tpu.memory_space<semaphore_mem>>)
        %dma_wait3A_75 = arith.constant 0 : i32
        %dma_wait3A_76 = tpu.memref_slice %arg12[%mul3A_4, %dma_wait3A_75] : memref<10240x128xf32, #tpu.memory_space<vmem_shared>> -> memref<640x128xf32, #tpu.memory_space<vmem_shared>>
        %dma_wait3A_77 = arith.constant 0 : i32
        %dma_wait3A_78 = tpu.memref_slice %arg5[%mul3A_4, %dma_wait3A_77] : memref<10240x128xf32, #tpu.memory_space<hbm>> -> memref<640x128xf32, #tpu.memory_space<hbm>>
        tpu.wait_dma2 semaphore(%run_scoped3A_70 : memref<!tpu.dma_semaphore, #tpu.memory_space<semaphore_mem>>) src(%dma_wait3A_78 : memref<640x128xf32, #tpu.memory_space<hbm>>) dst(%dma_wait3A_76 : memref<640x128xf32, #tpu.memory_space<vmem_shared>>)
        tpu.yield
      }) : () -> ()
    } else {
    }
    "tpu.region"() ({
      %run_scoped3A_70 = tpu.sem_alloc : memref<!tpu.dma_semaphore, #tpu.memory_space<semaphore_mem>>
      %dma_start3A_71 = tpu.memref_slice %arg3[%mul3A_2] : memref<320000xi32, #tpu.memory_space<hbm>> -> memref<10000xi32, #tpu.memory_space<hbm>>
      %dma_start3A_72 = tpu.memref_slice %arg3[%mul3A_2] : memref<320000xi32, #tpu.memory_space<hbm>> -> memref<10000xi32, #tpu.memory_space<hbm>>
      tpu.enqueue_dma source(%dma_start3A_72 : memref<10000xi32, #tpu.memory_space<hbm>>) target(%arg7 : memref<10000xi32, #tpu.memory_space<vmem>>) target_semaphore(%run_scoped3A_70 : memref<!tpu.dma_semaphore, #tpu.memory_space<semaphore_mem>>)
      %dma_wait3A_73 = tpu.memref_slice %arg3[%mul3A_2] : memref<320000xi32, #tpu.memory_space<hbm>> -> memref<10000xi32, #tpu.memory_space<hbm>>
      %dma_wait3A_74 = tpu.memref_slice %arg3[%mul3A_2] : memref<320000xi32, #tpu.memory_space<hbm>> -> memref<10000xi32, #tpu.memory_space<hbm>>
      tpu.wait_dma2 semaphore(%run_scoped3A_70 : memref<!tpu.dma_semaphore, #tpu.memory_space<semaphore_mem>>) src(%dma_wait3A_74 : memref<10000xi32, #tpu.memory_space<hbm>>) dst(%arg7 : memref<10000xi32, #tpu.memory_space<vmem>>)
      tpu.yield
    }) : () -> ()
    %barrier3A = arith.constant 0 : index
    tpu.barrier barrier_id(%barrier3A)
    %dma_start3A = arith.constant 1 : i32
    %dma_start3A_11 = arith.constant 0 : i32
    %dma_start3A_12 = arith.constant 0 : i32
    %dma_start3A_13 = tpu.memref_slice %arg11[%dma_start3A, %dma_start3A_11, %dma_start3A_12] : memref<2x128x128xf32, #tpu.memory_space<vmem>> -> memref<1x128x128xf32, #tpu.memory_space<vmem>>
    %dma_start3A_14 = tpu.memref_squeeze %dma_start3A_13 : memref<1x128x128xf32, #tpu.memory_space<vmem>> -> memref<128x128xf32, #tpu.memory_space<vmem>>
    %dma_start3A_15 = arith.constant 0 : i32
    %dma_start3A_16 = arith.constant 0 : i32
    %dma_start3A_17 = tpu.memref_slice %arg5[%dma_start3A_15, %dma_start3A_16] : memref<10240x128xf32, #tpu.memory_space<hbm>> -> memref<128x128xf32, #tpu.memory_space<hbm>>
    %dma_start3A_18 = arith.constant 0 : i32
    %dma_start3A_19 = arith.constant 0 : i32
    %dma_start3A_20 = tpu.memref_slice %arg11[%dma_start3A, %dma_start3A_18, %dma_start3A_19] : memref<2x128x128xf32, #tpu.memory_space<vmem>> -> memref<1x128x128xf32, #tpu.memory_space<vmem>>
    %dma_start3A_21 = tpu.memref_squeeze %dma_start3A_20 : memref<1x128x128xf32, #tpu.memory_space<vmem>> -> memref<128x128xf32, #tpu.memory_space<vmem>>
    %dma_start3A_22 = arith.constant 0 : i32
    %dma_start3A_23 = arith.constant 0 : i32
    %dma_start3A_24 = tpu.memref_slice %arg5[%dma_start3A_22, %dma_start3A_23] : memref<10240x128xf32, #tpu.memory_space<hbm>> -> memref<128x128xf32, #tpu.memory_space<hbm>>
    tpu.enqueue_dma source(%dma_start3A_24 : memref<128x128xf32, #tpu.memory_space<hbm>>) target(%dma_start3A_21 : memref<128x128xf32, #tpu.memory_space<vmem>>) target_semaphore(%arg16 : memref<!tpu.dma_semaphore, #tpu.memory_space<semaphore_mem>>)
    %dma_start3A_25 = arith.constant 0 : i32
    %dma_start3A_26 = arith.constant 0 : i32
    %dma_start3A_27 = arith.constant 0 : i32
    %dma_start3A_28 = tpu.memref_slice %arg11[%dma_start3A_25, %dma_start3A_26, %dma_start3A_27] : memref<2x128x128xf32, #tpu.memory_space<vmem>> -> memref<1x128x128xf32, #tpu.memory_space<vmem>>
    %dma_start3A_29 = tpu.memref_squeeze %dma_start3A_28 : memref<1x128x128xf32, #tpu.memory_space<vmem>> -> memref<128x128xf32, #tpu.memory_space<vmem>>
    %dma_start3A_30 = arith.constant 0 : i32
    %dma_start3A_31 = tpu.memref_slice %arg7[%dma_start3A_30] : memref<10000xi32, #tpu.memory_space<vmem>> -> memref<128xi32, #tpu.memory_space<vmem>>
    %dma_start3A_32 = arith.constant 0 : i32
    %dma_start3A_33 = arith.constant 0 : i32
    %dma_start3A_34 = tpu.memref_slice %arg2[%dma_start3A_32, %dma_start3A_33] : memref<10240x128xf32, #tpu.memory_space<hbm>> -> memref<10240x128xf32, #tpu.memory_space<hbm>>
    tpu.enqueue_indirect_dma source(%dma_start3A_34 : memref<10240x128xf32, #tpu.memory_space<hbm>>) target(%dma_start3A_29 : memref<128x128xf32, #tpu.memory_space<vmem>>) offsets(%dma_start3A_31 : memref<128xi32, #tpu.memory_space<vmem>>) semaphore(%arg13 : memref<!tpu.dma_semaphore, #tpu.memory_space<semaphore_mem>>)
    %dma_start3A_35 = arith.constant 0 : i32
    %dma_start3A_36 = arith.constant 0 : i32
    %dma_start3A_37 = tpu.memref_slice %arg8[%dma_start3A_35, %dma_start3A_36] : memref<2x128xi32, #tpu.memory_space<vmem>> -> memref<1x128xi32, #tpu.memory_space<vmem>>
    %dma_start3A_38 = tpu.memref_squeeze %dma_start3A_37 : memref<1x128xi32, #tpu.memory_space<vmem>> -> memref<128xi32, #tpu.memory_space<vmem>>
    %dma_start3A_39 = tpu.memref_slice %arg4[%mul3A_2] : memref<320000xi32, #tpu.memory_space<hbm>> -> memref<128xi32, #tpu.memory_space<hbm>>
    %dma_start3A_40 = arith.constant 0 : i32
    %dma_start3A_41 = tpu.memref_slice %arg8[%dma_start3A_35, %dma_start3A_40] : memref<2x128xi32, #tpu.memory_space<vmem>> -> memref<1x128xi32, #tpu.memory_space<vmem>>
    %dma_start3A_42 = tpu.memref_squeeze %dma_start3A_41 : memref<1x128xi32, #tpu.memory_space<vmem>> -> memref<128xi32, #tpu.memory_space<vmem>>
    %dma_start3A_43 = tpu.memref_slice %arg4[%mul3A_2] : memref<320000xi32, #tpu.memory_space<hbm>> -> memref<128xi32, #tpu.memory_space<hbm>>
    tpu.enqueue_dma source(%dma_start3A_43 : memref<128xi32, #tpu.memory_space<hbm>>) target(%dma_start3A_42 : memref<128xi32, #tpu.memory_space<vmem>>) target_semaphore(%arg13 : memref<!tpu.dma_semaphore, #tpu.memory_space<semaphore_mem>>)
    %scan3A = arith.constant 0 : i32
    %scan3A_44 = arith.constant 0 : i32
    %scan3A_45 = arith.constant 39 : i32
    %scan3A_46 = arith.addi %scan3A_44, %scan3A_45 : i32
    %scan3A_47 = arith.constant 1 : i32
    %scan3A_48 = scf.for %scan3A_70 = %scan3A_44 to %scan3A_46 step %scan3A_47 iter_args(%scan3A_71 = %scan3A) -> (i32)  : i32 {
      %mul3A_72 = arith.constant 2 : i32
      %mul3A_73 = arith.muli %scan3A_70, %mul3A_72 : i32
      %add3A_74 = arith.constant 0 : i32
      %add3A_75 = arith.addi %mul3A_73, %add3A_74 : i32
      %dma_wait3A_76 = arith.constant 1 : i32
      %dma_wait3A_77 = arith.constant 1 : i32
      %dma_wait3A_78 = arith.constant 0 : i32
      %dma_wait3A_79 = arith.constant 0 : i32
      %dma_wait3A_80 = tpu.memref_slice %arg11[%dma_wait3A_76, %dma_wait3A_78, %dma_wait3A_79] : memref<2x128x128xf32, #tpu.memory_space<vmem>> -> memref<1x128x128xf32, #tpu.memory_space<vmem>>
      %dma_wait3A_81 = tpu.memref_squeeze %dma_wait3A_80 : memref<1x128x128xf32, #tpu.memory_space<vmem>> -> memref<128x128xf32, #tpu.memory_space<vmem>>
      %dma_wait3A_82 = arith.constant 0 : i32
      %dma_wait3A_83 = tpu.memref_slice %arg8[%dma_wait3A_77, %dma_wait3A_82] : memref<2x128xi32, #tpu.memory_space<vmem>> -> memref<1x128xi32, #tpu.memory_space<vmem>>
      %dma_wait3A_84 = tpu.memref_squeeze %dma_wait3A_83 : memref<1x128xi32, #tpu.memory_space<vmem>> -> memref<128xi32, #tpu.memory_space<vmem>>
      %dma_wait3A_85 = arith.constant 0 : i32
      %dma_wait3A_86 = arith.constant 0 : i32
      %dma_wait3A_87 = tpu.memref_slice %arg12[%dma_wait3A_85, %dma_wait3A_86] : memref<10240x128xf32, #tpu.memory_space<vmem_shared>> -> memref<10240x128xf32, #tpu.memory_space<vmem_shared>>
      tpu.wait_indirect_dma semaphore(%arg16 : memref<!tpu.dma_semaphore, #tpu.memory_space<semaphore_mem>>) src(%dma_wait3A_81 : memref<128x128xf32, #tpu.memory_space<vmem>>) dst(%dma_wait3A_87 : memref<10240x128xf32, #tpu.memory_space<vmem_shared>>)
      %add3A_88 = arith.constant 1 : i32
      %add3A_89 = arith.addi %add3A_75, %add3A_88 : i32
      %lt3A = arith.constant 78 : i32
      %lt3A_90 = arith.cmpi slt, %add3A_89, %lt3A : i32
      %convert_element_type3A_91 = arith.extui %lt3A_90 : i1 to i32
      %cond3A_92 = arith.constant 0 : i32
      %cond3A_93 = arith.cmpi ne, %convert_element_type3A_91, %cond3A_92 : i32
      scf.if %cond3A_93 {
        %add3A_188 = arith.constant 1 : i32
        %add3A_189 = arith.addi %add3A_75, %add3A_188 : i32
        %mul3A_190 = arith.constant 128 : i32
        %mul3A_191 = arith.muli %add3A_189, %mul3A_190 : i32
        %dma_start3A_192 = arith.constant 1 : i32
        %dma_start3A_193 = arith.constant 0 : i32
        %dma_start3A_194 = arith.constant 0 : i32
        %dma_start3A_195 = tpu.memref_slice %arg11[%dma_start3A_192, %dma_start3A_193, %dma_start3A_194] : memref<2x128x128xf32, #tpu.memory_space<vmem>> -> memref<1x128x128xf32, #tpu.memory_space<vmem>>
        %dma_start3A_196 = tpu.memref_squeeze %dma_start3A_195 : memref<1x128x128xf32, #tpu.memory_space<vmem>> -> memref<128x128xf32, #tpu.memory_space<vmem>>
        %dma_start3A_197 = tpu.memref_slice %arg7[%mul3A_191] : memref<10000xi32, #tpu.memory_space<vmem>> -> memref<128xi32, #tpu.memory_space<vmem>>
        %dma_start3A_198 = arith.constant 0 : i32
        %dma_start3A_199 = arith.constant 0 : i32
        %dma_start3A_200 = tpu.memref_slice %arg2[%dma_start3A_198, %dma_start3A_199] : memref<10240x128xf32, #tpu.memory_space<hbm>> -> memref<10240x128xf32, #tpu.memory_space<hbm>>
        tpu.enqueue_indirect_dma source(%dma_start3A_200 : memref<10240x128xf32, #tpu.memory_space<hbm>>) target(%dma_start3A_196 : memref<128x128xf32, #tpu.memory_space<vmem>>) offsets(%dma_start3A_197 : memref<128xi32, #tpu.memory_space<vmem>>) semaphore(%arg14 : memref<!tpu.dma_semaphore, #tpu.memory_space<semaphore_mem>>)
        %add3A_201 = arith.constant 1 : i32
        %add3A_202 = arith.addi %add3A_75, %add3A_201 : i32
        %mul3A_203 = arith.constant 128 : i32
        %mul3A_204 = arith.muli %add3A_202, %mul3A_203 : i32
        %add3A_205 = arith.addi %mul3A_2, %mul3A_204 : i32
        %dma_start3A_206 = arith.constant 1 : i32
        %dma_start3A_207 = arith.constant 0 : i32
        %dma_start3A_208 = tpu.memref_slice %arg8[%dma_start3A_206, %dma_start3A_207] : memref<2x128xi32, #tpu.memory_space<vmem>> -> memref<1x128xi32, #tpu.memory_space<vmem>>
        %dma_start3A_209 = tpu.memref_squeeze %dma_start3A_208 : memref<1x128xi32, #tpu.memory_space<vmem>> -> memref<128xi32, #tpu.memory_space<vmem>>
        %dma_start3A_210 = tpu.memref_slice %arg4[%add3A_205] : memref<320000xi32, #tpu.memory_space<hbm>> -> memref<128xi32, #tpu.memory_space<hbm>>
        %dma_start3A_211 = arith.constant 0 : i32
        %dma_start3A_212 = tpu.memref_slice %arg8[%dma_start3A_206, %dma_start3A_211] : memref<2x128xi32, #tpu.memory_space<vmem>> -> memref<1x128xi32, #tpu.memory_space<vmem>>
        %dma_start3A_213 = tpu.memref_squeeze %dma_start3A_212 : memref<1x128xi32, #tpu.memory_space<vmem>> -> memref<128xi32, #tpu.memory_space<vmem>>
        %dma_start3A_214 = tpu.memref_slice %arg4[%add3A_205] : memref<320000xi32, #tpu.memory_space<hbm>> -> memref<128xi32, #tpu.memory_space<hbm>>
        tpu.enqueue_dma source(%dma_start3A_214 : memref<128xi32, #tpu.memory_space<hbm>>) target(%dma_start3A_213 : memref<128xi32, #tpu.memory_space<vmem>>) target_semaphore(%arg14 : memref<!tpu.dma_semaphore, #tpu.memory_space<semaphore_mem>>)
      } else {
      }
      %mul3A_94 = arith.constant 128 : i32
      %mul3A_95 = arith.muli %add3A_75, %mul3A_94 : i32
      %dma_wait3A_96 = arith.constant 0 : i32
      %dma_wait3A_97 = arith.constant 0 : i32
      %dma_wait3A_98 = arith.constant 0 : i32
      %dma_wait3A_99 = tpu.memref_slice %arg11[%dma_wait3A_96, %dma_wait3A_97, %dma_wait3A_98] : memref<2x128x128xf32, #tpu.memory_space<vmem>> -> memref<1x128x128xf32, #tpu.memory_space<vmem>>
      %dma_wait3A_100 = tpu.memref_squeeze %dma_wait3A_99 : memref<1x128x128xf32, #tpu.memory_space<vmem>> -> memref<128x128xf32, #tpu.memory_space<vmem>>
      %dma_wait3A_101 = tpu.memref_slice %arg7[%mul3A_95] : memref<10000xi32, #tpu.memory_space<vmem>> -> memref<128xi32, #tpu.memory_space<vmem>>
      %dma_wait3A_102 = arith.constant 0 : i32
      %dma_wait3A_103 = arith.constant 0 : i32
      %dma_wait3A_104 = tpu.memref_slice %arg2[%dma_wait3A_102, %dma_wait3A_103] : memref<10240x128xf32, #tpu.memory_space<hbm>> -> memref<10240x128xf32, #tpu.memory_space<hbm>>
      tpu.wait_indirect_dma semaphore(%arg13 : memref<!tpu.dma_semaphore, #tpu.memory_space<semaphore_mem>>) src(%dma_wait3A_104 : memref<10240x128xf32, #tpu.memory_space<hbm>>) dst(%dma_wait3A_100 : memref<128x128xf32, #tpu.memory_space<vmem>>)
      %mul3A_105 = arith.constant 128 : i32
      %mul3A_106 = arith.muli %add3A_75, %mul3A_105 : i32
      %add3A_107 = arith.addi %mul3A_2, %mul3A_106 : i32
      %dma_wait3A_108 = arith.constant 0 : i32
      %dma_wait3A_109 = arith.constant 0 : i32
      %dma_wait3A_110 = tpu.memref_slice %arg8[%dma_wait3A_108, %dma_wait3A_109] : memref<2x128xi32, #tpu.memory_space<vmem>> -> memref<1x128xi32, #tpu.memory_space<vmem>>
      %dma_wait3A_111 = tpu.memref_squeeze %dma_wait3A_110 : memref<1x128xi32, #tpu.memory_space<vmem>> -> memref<128xi32, #tpu.memory_space<vmem>>
      %dma_wait3A_112 = tpu.memref_slice %arg4[%add3A_107] : memref<320000xi32, #tpu.memory_space<hbm>> -> memref<128xi32, #tpu.memory_space<hbm>>
      %dma_wait3A_113 = arith.constant 0 : i32
      %dma_wait3A_114 = tpu.memref_slice %arg8[%dma_wait3A_108, %dma_wait3A_113] : memref<2x128xi32, #tpu.memory_space<vmem>> -> memref<1x128xi32, #tpu.memory_space<vmem>>
      %dma_wait3A_115 = tpu.memref_squeeze %dma_wait3A_114 : memref<1x128xi32, #tpu.memory_space<vmem>> -> memref<128xi32, #tpu.memory_space<vmem>>
      %dma_wait3A_116 = tpu.memref_slice %arg4[%add3A_107] : memref<320000xi32, #tpu.memory_space<hbm>> -> memref<128xi32, #tpu.memory_space<hbm>>
      tpu.wait_dma2 semaphore(%arg13 : memref<!tpu.dma_semaphore, #tpu.memory_space<semaphore_mem>>) src(%dma_wait3A_116 : memref<128xi32, #tpu.memory_space<hbm>>) dst(%dma_wait3A_115 : memref<128xi32, #tpu.memory_space<vmem>>)
      %dma_start3A_117 = arith.constant 0 : i32
      %dma_start3A_118 = arith.constant 0 : i32
      %dma_start3A_119 = arith.constant 0 : i32
      %dma_start3A_120 = arith.constant 0 : i32
      %dma_start3A_121 = tpu.memref_slice %arg11[%dma_start3A_117, %dma_start3A_119, %dma_start3A_120] : memref<2x128x128xf32, #tpu.memory_space<vmem>> -> memref<1x128x128xf32, #tpu.memory_space<vmem>>
      %dma_start3A_122 = tpu.memref_squeeze %dma_start3A_121 : memref<1x128x128xf32, #tpu.memory_space<vmem>> -> memref<128x128xf32, #tpu.memory_space<vmem>>
      %dma_start3A_123 = arith.constant 0 : i32
      %dma_start3A_124 = tpu.memref_slice %arg8[%dma_start3A_118, %dma_start3A_123] : memref<2x128xi32, #tpu.memory_space<vmem>> -> memref<1x128xi32, #tpu.memory_space<vmem>>
      %dma_start3A_125 = tpu.memref_squeeze %dma_start3A_124 : memref<1x128xi32, #tpu.memory_space<vmem>> -> memref<128xi32, #tpu.memory_space<vmem>>
      %dma_start3A_126 = arith.constant 0 : i32
      %dma_start3A_127 = arith.constant 0 : i32
      %dma_start3A_128 = tpu.memref_slice %arg12[%dma_start3A_126, %dma_start3A_127] : memref<10240x128xf32, #tpu.memory_space<vmem_shared>> -> memref<10240x128xf32, #tpu.memory_space<vmem_shared>>
      tpu.enqueue_indirect_dma source(%dma_start3A_122 : memref<128x128xf32, #tpu.memory_space<vmem>>) target(%dma_start3A_128 : memref<10240x128xf32, #tpu.memory_space<vmem_shared>>) offsets(%dma_start3A_125 : memref<128xi32, #tpu.memory_space<vmem>>) semaphore(%arg15 : memref<!tpu.dma_semaphore, #tpu.memory_space<semaphore_mem>>) {add = true}
      %mul3A_129 = arith.constant 2 : i32
      %mul3A_130 = arith.muli %scan3A_70, %mul3A_129 : i32
      %add3A_131 = arith.constant 1 : i32
      %add3A_132 = arith.addi %mul3A_130, %add3A_131 : i32
      %dma_wait3A_133 = arith.constant 0 : i32
      %dma_wait3A_134 = arith.constant 0 : i32
      %dma_wait3A_135 = arith.constant 0 : i32
      %dma_wait3A_136 = arith.constant 0 : i32
      %dma_wait3A_137 = tpu.memref_slice %arg11[%dma_wait3A_133, %dma_wait3A_135, %dma_wait3A_136] : memref<2x128x128xf32, #tpu.memory_space<vmem>> -> memref<1x128x128xf32, #tpu.memory_space<vmem>>
      %dma_wait3A_138 = tpu.memref_squeeze %dma_wait3A_137 : memref<1x128x128xf32, #tpu.memory_space<vmem>> -> memref<128x128xf32, #tpu.memory_space<vmem>>
      %dma_wait3A_139 = arith.constant 0 : i32
      %dma_wait3A_140 = tpu.memref_slice %arg8[%dma_wait3A_134, %dma_wait3A_139] : memref<2x128xi32, #tpu.memory_space<vmem>> -> memref<1x128xi32, #tpu.memory_space<vmem>>
      %dma_wait3A_141 = tpu.memref_squeeze %dma_wait3A_140 : memref<1x128xi32, #tpu.memory_space<vmem>> -> memref<128xi32, #tpu.memory_space<vmem>>
      %dma_wait3A_142 = arith.constant 0 : i32
      %dma_wait3A_143 = arith.constant 0 : i32
      %dma_wait3A_144 = tpu.memref_slice %arg12[%dma_wait3A_142, %dma_wait3A_143] : memref<10240x128xf32, #tpu.memory_space<vmem_shared>> -> memref<10240x128xf32, #tpu.memory_space<vmem_shared>>
      tpu.wait_indirect_dma semaphore(%arg15 : memref<!tpu.dma_semaphore, #tpu.memory_space<semaphore_mem>>) src(%dma_wait3A_138 : memref<128x128xf32, #tpu.memory_space<vmem>>) dst(%dma_wait3A_144 : memref<10240x128xf32, #tpu.memory_space<vmem_shared>>)
      %add3A_145 = arith.constant 1 : i32
      %add3A_146 = arith.addi %add3A_132, %add3A_145 : i32
      %lt3A_147 = arith.constant 78 : i32
      %lt3A_148 = arith.cmpi slt, %add3A_146, %lt3A_147 : i32
      %convert_element_type3A_149 = arith.extui %lt3A_148 : i1 to i32
      %cond3A_150 = arith.constant 0 : i32
      %cond3A_151 = arith.cmpi ne, %convert_element_type3A_149, %cond3A_150 : i32
      scf.if %cond3A_151 {
        %add3A_188 = arith.constant 1 : i32
        %add3A_189 = arith.addi %add3A_132, %add3A_188 : i32
        %mul3A_190 = arith.constant 128 : i32
        %mul3A_191 = arith.muli %add3A_189, %mul3A_190 : i32
        %dma_start3A_192 = arith.constant 0 : i32
        %dma_start3A_193 = arith.constant 0 : i32
        %dma_start3A_194 = arith.constant 0 : i32
        %dma_start3A_195 = tpu.memref_slice %arg11[%dma_start3A_192, %dma_start3A_193, %dma_start3A_194] : memref<2x128x128xf32, #tpu.memory_space<vmem>> -> memref<1x128x128xf32, #tpu.memory_space<vmem>>
        %dma_start3A_196 = tpu.memref_squeeze %dma_start3A_195 : memref<1x128x128xf32, #tpu.memory_space<vmem>> -> memref<128x128xf32, #tpu.memory_space<vmem>>
        %dma_start3A_197 = tpu.memref_slice %arg7[%mul3A_191] : memref<10000xi32, #tpu.memory_space<vmem>> -> memref<128xi32, #tpu.memory_space<vmem>>
        %dma_start3A_198 = arith.constant 0 : i32
        %dma_start3A_199 = arith.constant 0 : i32
        %dma_start3A_200 = tpu.memref_slice %arg2[%dma_start3A_198, %dma_start3A_199] : memref<10240x128xf32, #tpu.memory_space<hbm>> -> memref<10240x128xf32, #tpu.memory_space<hbm>>
        tpu.enqueue_indirect_dma source(%dma_start3A_200 : memref<10240x128xf32, #tpu.memory_space<hbm>>) target(%dma_start3A_196 : memref<128x128xf32, #tpu.memory_space<vmem>>) offsets(%dma_start3A_197 : memref<128xi32, #tpu.memory_space<vmem>>) semaphore(%arg13 : memref<!tpu.dma_semaphore, #tpu.memory_space<semaphore_mem>>)
        %add3A_201 = arith.constant 1 : i32
        %add3A_202 = arith.addi %add3A_132, %add3A_201 : i32
        %mul3A_203 = arith.constant 128 : i32
        %mul3A_204 = arith.muli %add3A_202, %mul3A_203 : i32
        %add3A_205 = arith.addi %mul3A_2, %mul3A_204 : i32
        %dma_start3A_206 = arith.constant 0 : i32
        %dma_start3A_207 = arith.constant 0 : i32
        %dma_start3A_208 = tpu.memref_slice %arg8[%dma_start3A_206, %dma_start3A_207] : memref<2x128xi32, #tpu.memory_space<vmem>> -> memref<1x128xi32, #tpu.memory_space<vmem>>
        %dma_start3A_209 = tpu.memref_squeeze %dma_start3A_208 : memref<1x128xi32, #tpu.memory_space<vmem>> -> memref<128xi32, #tpu.memory_space<vmem>>
        %dma_start3A_210 = tpu.memref_slice %arg4[%add3A_205] : memref<320000xi32, #tpu.memory_space<hbm>> -> memref<128xi32, #tpu.memory_space<hbm>>
        %dma_start3A_211 = arith.constant 0 : i32
        %dma_start3A_212 = tpu.memref_slice %arg8[%dma_start3A_206, %dma_start3A_211] : memref<2x128xi32, #tpu.memory_space<vmem>> -> memref<1x128xi32, #tpu.memory_space<vmem>>
        %dma_start3A_213 = tpu.memref_squeeze %dma_start3A_212 : memref<1x128xi32, #tpu.memory_space<vmem>> -> memref<128xi32, #tpu.memory_space<vmem>>
        %dma_start3A_214 = tpu.memref_slice %arg4[%add3A_205] : memref<320000xi32, #tpu.memory_space<hbm>> -> memref<128xi32, #tpu.memory_space<hbm>>
        tpu.enqueue_dma source(%dma_start3A_214 : memref<128xi32, #tpu.memory_space<hbm>>) target(%dma_start3A_213 : memref<128xi32, #tpu.memory_space<vmem>>) target_semaphore(%arg13 : memref<!tpu.dma_semaphore, #tpu.memory_space<semaphore_mem>>)
      } else {
      }
      %mul3A_152 = arith.constant 128 : i32
      %mul3A_153 = arith.muli %add3A_132, %mul3A_152 : i32
      %dma_wait3A_154 = arith.constant 1 : i32
      %dma_wait3A_155 = arith.constant 0 : i32
      %dma_wait3A_156 = arith.constant 0 : i32
      %dma_wait3A_157 = tpu.memref_slice %arg11[%dma_wait3A_154, %dma_wait3A_155, %dma_wait3A_156] : memref<2x128x128xf32, #tpu.memory_space<vmem>> -> memref<1x128x128xf32, #tpu.memory_space<vmem>>
      %dma_wait3A_158 = tpu.memref_squeeze %dma_wait3A_157 : memref<1x128x128xf32, #tpu.memory_space<vmem>> -> memref<128x128xf32, #tpu.memory_space<vmem>>
      %dma_wait3A_159 = tpu.memref_slice %arg7[%mul3A_153] : memref<10000xi32, #tpu.memory_space<vmem>> -> memref<128xi32, #tpu.memory_space<vmem>>
      %dma_wait3A_160 = arith.constant 0 : i32
      %dma_wait3A_161 = arith.constant 0 : i32
      %dma_wait3A_162 = tpu.memref_slice %arg2[%dma_wait3A_160, %dma_wait3A_161] : memref<10240x128xf32, #tpu.memory_space<hbm>> -> memref<10240x128xf32, #tpu.memory_space<hbm>>
      tpu.wait_indirect_dma semaphore(%arg14 : memref<!tpu.dma_semaphore, #tpu.memory_space<semaphore_mem>>) src(%dma_wait3A_162 : memref<10240x128xf32, #tpu.memory_space<hbm>>) dst(%dma_wait3A_158 : memref<128x128xf32, #tpu.memory_space<vmem>>)
      %mul3A_163 = arith.constant 128 : i32
      %mul3A_164 = arith.muli %add3A_132, %mul3A_163 : i32
      %add3A_165 = arith.addi %mul3A_2, %mul3A_164 : i32
      %dma_wait3A_166 = arith.constant 1 : i32
      %dma_wait3A_167 = arith.constant 0 : i32
      %dma_wait3A_168 = tpu.memref_slice %arg8[%dma_wait3A_166, %dma_wait3A_167] : memref<2x128xi32, #tpu.memory_space<vmem>> -> memref<1x128xi32, #tpu.memory_space<vmem>>
      %dma_wait3A_169 = tpu.memref_squeeze %dma_wait3A_168 : memref<1x128xi32, #tpu.memory_space<vmem>> -> memref<128xi32, #tpu.memory_space<vmem>>
      %dma_wait3A_170 = tpu.memref_slice %arg4[%add3A_165] : memref<320000xi32, #tpu.memory_space<hbm>> -> memref<128xi32, #tpu.memory_space<hbm>>
      %dma_wait3A_171 = arith.constant 0 : i32
      %dma_wait3A_172 = tpu.memref_slice %arg8[%dma_wait3A_166, %dma_wait3A_171] : memref<2x128xi32, #tpu.memory_space<vmem>> -> memref<1x128xi32, #tpu.memory_space<vmem>>
      %dma_wait3A_173 = tpu.memref_squeeze %dma_wait3A_172 : memref<1x128xi32, #tpu.memory_space<vmem>> -> memref<128xi32, #tpu.memory_space<vmem>>
      %dma_wait3A_174 = tpu.memref_slice %arg4[%add3A_165] : memref<320000xi32, #tpu.memory_space<hbm>> -> memref<128xi32, #tpu.memory_space<hbm>>
      tpu.wait_dma2 semaphore(%arg14 : memref<!tpu.dma_semaphore, #tpu.memory_space<semaphore_mem>>) src(%dma_wait3A_174 : memref<128xi32, #tpu.memory_space<hbm>>) dst(%dma_wait3A_173 : memref<128xi32, #tpu.memory_space<vmem>>)
      %dma_start3A_175 = arith.constant 1 : i32
      %dma_start3A_176 = arith.constant 1 : i32
      %dma_start3A_177 = arith.constant 0 : i32
      %dma_start3A_178 = arith.constant 0 : i32
      %dma_start3A_179 = tpu.memref_slice %arg11[%dma_start3A_175, %dma_start3A_177, %dma_start3A_178] : memref<2x128x128xf32, #tpu.memory_space<vmem>> -> memref<1x128x128xf32, #tpu.memory_space<vmem>>
      %dma_start3A_180 = tpu.memref_squeeze %dma_start3A_179 : memref<1x128x128xf32, #tpu.memory_space<vmem>> -> memref<128x128xf32, #tpu.memory_space<vmem>>
      %dma_start3A_181 = arith.constant 0 : i32
      %dma_start3A_182 = tpu.memref_slice %arg8[%dma_start3A_176, %dma_start3A_181] : memref<2x128xi32, #tpu.memory_space<vmem>> -> memref<1x128xi32, #tpu.memory_space<vmem>>
      %dma_start3A_183 = tpu.memref_squeeze %dma_start3A_182 : memref<1x128xi32, #tpu.memory_space<vmem>> -> memref<128xi32, #tpu.memory_space<vmem>>
      %dma_start3A_184 = arith.constant 0 : i32
      %dma_start3A_185 = arith.constant 0 : i32
      %dma_start3A_186 = tpu.memref_slice %arg12[%dma_start3A_184, %dma_start3A_185] : memref<10240x128xf32, #tpu.memory_space<vmem_shared>> -> memref<10240x128xf32, #tpu.memory_space<vmem_shared>>
      tpu.enqueue_indirect_dma source(%dma_start3A_180 : memref<128x128xf32, #tpu.memory_space<vmem>>) target(%dma_start3A_186 : memref<10240x128xf32, #tpu.memory_space<vmem_shared>>) offsets(%dma_start3A_183 : memref<128xi32, #tpu.memory_space<vmem>>) semaphore(%arg16 : memref<!tpu.dma_semaphore, #tpu.memory_space<semaphore_mem>>) {add = true}
      %scan3A_187 = arith.constant 0 : i32
      scf.yield %scan3A_187 : i32
    }
    %scan3A_49 = arith.constant 39 : i32
    %dma_wait3A = arith.constant 1 : i32
    %dma_wait3A_50 = arith.constant 1 : i32
    %dma_wait3A_51 = arith.constant 0 : i32
    %dma_wait3A_52 = arith.constant 0 : i32
    %dma_wait3A_53 = tpu.memref_slice %arg11[%dma_wait3A, %dma_wait3A_51, %dma_wait3A_52] : memref<2x128x128xf32, #tpu.memory_space<vmem>> -> memref<1x128x128xf32, #tpu.memory_space<vmem>>
    %dma_wait3A_54 = tpu.memref_squeeze %dma_wait3A_53 : memref<1x128x128xf32, #tpu.memory_space<vmem>> -> memref<128x128xf32, #tpu.memory_space<vmem>>
    %dma_wait3A_55 = arith.constant 0 : i32
    %dma_wait3A_56 = tpu.memref_slice %arg8[%dma_wait3A_50, %dma_wait3A_55] : memref<2x128xi32, #tpu.memory_space<vmem>> -> memref<1x128xi32, #tpu.memory_space<vmem>>
    %dma_wait3A_57 = tpu.memref_squeeze %dma_wait3A_56 : memref<1x128xi32, #tpu.memory_space<vmem>> -> memref<128xi32, #tpu.memory_space<vmem>>
    %dma_wait3A_58 = arith.constant 0 : i32
    %dma_wait3A_59 = arith.constant 0 : i32
    %dma_wait3A_60 = tpu.memref_slice %arg12[%dma_wait3A_58, %dma_wait3A_59] : memref<10240x128xf32, #tpu.memory_space<vmem_shared>> -> memref<10240x128xf32, #tpu.memory_space<vmem_shared>>
    tpu.wait_indirect_dma semaphore(%arg16 : memref<!tpu.dma_semaphore, #tpu.memory_space<semaphore_mem>>) src(%dma_wait3A_54 : memref<128x128xf32, #tpu.memory_space<vmem>>) dst(%dma_wait3A_60 : memref<10240x128xf32, #tpu.memory_space<vmem_shared>>)
    %get3A = arith.constant 9984 : index
    %get3A_61 = tpu.vector_load %arg7[%get3A] {strides = array<i32>} : memref<10000xi32, #tpu.memory_space<vmem>>, vector<16xi32>,
    %get3A_62 = vector.shape_cast %get3A_61 : vector<16xi32> to vector<16xi32>
    %swap3A = arith.constant 0 : index
    %swap3A_63 = tpu.vector_load %arg9[%swap3A] {strides = array<i32>} : memref<16xi32, #tpu.memory_space<vmem>>, vector<16xi32>,
    %swap3A_64 = vector.shape_cast %swap3A_63 : vector<16xi32> to vector<16xi32>
    %swap3A_65 = vector.shape_cast %get3A_62 : vector<16xi32> to vector<16xi32>
    tpu.vector_store %arg9[%swap3A], %swap3A_65 {strides = array<i32>} : memref<16xi32, #tpu.memory_space<vmem>>, vector<16xi32>,
    %add3A_66 = arith.constant 9984 : i32
    %add3A_67 = arith.addi %mul3A_2, %add3A_66 : i32
    "tpu.region"() ({
      %run_scoped3A_70 = tpu.sem_alloc : memref<!tpu.dma_semaphore, #tpu.memory_space<semaphore_mem>>
      %dma_start3A_71 = tpu.memref_slice %arg4[%add3A_67] : memref<320000xi32, #tpu.memory_space<hbm>> -> memref<16xi32, #tpu.memory_space<hbm>>
      %dma_start3A_72 = tpu.memref_slice %arg4[%add3A_67] : memref<320000xi32, #tpu.memory_space<hbm>> -> memref<16xi32, #tpu.memory_space<hbm>>
      tpu.enqueue_dma source(%dma_start3A_72 : memref<16xi32, #tpu.memory_space<hbm>>) target(%arg10 : memref<16xi32, #tpu.memory_space<vmem>>) target_semaphore(%run_scoped3A_70 : memref<!tpu.dma_semaphore, #tpu.memory_space<semaphore_mem>>)
      %dma_wait3A_73 = tpu.memref_slice %arg4[%add3A_67] : memref<320000xi32, #tpu.memory_space<hbm>> -> memref<16xi32, #tpu.memory_space<hbm>>
      %dma_wait3A_74 = tpu.memref_slice %arg4[%add3A_67] : memref<320000xi32, #tpu.memory_space<hbm>> -> memref<16xi32, #tpu.memory_space<hbm>>
      tpu.wait_dma2 semaphore(%run_scoped3A_70 : memref<!tpu.dma_semaphore, #tpu.memory_space<semaphore_mem>>) src(%dma_wait3A_74 : memref<16xi32, #tpu.memory_space<hbm>>) dst(%arg10 : memref<16xi32, #tpu.memory_space<vmem>>)
      tpu.yield
    }) : () -> ()
    %run_scoped3A = arith.constant 0 : i32
    "tpu.region"() ({
      %run_scoped3A_70 = tpu.sem_alloc : memref<!tpu.dma_semaphore, #tpu.memory_space<semaphore_mem>>
      %dma_start3A_71 = arith.constant 0 : i32
      %dma_start3A_72 = arith.constant 0 : i32
      %dma_start3A_73 = tpu.memref_slice %arg11[%run_scoped3A, %dma_start3A_71, %dma_start3A_72] : memref<2x128x128xf32, #tpu.memory_space<vmem>> -> memref<1x128x128xf32, #tpu.memory_space<vmem>>
      %dma_start3A_74 = tpu.memref_squeeze %dma_start3A_73 : memref<1x128x128xf32, #tpu.memory_space<vmem>> -> memref<128x128xf32, #tpu.memory_space<vmem>>
      %dma_start3A_75 = arith.constant 0 : i32
      %dma_start3A_76 = arith.constant 0 : i32
      %dma_start3A_77 = tpu.memref_slice %dma_start3A_74[%dma_start3A_75, %dma_start3A_76] : memref<128x128xf32, #tpu.memory_space<vmem>> -> memref<16x128xf32, #tpu.memory_space<vmem>>
      %dma_start3A_78 = arith.constant 0 : i32
      %dma_start3A_79 = arith.constant 0 : i32
      %dma_start3A_80 = tpu.memref_slice %arg2[%dma_start3A_78, %dma_start3A_79] : memref<10240x128xf32, #tpu.memory_space<hbm>> -> memref<10240x128xf32, #tpu.memory_space<hbm>>
      tpu.enqueue_indirect_dma source(%dma_start3A_80 : memref<10240x128xf32, #tpu.memory_space<hbm>>) target(%dma_start3A_77 : memref<16x128xf32, #tpu.memory_space<vmem>>) offsets(%arg9 : memref<16xi32, #tpu.memory_space<vmem>>) semaphore(%run_scoped3A_70 : memref<!tpu.dma_semaphore, #tpu.memory_space<semaphore_mem>>)
      %dma_wait3A_81 = arith.constant 0 : i32
      %dma_wait3A_82 = arith.constant 0 : i32
      %dma_wait3A_83 = tpu.memref_slice %arg11[%run_scoped3A, %dma_wait3A_81, %dma_wait3A_82] : memref<2x128x128xf32, #tpu.memory_space<vmem>> -> memref<1x128x128xf32, #tpu.memory_space<vmem>>
      %dma_wait3A_84 = tpu.memref_squeeze %dma_wait3A_83 : memref<1x128x128xf32, #tpu.memory_space<vmem>> -> memref<128x128xf32, #tpu.memory_space<vmem>>
      %dma_wait3A_85 = arith.constant 0 : i32
      %dma_wait3A_86 = arith.constant 0 : i32
      %dma_wait3A_87 = tpu.memref_slice %dma_wait3A_84[%dma_wait3A_85, %dma_wait3A_86] : memref<128x128xf32, #tpu.memory_space<vmem>> -> memref<16x128xf32, #tpu.memory_space<vmem>>
      %dma_wait3A_88 = arith.constant 0 : i32
      %dma_wait3A_89 = arith.constant 0 : i32
      %dma_wait3A_90 = tpu.memref_slice %arg2[%dma_wait3A_88, %dma_wait3A_89] : memref<10240x128xf32, #tpu.memory_space<hbm>> -> memref<10240x128xf32, #tpu.memory_space<hbm>>
      tpu.wait_indirect_dma semaphore(%run_scoped3A_70 : memref<!tpu.dma_semaphore, #tpu.memory_space<semaphore_mem>>) src(%dma_wait3A_90 : memref<10240x128xf32, #tpu.memory_space<hbm>>) dst(%dma_wait3A_87 : memref<16x128xf32, #tpu.memory_space<vmem>>)
      tpu.yield
    }) : () -> ()
    %run_scoped3A_68 = arith.constant 0 : i32
    "tpu.region"() ({
      %run_scoped3A_70 = tpu.sem_alloc : memref<!tpu.dma_semaphore, #tpu.memory_space<semaphore_mem>>
      %dma_start3A_71 = arith.constant 0 : i32
      %dma_start3A_72 = arith.constant 0 : i32
      %dma_start3A_73 = tpu.memref_slice %arg11[%run_scoped3A_68, %dma_start3A_71, %dma_start3A_72] : memref<2x128x128xf32, #tpu.memory_space<vmem>> -> memref<1x128x128xf32, #tpu.memory_space<vmem>>
      %dma_start3A_74 = tpu.memref_squeeze %dma_start3A_73 : memref<1x128x128xf32, #tpu.memory_space<vmem>> -> memref<128x128xf32, #tpu.memory_space<vmem>>
      %dma_start3A_75 = arith.constant 0 : i32
      %dma_start3A_76 = arith.constant 0 : i32
      %dma_start3A_77 = tpu.memref_slice %dma_start3A_74[%dma_start3A_75, %dma_start3A_76] : memref<128x128xf32, #tpu.memory_space<vmem>> -> memref<16x128xf32, #tpu.memory_space<vmem>>
      %dma_start3A_78 = arith.constant 0 : i32
      %dma_start3A_79 = arith.constant 0 : i32
      %dma_start3A_80 = tpu.memref_slice %arg12[%dma_start3A_78, %dma_start3A_79] : memref<10240x128xf32, #tpu.memory_space<vmem_shared>> -> memref<10240x128xf32, #tpu.memory_space<vmem_shared>>
      tpu.enqueue_indirect_dma source(%dma_start3A_77 : memref<16x128xf32, #tpu.memory_space<vmem>>) target(%dma_start3A_80 : memref<10240x128xf32, #tpu.memory_space<vmem_shared>>) offsets(%arg10 : memref<16xi32, #tpu.memory_space<vmem>>) semaphore(%run_scoped3A_70 : memref<!tpu.dma_semaphore, #tpu.memory_space<semaphore_mem>>) {add = true}
      %dma_wait3A_81 = arith.constant 0 : i32
      %dma_wait3A_82 = arith.constant 0 : i32
      %dma_wait3A_83 = tpu.memref_slice %arg11[%run_scoped3A_68, %dma_wait3A_81, %dma_wait3A_82] : memref<2x128x128xf32, #tpu.memory_space<vmem>> -> memref<1x128x128xf32, #tpu.memory_space<vmem>>
      %dma_wait3A_84 = tpu.memref_squeeze %dma_wait3A_83 : memref<1x128x128xf32, #tpu.memory_space<vmem>> -> memref<128x128xf32, #tpu.memory_space<vmem>>
      %dma_wait3A_85 = arith.constant 0 : i32
      %dma_wait3A_86 = arith.constant 0 : i32
      %dma_wait3A_87 = tpu.memref_slice %dma_wait3A_84[%dma_wait3A_85, %dma_wait3A_86] : memref<128x128xf32, #tpu.memory_space<vmem>> -> memref<16x128xf32, #tpu.memory_space<vmem>>
      %dma_wait3A_88 = arith.constant 0 : i32
      %dma_wait3A_89 = arith.constant 0 : i32
      %dma_wait3A_90 = tpu.memref_slice %arg12[%dma_wait3A_88, %dma_wait3A_89] : memref<10240x128xf32, #tpu.memory_space<vmem_shared>> -> memref<10240x128xf32, #tpu.memory_space<vmem_shared>>
      tpu.wait_indirect_dma semaphore(%run_scoped3A_70 : memref<!tpu.dma_semaphore, #tpu.memory_space<semaphore_mem>>) src(%dma_wait3A_87 : memref<16x128xf32, #tpu.memory_space<vmem>>) dst(%dma_wait3A_90 : memref<10240x128xf32, #tpu.memory_space<vmem_shared>>)
      tpu.yield
    }) : () -> ()
    %barrier3A_69 = arith.constant 0 : index
    tpu.barrier barrier_id(%barrier3A_69)
    "tpu.region"() ({
      %run_scoped3A_70 = tpu.sem_alloc : memref<!tpu.dma_semaphore, #tpu.memory_space<semaphore_mem>>
      %dma_start3A_71 = arith.constant 0 : i32
      %dma_start3A_72 = tpu.memref_slice %arg6[%arg0, %mul3A_4, %dma_start3A_71] : memref<2x10240x128xf32, #tpu.memory_space<hbm>> -> memref<1x640x128xf32, #tpu.memory_space<hbm>>
      %dma_start3A_73 = tpu.memref_squeeze %dma_start3A_72 : memref<1x640x128xf32, #tpu.memory_space<hbm>> -> memref<640x128xf32, #tpu.memory_space<hbm>>
      %dma_start3A_74 = arith.constant 0 : i32
      %dma_start3A_75 = tpu.memref_slice %arg12[%mul3A_4, %dma_start3A_74] : memref<10240x128xf32, #tpu.memory_space<vmem_shared>> -> memref<640x128xf32, #tpu.memory_space<vmem_shared>>
      tpu.enqueue_dma source(%dma_start3A_75 : memref<640x128xf32, #tpu.memory_space<vmem_shared>>) target(%dma_start3A_73 : memref<640x128xf32, #tpu.memory_space<hbm>>) target_semaphore(%run_scoped3A_70 : memref<!tpu.dma_semaphore, #tpu.memory_space<semaphore_mem>>)
      %dma_wait3A_76 = arith.constant 0 : i32
      %dma_wait3A_77 = tpu.memref_slice %arg6[%arg0, %mul3A_4, %dma_wait3A_76] : memref<2x10240x128xf32, #tpu.memory_space<hbm>> -> memref<1x640x128xf32, #tpu.memory_space<hbm>>
      %dma_wait3A_78 = tpu.memref_squeeze %dma_wait3A_77 : memref<1x640x128xf32, #tpu.memory_space<hbm>> -> memref<640x128xf32, #tpu.memory_space<hbm>>
      %dma_wait3A_79 = arith.constant 0 : i32
      %dma_wait3A_80 = tpu.memref_slice %arg12[%mul3A_4, %dma_wait3A_79] : memref<10240x128xf32, #tpu.memory_space<vmem_shared>> -> memref<640x128xf32, #tpu.memory_space<vmem_shared>>
      tpu.wait_dma2 semaphore(%run_scoped3A_70 : memref<!tpu.dma_semaphore, #tpu.memory_space<semaphore_mem>>) src(%dma_wait3A_80 : memref<640x128xf32, #tpu.memory_space<vmem_shared>>) dst(%dma_wait3A_78 : memref<640x128xf32, #tpu.memory_space<hbm>>)
      tpu.yield
    }) : () -> ()
    return
  }
}

#map = affine_map<(d0, d1) -> (0, 0)>
#map1 = affine_map<(d0, d1) -> (0)>
#map2 = affine_map<(d0, d1) -> (0, 0, 0)>
module attributes {stable_mosaic.version = 14 : i64} {
  func.func @_prop_kernel(%arg0: i32, %arg1: i32, %arg2: memref<10240x128xf32, #tpu.memory_space<hbm>>, %arg3: memref<320000xi32, #tpu.memory_space<hbm>>, %arg4: memref<320000xi32, #tpu.memory_space<hbm>>, %arg5: memref<10240x128xf32, #tpu.memory_space<hbm>>, %arg6: memref<2x10240x128xf32, #tpu.memory_space<hbm>>, %arg7: memref<10000xi32, #tpu.memory_space<vmem>>, %arg8: memref<2x128xi32, #tpu.memory_space<vmem>>, %arg9: memref<16xi32, #tpu.memory_space<vmem>>, %arg10: memref<16xi32, #tpu.memory_space<vmem>>, %arg11: memref<2x128x128xf32, #tpu.memory_space<vmem>>, %arg12: memref<10240x128xf32, #tpu.memory_space<vmem_shared>>, %arg13: memref<!tpu.dma_semaphore, #tpu.memory_space<semaphore_mem>>, %arg14: memref<!tpu.dma_semaphore, #tpu.memory_space<semaphore_mem>>, %arg15: memref<!tpu.dma_semaphore, #tpu.memory_space<semaphore_mem>>, %arg16: memref<!tpu.dma_semaphore, #tpu.memory_space<semaphore_mem>>) attributes {dimension_semantics = [#tpu.dimension_semantics<core_parallel>, #tpu.dimension_semantics<subcore_parallel>], iteration_bounds = array<i64: 2, 16>, scalar_prefetch = 0 : i64, scratch_operands = 10 : i64, tpu.core_type = #tpu.core_type<sc_vector_subcore>, window_params = [{transform_indices = #map}, {transform_indices = #map1}, {transform_indices = #map1}, {transform_indices = #map}, {transform_indices = #map2}]} {
    %mul3A = arith.constant 16 : i32
    %mul3A_0 = arith.muli %arg0, %mul3A : i32
    %add3A = arith.addi %mul3A_0, %arg1 : i32
    %mul3A_1 = arith.constant 10000 : i32
    %mul3A_2 = arith.muli %add3A, %mul3A_1 : i32
    %mul3A_3 = arith.constant 640 : i32
    %mul3A_4 = arith.muli %arg1, %mul3A_3 : i32
    %eq3A = arith.constant 0 : i32
    %eq3A_5 = arith.cmpi eq, %arg0, %eq3A : i32
    %convert_element_type3A = arith.extui %eq3A_5 : i1 to i32
    %cond3A = arith.constant 0 : i32
    %cond3A_6 = arith.cmpi ne, %convert_element_type3A, %cond3A : i32
    scf.if %cond3A_6 {
      "tpu.region"() ({
        %run_scoped3A_70 = tpu.sem_alloc : memref<!tpu.dma_semaphore, #tpu.memory_space<semaphore_mem>>
        %dma_start3A_71 = arith.constant 0 : i32
        %dma_start3A_72 = tpu.memref_slice %arg12[%mul3A_4, %dma_start3A_71] : memref<10240x128xf32, #tpu.memory_space<vmem_shared>> -> memref<640x128xf32, #tpu.memory_space<vmem_shared>>
        %dma_start3A_73 = arith.constant 0 : i32
        %dma_start3A_74 = tpu.memref_slice %arg2[%mul3A_4, %dma_start3A_73] : memref<10240x128xf32, #tpu.memory_space<hbm>> -> memref<640x128xf32, #tpu.memory_space<hbm>>
        tpu.enqueue_dma source(%dma_start3A_74 : memref<640x128xf32, #tpu.memory_space<hbm>>) target(%dma_start3A_72 : memref<640x128xf32, #tpu.memory_space<vmem_shared>>) target_semaphore(%run_scoped3A_70 : memref<!tpu.dma_semaphore, #tpu.memory_space<semaphore_mem>>)
        %dma_wait3A_75 = arith.constant 0 : i32
        %dma_wait3A_76 = tpu.memref_slice %arg12[%mul3A_4, %dma_wait3A_75] : memref<10240x128xf32, #tpu.memory_space<vmem_shared>> -> memref<640x128xf32, #tpu.memory_space<vmem_shared>>
        %dma_wait3A_77 = arith.constant 0 : i32
        %dma_wait3A_78 = tpu.memref_slice %arg2[%mul3A_4, %dma_wait3A_77] : memref<10240x128xf32, #tpu.memory_space<hbm>> -> memref<640x128xf32, #tpu.memory_space<hbm>>
        tpu.wait_dma2 semaphore(%run_scoped3A_70 : memref<!tpu.dma_semaphore, #tpu.memory_space<semaphore_mem>>) src(%dma_wait3A_78 : memref<640x128xf32, #tpu.memory_space<hbm>>) dst(%dma_wait3A_76 : memref<640x128xf32, #tpu.memory_space<vmem_shared>>)
        tpu.yield
      }) : () -> ()
    } else {
    }
    %ne3A = arith.constant 0 : i32
    %ne3A_7 = arith.cmpi ne, %arg0, %ne3A : i32
    %convert_element_type3A_8 = arith.extui %ne3A_7 : i1 to i32
    %cond3A_9 = arith.constant 0 : i32
    %cond3A_10 = arith.cmpi ne, %convert_element_type3A_8, %cond3A_9 : i32
    scf.if %cond3A_10 {
      "tpu.region"() ({
        %run_scoped3A_70 = tpu.sem_alloc : memref<!tpu.dma_semaphore, #tpu.memory_space<semaphore_mem>>
        %dma_start3A_71 = arith.constant 0 : i32
        %dma_start3A_72 = tpu.memref_slice %arg12[%mul3A_4, %dma_start3A_71] : memref<10240x128xf32, #tpu.memory_space<vmem_shared>> -> memref<640x128xf32, #tpu.memory_space<vmem_shared>>
        %dma_start3A_73 = arith.constant 0 : i32
        %dma_start3A_74 = tpu.memref_slice %arg5[%mul3A_4, %dma_start3A_73] : memref<10240x128xf32, #tpu.memory_space<hbm>> -> memref<640x128xf32, #tpu.memory_space<hbm>>
        tpu.enqueue_dma source(%dma_start3A_74 : memref<640x128xf32, #tpu.memory_space<hbm>>) target(%dma_start3A_72 : memref<640x128xf32, #tpu.memory_space<vmem_shared>>) target_semaphore(%run_scoped3A_70 : memref<!tpu.dma_semaphore, #tpu.memory_space<semaphore_mem>>)
        %dma_wait3A_75 = arith.constant 0 : i32
        %dma_wait3A_76 = tpu.memref_slice %arg12[%mul3A_4, %dma_wait3A_75] : memref<10240x128xf32, #tpu.memory_space<vmem_shared>> -> memref<640x128xf32, #tpu.memory_space<vmem_shared>>
        %dma_wait3A_77 = arith.constant 0 : i32
        %dma_wait3A_78 = tpu.memref_slice %arg5[%mul3A_4, %dma_wait3A_77] : memref<10240x128xf32, #tpu.memory_space<hbm>> -> memref<640x128xf32, #tpu.memory_space<hbm>>
        tpu.wait_dma2 semaphore(%run_scoped3A_70 : memref<!tpu.dma_semaphore, #tpu.memory_space<semaphore_mem>>) src(%dma_wait3A_78 : memref<640x128xf32, #tpu.memory_space<hbm>>) dst(%dma_wait3A_76 : memref<640x128xf32, #tpu.memory_space<vmem_shared>>)
        tpu.yield
      }) : () -> ()
    } else {
    }
    "tpu.region"() ({
      %run_scoped3A_70 = tpu.sem_alloc : memref<!tpu.dma_semaphore, #tpu.memory_space<semaphore_mem>>
      %dma_start3A_71 = tpu.memref_slice %arg3[%mul3A_2] : memref<320000xi32, #tpu.memory_space<hbm>> -> memref<10000xi32, #tpu.memory_space<hbm>>
      %dma_start3A_72 = tpu.memref_slice %arg3[%mul3A_2] : memref<320000xi32, #tpu.memory_space<hbm>> -> memref<10000xi32, #tpu.memory_space<hbm>>
      tpu.enqueue_dma source(%dma_start3A_72 : memref<10000xi32, #tpu.memory_space<hbm>>) target(%arg7 : memref<10000xi32, #tpu.memory_space<vmem>>) target_semaphore(%run_scoped3A_70 : memref<!tpu.dma_semaphore, #tpu.memory_space<semaphore_mem>>)
      %dma_wait3A_73 = tpu.memref_slice %arg3[%mul3A_2] : memref<320000xi32, #tpu.memory_space<hbm>> -> memref<10000xi32, #tpu.memory_space<hbm>>
      %dma_wait3A_74 = tpu.memref_slice %arg3[%mul3A_2] : memref<320000xi32, #tpu.memory_space<hbm>> -> memref<10000xi32, #tpu.memory_space<hbm>>
      tpu.wait_dma2 semaphore(%run_scoped3A_70 : memref<!tpu.dma_semaphore, #tpu.memory_space<semaphore_mem>>) src(%dma_wait3A_74 : memref<10000xi32, #tpu.memory_space<hbm>>) dst(%arg7 : memref<10000xi32, #tpu.memory_space<vmem>>)
      tpu.yield
    }) : () -> ()
    %barrier3A = arith.constant 0 : index
    tpu.barrier barrier_id(%barrier3A)
    %dma_start3A = arith.constant 1 : i32
    %dma_start3A_11 = arith.constant 0 : i32
    %dma_start3A_12 = arith.constant 0 : i32
    %dma_start3A_13 = tpu.memref_slice %arg11[%dma_start3A, %dma_start3A_11, %dma_start3A_12] : memref<2x128x128xf32, #tpu.memory_space<vmem>> -> memref<1x128x128xf32, #tpu.memory_space<vmem>>
    %dma_start3A_14 = tpu.memref_squeeze %dma_start3A_13 : memref<1x128x128xf32, #tpu.memory_space<vmem>> -> memref<128x128xf32, #tpu.memory_space<vmem>>
    %dma_start3A_15 = arith.constant 0 : i32
    %dma_start3A_16 = arith.constant 0 : i32
    %dma_start3A_17 = tpu.memref_slice %arg5[%dma_start3A_15, %dma_start3A_16] : memref<10240x128xf32, #tpu.memory_space<hbm>> -> memref<128x128xf32, #tpu.memory_space<hbm>>
    %dma_start3A_18 = arith.constant 0 : i32
    %dma_start3A_19 = arith.constant 0 : i32
    %dma_start3A_20 = tpu.memref_slice %arg11[%dma_start3A, %dma_start3A_18, %dma_start3A_19] : memref<2x128x128xf32, #tpu.memory_space<vmem>> -> memref<1x128x128xf32, #tpu.memory_space<vmem>>
    %dma_start3A_21 = tpu.memref_squeeze %dma_start3A_20 : memref<1x128x128xf32, #tpu.memory_space<vmem>> -> memref<128x128xf32, #tpu.memory_space<vmem>>
    %dma_start3A_22 = arith.constant 0 : i32
    %dma_start3A_23 = arith.constant 0 : i32
    %dma_start3A_24 = tpu.memref_slice %arg5[%dma_start3A_22, %dma_start3A_23] : memref<10240x128xf32, #tpu.memory_space<hbm>> -> memref<128x128xf32, #tpu.memory_space<hbm>>
    tpu.enqueue_dma source(%dma_start3A_24 : memref<128x128xf32, #tpu.memory_space<hbm>>) target(%dma_start3A_21 : memref<128x128xf32, #tpu.memory_space<vmem>>) target_semaphore(%arg16 : memref<!tpu.dma_semaphore, #tpu.memory_space<semaphore_mem>>)
    %dma_start3A_25 = arith.constant 0 : i32
    %dma_start3A_26 = arith.constant 0 : i32
    %dma_start3A_27 = arith.constant 0 : i32
    %dma_start3A_28 = tpu.memref_slice %arg11[%dma_start3A_25, %dma_start3A_26, %dma_start3A_27] : memref<2x128x128xf32, #tpu.memory_space<vmem>> -> memref<1x128x128xf32, #tpu.memory_space<vmem>>
    %dma_start3A_29 = tpu.memref_squeeze %dma_start3A_28 : memref<1x128x128xf32, #tpu.memory_space<vmem>> -> memref<128x128xf32, #tpu.memory_space<vmem>>
    %dma_start3A_30 = arith.constant 0 : i32
    %dma_start3A_31 = tpu.memref_slice %arg7[%dma_start3A_30] : memref<10000xi32, #tpu.memory_space<vmem>> -> memref<128xi32, #tpu.memory_space<vmem>>
    %dma_start3A_32 = arith.constant 0 : i32
    %dma_start3A_33 = arith.constant 0 : i32
    %dma_start3A_34 = tpu.memref_slice %arg2[%dma_start3A_32, %dma_start3A_33] : memref<10240x128xf32, #tpu.memory_space<hbm>> -> memref<10240x128xf32, #tpu.memory_space<hbm>>
    tpu.enqueue_indirect_dma source(%dma_start3A_34 : memref<10240x128xf32, #tpu.memory_space<hbm>>) target(%dma_start3A_29 : memref<128x128xf32, #tpu.memory_space<vmem>>) offsets(%dma_start3A_31 : memref<128xi32, #tpu.memory_space<vmem>>) semaphore(%arg13 : memref<!tpu.dma_semaphore, #tpu.memory_space<semaphore_mem>>)
    %dma_start3A_35 = arith.constant 0 : i32
    %dma_start3A_36 = arith.constant 0 : i32
    %dma_start3A_37 = tpu.memref_slice %arg8[%dma_start3A_35, %dma_start3A_36] : memref<2x128xi32, #tpu.memory_space<vmem>> -> memref<1x128xi32, #tpu.memory_space<vmem>>
    %dma_start3A_38 = tpu.memref_squeeze %dma_start3A_37 : memref<1x128xi32, #tpu.memory_space<vmem>> -> memref<128xi32, #tpu.memory_space<vmem>>
    %dma_start3A_39 = tpu.memref_slice %arg4[%mul3A_2] : memref<320000xi32, #tpu.memory_space<hbm>> -> memref<128xi32, #tpu.memory_space<hbm>>
    %dma_start3A_40 = arith.constant 0 : i32
    %dma_start3A_41 = tpu.memref_slice %arg8[%dma_start3A_35, %dma_start3A_40] : memref<2x128xi32, #tpu.memory_space<vmem>> -> memref<1x128xi32, #tpu.memory_space<vmem>>
    %dma_start3A_42 = tpu.memref_squeeze %dma_start3A_41 : memref<1x128xi32, #tpu.memory_space<vmem>> -> memref<128xi32, #tpu.memory_space<vmem>>
    %dma_start3A_43 = tpu.memref_slice %arg4[%mul3A_2] : memref<320000xi32, #tpu.memory_space<hbm>> -> memref<128xi32, #tpu.memory_space<hbm>>
    tpu.enqueue_dma source(%dma_start3A_43 : memref<128xi32, #tpu.memory_space<hbm>>) target(%dma_start3A_42 : memref<128xi32, #tpu.memory_space<vmem>>) target_semaphore(%arg13 : memref<!tpu.dma_semaphore, #tpu.memory_space<semaphore_mem>>)
    %scan3A = arith.constant 0 : i32
    %scan3A_44 = arith.constant 0 : i32
    %scan3A_45 = arith.constant 39 : i32
    %scan3A_46 = arith.addi %scan3A_44, %scan3A_45 : i32
    %scan3A_47 = arith.constant 1 : i32
    %scan3A_48 = scf.for %scan3A_70 = %scan3A_44 to %scan3A_46 step %scan3A_47 iter_args(%scan3A_71 = %scan3A) -> (i32)  : i32 {
      %mul3A_72 = arith.constant 2 : i32
      %mul3A_73 = arith.muli %scan3A_70, %mul3A_72 : i32
      %add3A_74 = arith.constant 0 : i32
      %add3A_75 = arith.addi %mul3A_73, %add3A_74 : i32
      %dma_wait3A_76 = arith.constant 1 : i32
      %dma_wait3A_77 = arith.constant 1 : i32
      %dma_wait3A_78 = arith.constant 0 : i32
      %dma_wait3A_79 = arith.constant 0 : i32
      %dma_wait3A_80 = tpu.memref_slice %arg11[%dma_wait3A_76, %dma_wait3A_78, %dma_wait3A_79] : memref<2x128x128xf32, #tpu.memory_space<vmem>> -> memref<1x128x128xf32, #tpu.memory_space<vmem>>
      %dma_wait3A_81 = tpu.memref_squeeze %dma_wait3A_80 : memref<1x128x128xf32, #tpu.memory_space<vmem>> -> memref<128x128xf32, #tpu.memory_space<vmem>>
      %dma_wait3A_82 = arith.constant 0 : i32
      %dma_wait3A_83 = tpu.memref_slice %arg8[%dma_wait3A_77, %dma_wait3A_82] : memref<2x128xi32, #tpu.memory_space<vmem>> -> memref<1x128xi32, #tpu.memory_space<vmem>>
      %dma_wait3A_84 = tpu.memref_squeeze %dma_wait3A_83 : memref<1x128xi32, #tpu.memory_space<vmem>> -> memref<128xi32, #tpu.memory_space<vmem>>
      %dma_wait3A_85 = arith.constant 0 : i32
      %dma_wait3A_86 = arith.constant 0 : i32
      %dma_wait3A_87 = tpu.memref_slice %arg12[%dma_wait3A_85, %dma_wait3A_86] : memref<10240x128xf32, #tpu.memory_space<vmem_shared>> -> memref<10240x128xf32, #tpu.memory_space<vmem_shared>>
      tpu.wait_indirect_dma semaphore(%arg16 : memref<!tpu.dma_semaphore, #tpu.memory_space<semaphore_mem>>) src(%dma_wait3A_81 : memref<128x128xf32, #tpu.memory_space<vmem>>) dst(%dma_wait3A_87 : memref<10240x128xf32, #tpu.memory_space<vmem_shared>>)
      %add3A_88 = arith.constant 1 : i32
      %add3A_89 = arith.addi %add3A_75, %add3A_88 : i32
      %lt3A = arith.constant 78 : i32
      %lt3A_90 = arith.cmpi slt, %add3A_89, %lt3A : i32
      %convert_element_type3A_91 = arith.extui %lt3A_90 : i1 to i32
      %cond3A_92 = arith.constant 0 : i32
      %cond3A_93 = arith.cmpi ne, %convert_element_type3A_91, %cond3A_92 : i32
      scf.if %cond3A_93 {
        %add3A_188 = arith.constant 1 : i32
        %add3A_189 = arith.addi %add3A_75, %add3A_188 : i32
        %mul3A_190 = arith.constant 128 : i32
        %mul3A_191 = arith.muli %add3A_189, %mul3A_190 : i32
        %dma_start3A_192 = arith.constant 1 : i32
        %dma_start3A_193 = arith.constant 0 : i32
        %dma_start3A_194 = arith.constant 0 : i32
        %dma_start3A_195 = tpu.memref_slice %arg11[%dma_start3A_192, %dma_start3A_193, %dma_start3A_194] : memref<2x128x128xf32, #tpu.memory_space<vmem>> -> memref<1x128x128xf32, #tpu.memory_space<vmem>>
        %dma_start3A_196 = tpu.memref_squeeze %dma_start3A_195 : memref<1x128x128xf32, #tpu.memory_space<vmem>> -> memref<128x128xf32, #tpu.memory_space<vmem>>
        %dma_start3A_197 = tpu.memref_slice %arg7[%mul3A_191] : memref<10000xi32, #tpu.memory_space<vmem>> -> memref<128xi32, #tpu.memory_space<vmem>>
        %dma_start3A_198 = arith.constant 0 : i32
        %dma_start3A_199 = arith.constant 0 : i32
        %dma_start3A_200 = tpu.memref_slice %arg2[%dma_start3A_198, %dma_start3A_199] : memref<10240x128xf32, #tpu.memory_space<hbm>> -> memref<10240x128xf32, #tpu.memory_space<hbm>>
        tpu.enqueue_indirect_dma source(%dma_start3A_200 : memref<10240x128xf32, #tpu.memory_space<hbm>>) target(%dma_start3A_196 : memref<128x128xf32, #tpu.memory_space<vmem>>) offsets(%dma_start3A_197 : memref<128xi32, #tpu.memory_space<vmem>>) semaphore(%arg14 : memref<!tpu.dma_semaphore, #tpu.memory_space<semaphore_mem>>)
        %add3A_201 = arith.constant 1 : i32
        %add3A_202 = arith.addi %add3A_75, %add3A_201 : i32
        %mul3A_203 = arith.constant 128 : i32
        %mul3A_204 = arith.muli %add3A_202, %mul3A_203 : i32
        %add3A_205 = arith.addi %mul3A_2, %mul3A_204 : i32
        %dma_start3A_206 = arith.constant 1 : i32
        %dma_start3A_207 = arith.constant 0 : i32
        %dma_start3A_208 = tpu.memref_slice %arg8[%dma_start3A_206, %dma_start3A_207] : memref<2x128xi32, #tpu.memory_space<vmem>> -> memref<1x128xi32, #tpu.memory_space<vmem>>
        %dma_start3A_209 = tpu.memref_squeeze %dma_start3A_208 : memref<1x128xi32, #tpu.memory_space<vmem>> -> memref<128xi32, #tpu.memory_space<vmem>>
        %dma_start3A_210 = tpu.memref_slice %arg4[%add3A_205] : memref<320000xi32, #tpu.memory_space<hbm>> -> memref<128xi32, #tpu.memory_space<hbm>>
        %dma_start3A_211 = arith.constant 0 : i32
        %dma_start3A_212 = tpu.memref_slice %arg8[%dma_start3A_206, %dma_start3A_211] : memref<2x128xi32, #tpu.memory_space<vmem>> -> memref<1x128xi32, #tpu.memory_space<vmem>>
        %dma_start3A_213 = tpu.memref_squeeze %dma_start3A_212 : memref<1x128xi32, #tpu.memory_space<vmem>> -> memref<128xi32, #tpu.memory_space<vmem>>
        %dma_start3A_214 = tpu.memref_slice %arg4[%add3A_205] : memref<320000xi32, #tpu.memory_space<hbm>> -> memref<128xi32, #tpu.memory_space<hbm>>
        tpu.enqueue_dma source(%dma_start3A_214 : memref<128xi32, #tpu.memory_space<hbm>>) target(%dma_start3A_213 : memref<128xi32, #tpu.memory_space<vmem>>) target_semaphore(%arg14 : memref<!tpu.dma_semaphore, #tpu.memory_space<semaphore_mem>>)
      } else {
      }
      %mul3A_94 = arith.constant 128 : i32
      %mul3A_95 = arith.muli %add3A_75, %mul3A_94 : i32
      %dma_wait3A_96 = arith.constant 0 : i32
      %dma_wait3A_97 = arith.constant 0 : i32
      %dma_wait3A_98 = arith.constant 0 : i32
      %dma_wait3A_99 = tpu.memref_slice %arg11[%dma_wait3A_96, %dma_wait3A_97, %dma_wait3A_98] : memref<2x128x128xf32, #tpu.memory_space<vmem>> -> memref<1x128x128xf32, #tpu.memory_space<vmem>>
      %dma_wait3A_100 = tpu.memref_squeeze %dma_wait3A_99 : memref<1x128x128xf32, #tpu.memory_space<vmem>> -> memref<128x128xf32, #tpu.memory_space<vmem>>
      %dma_wait3A_101 = tpu.memref_slice %arg7[%mul3A_95] : memref<10000xi32, #tpu.memory_space<vmem>> -> memref<128xi32, #tpu.memory_space<vmem>>
      %dma_wait3A_102 = arith.constant 0 : i32
      %dma_wait3A_103 = arith.constant 0 : i32
      %dma_wait3A_104 = tpu.memref_slice %arg2[%dma_wait3A_102, %dma_wait3A_103] : memref<10240x128xf32, #tpu.memory_space<hbm>> -> memref<10240x128xf32, #tpu.memory_space<hbm>>
      tpu.wait_indirect_dma semaphore(%arg13 : memref<!tpu.dma_semaphore, #tpu.memory_space<semaphore_mem>>) src(%dma_wait3A_104 : memref<10240x128xf32, #tpu.memory_space<hbm>>) dst(%dma_wait3A_100 : memref<128x128xf32, #tpu.memory_space<vmem>>)
      %mul3A_105 = arith.constant 128 : i32
      %mul3A_106 = arith.muli %add3A_75, %mul3A_105 : i32
      %add3A_107 = arith.addi %mul3A_2, %mul3A_106 : i32
      %dma_wait3A_108 = arith.constant 0 : i32
      %dma_wait3A_109 = arith.constant 0 : i32
      %dma_wait3A_110 = tpu.memref_slice %arg8[%dma_wait3A_108, %dma_wait3A_109] : memref<2x128xi32, #tpu.memory_space<vmem>> -> memref<1x128xi32, #tpu.memory_space<vmem>>
      %dma_wait3A_111 = tpu.memref_squeeze %dma_wait3A_110 : memref<1x128xi32, #tpu.memory_space<vmem>> -> memref<128xi32, #tpu.memory_space<vmem>>
      %dma_wait3A_112 = tpu.memref_slice %arg4[%add3A_107] : memref<320000xi32, #tpu.memory_space<hbm>> -> memref<128xi32, #tpu.memory_space<hbm>>
      %dma_wait3A_113 = arith.constant 0 : i32
      %dma_wait3A_114 = tpu.memref_slice %arg8[%dma_wait3A_108, %dma_wait3A_113] : memref<2x128xi32, #tpu.memory_space<vmem>> -> memref<1x128xi32, #tpu.memory_space<vmem>>
      %dma_wait3A_115 = tpu.memref_squeeze %dma_wait3A_114 : memref<1x128xi32, #tpu.memory_space<vmem>> -> memref<128xi32, #tpu.memory_space<vmem>>
      %dma_wait3A_116 = tpu.memref_slice %arg4[%add3A_107] : memref<320000xi32, #tpu.memory_space<hbm>> -> memref<128xi32, #tpu.memory_space<hbm>>
      tpu.wait_dma2 semaphore(%arg13 : memref<!tpu.dma_semaphore, #tpu.memory_space<semaphore_mem>>) src(%dma_wait3A_116 : memref<128xi32, #tpu.memory_space<hbm>>) dst(%dma_wait3A_115 : memref<128xi32, #tpu.memory_space<vmem>>)
      %dma_start3A_117 = arith.constant 0 : i32
      %dma_start3A_118 = arith.constant 0 : i32
      %dma_start3A_119 = arith.constant 0 : i32
      %dma_start3A_120 = arith.constant 0 : i32
      %dma_start3A_121 = tpu.memref_slice %arg11[%dma_start3A_117, %dma_start3A_119, %dma_start3A_120] : memref<2x128x128xf32, #tpu.memory_space<vmem>> -> memref<1x128x128xf32, #tpu.memory_space<vmem>>
      %dma_start3A_122 = tpu.memref_squeeze %dma_start3A_121 : memref<1x128x128xf32, #tpu.memory_space<vmem>> -> memref<128x128xf32, #tpu.memory_space<vmem>>
      %dma_start3A_123 = arith.constant 0 : i32
      %dma_start3A_124 = tpu.memref_slice %arg8[%dma_start3A_118, %dma_start3A_123] : memref<2x128xi32, #tpu.memory_space<vmem>> -> memref<1x128xi32, #tpu.memory_space<vmem>>
      %dma_start3A_125 = tpu.memref_squeeze %dma_start3A_124 : memref<1x128xi32, #tpu.memory_space<vmem>> -> memref<128xi32, #tpu.memory_space<vmem>>
      %dma_start3A_126 = arith.constant 0 : i32
      %dma_start3A_127 = arith.constant 0 : i32
      %dma_start3A_128 = tpu.memref_slice %arg12[%dma_start3A_126, %dma_start3A_127] : memref<10240x128xf32, #tpu.memory_space<vmem_shared>> -> memref<10240x128xf32, #tpu.memory_space<vmem_shared>>
      tpu.enqueue_indirect_dma source(%dma_start3A_122 : memref<128x128xf32, #tpu.memory_space<vmem>>) target(%dma_start3A_128 : memref<10240x128xf32, #tpu.memory_space<vmem_shared>>) offsets(%dma_start3A_125 : memref<128xi32, #tpu.memory_space<vmem>>) semaphore(%arg15 : memref<!tpu.dma_semaphore, #tpu.memory_space<semaphore_mem>>) {add = true}
      %mul3A_129 = arith.constant 2 : i32
      %mul3A_130 = arith.muli %scan3A_70, %mul3A_129 : i32
      %add3A_131 = arith.constant 1 : i32
      %add3A_132 = arith.addi %mul3A_130, %add3A_131 : i32
      %dma_wait3A_133 = arith.constant 0 : i32
      %dma_wait3A_134 = arith.constant 0 : i32
      %dma_wait3A_135 = arith.constant 0 : i32
      %dma_wait3A_136 = arith.constant 0 : i32
      %dma_wait3A_137 = tpu.memref_slice %arg11[%dma_wait3A_133, %dma_wait3A_135, %dma_wait3A_136] : memref<2x128x128xf32, #tpu.memory_space<vmem>> -> memref<1x128x128xf32, #tpu.memory_space<vmem>>
      %dma_wait3A_138 = tpu.memref_squeeze %dma_wait3A_137 : memref<1x128x128xf32, #tpu.memory_space<vmem>> -> memref<128x128xf32, #tpu.memory_space<vmem>>
      %dma_wait3A_139 = arith.constant 0 : i32
      %dma_wait3A_140 = tpu.memref_slice %arg8[%dma_wait3A_134, %dma_wait3A_139] : memref<2x128xi32, #tpu.memory_space<vmem>> -> memref<1x128xi32, #tpu.memory_space<vmem>>
      %dma_wait3A_141 = tpu.memref_squeeze %dma_wait3A_140 : memref<1x128xi32, #tpu.memory_space<vmem>> -> memref<128xi32, #tpu.memory_space<vmem>>
      %dma_wait3A_142 = arith.constant 0 : i32
      %dma_wait3A_143 = arith.constant 0 : i32
      %dma_wait3A_144 = tpu.memref_slice %arg12[%dma_wait3A_142, %dma_wait3A_143] : memref<10240x128xf32, #tpu.memory_space<vmem_shared>> -> memref<10240x128xf32, #tpu.memory_space<vmem_shared>>
      tpu.wait_indirect_dma semaphore(%arg15 : memref<!tpu.dma_semaphore, #tpu.memory_space<semaphore_mem>>) src(%dma_wait3A_138 : memref<128x128xf32, #tpu.memory_space<vmem>>) dst(%dma_wait3A_144 : memref<10240x128xf32, #tpu.memory_space<vmem_shared>>)
      %add3A_145 = arith.constant 1 : i32
      %add3A_146 = arith.addi %add3A_132, %add3A_145 : i32
      %lt3A_147 = arith.constant 78 : i32
      %lt3A_148 = arith.cmpi slt, %add3A_146, %lt3A_147 : i32
      %convert_element_type3A_149 = arith.extui %lt3A_148 : i1 to i32
      %cond3A_150 = arith.constant 0 : i32
      %cond3A_151 = arith.cmpi ne, %convert_element_type3A_149, %cond3A_150 : i32
      scf.if %cond3A_151 {
        %add3A_188 = arith.constant 1 : i32
        %add3A_189 = arith.addi %add3A_132, %add3A_188 : i32
        %mul3A_190 = arith.constant 128 : i32
        %mul3A_191 = arith.muli %add3A_189, %mul3A_190 : i32
        %dma_start3A_192 = arith.constant 0 : i32
        %dma_start3A_193 = arith.constant 0 : i32
        %dma_start3A_194 = arith.constant 0 : i32
        %dma_start3A_195 = tpu.memref_slice %arg11[%dma_start3A_192, %dma_start3A_193, %dma_start3A_194] : memref<2x128x128xf32, #tpu.memory_space<vmem>> -> memref<1x128x128xf32, #tpu.memory_space<vmem>>
        %dma_start3A_196 = tpu.memref_squeeze %dma_start3A_195 : memref<1x128x128xf32, #tpu.memory_space<vmem>> -> memref<128x128xf32, #tpu.memory_space<vmem>>
        %dma_start3A_197 = tpu.memref_slice %arg7[%mul3A_191] : memref<10000xi32, #tpu.memory_space<vmem>> -> memref<128xi32, #tpu.memory_space<vmem>>
        %dma_start3A_198 = arith.constant 0 : i32
        %dma_start3A_199 = arith.constant 0 : i32
        %dma_start3A_200 = tpu.memref_slice %arg2[%dma_start3A_198, %dma_start3A_199] : memref<10240x128xf32, #tpu.memory_space<hbm>> -> memref<10240x128xf32, #tpu.memory_space<hbm>>
        tpu.enqueue_indirect_dma source(%dma_start3A_200 : memref<10240x128xf32, #tpu.memory_space<hbm>>) target(%dma_start3A_196 : memref<128x128xf32, #tpu.memory_space<vmem>>) offsets(%dma_start3A_197 : memref<128xi32, #tpu.memory_space<vmem>>) semaphore(%arg13 : memref<!tpu.dma_semaphore, #tpu.memory_space<semaphore_mem>>)
        %add3A_201 = arith.constant 1 : i32
        %add3A_202 = arith.addi %add3A_132, %add3A_201 : i32
        %mul3A_203 = arith.constant 128 : i32
        %mul3A_204 = arith.muli %add3A_202, %mul3A_203 : i32
        %add3A_205 = arith.addi %mul3A_2, %mul3A_204 : i32
        %dma_start3A_206 = arith.constant 0 : i32
        %dma_start3A_207 = arith.constant 0 : i32
        %dma_start3A_208 = tpu.memref_slice %arg8[%dma_start3A_206, %dma_start3A_207] : memref<2x128xi32, #tpu.memory_space<vmem>> -> memref<1x128xi32, #tpu.memory_space<vmem>>
        %dma_start3A_209 = tpu.memref_squeeze %dma_start3A_208 : memref<1x128xi32, #tpu.memory_space<vmem>> -> memref<128xi32, #tpu.memory_space<vmem>>
        %dma_start3A_210 = tpu.memref_slice %arg4[%add3A_205] : memref<320000xi32, #tpu.memory_space<hbm>> -> memref<128xi32, #tpu.memory_space<hbm>>
        %dma_start3A_211 = arith.constant 0 : i32
        %dma_start3A_212 = tpu.memref_slice %arg8[%dma_start3A_206, %dma_start3A_211] : memref<2x128xi32, #tpu.memory_space<vmem>> -> memref<1x128xi32, #tpu.memory_space<vmem>>
        %dma_start3A_213 = tpu.memref_squeeze %dma_start3A_212 : memref<1x128xi32, #tpu.memory_space<vmem>> -> memref<128xi32, #tpu.memory_space<vmem>>
        %dma_start3A_214 = tpu.memref_slice %arg4[%add3A_205] : memref<320000xi32, #tpu.memory_space<hbm>> -> memref<128xi32, #tpu.memory_space<hbm>>
        tpu.enqueue_dma source(%dma_start3A_214 : memref<128xi32, #tpu.memory_space<hbm>>) target(%dma_start3A_213 : memref<128xi32, #tpu.memory_space<vmem>>) target_semaphore(%arg13 : memref<!tpu.dma_semaphore, #tpu.memory_space<semaphore_mem>>)
      } else {
      }
      %mul3A_152 = arith.constant 128 : i32
      %mul3A_153 = arith.muli %add3A_132, %mul3A_152 : i32
      %dma_wait3A_154 = arith.constant 1 : i32
      %dma_wait3A_155 = arith.constant 0 : i32
      %dma_wait3A_156 = arith.constant 0 : i32
      %dma_wait3A_157 = tpu.memref_slice %arg11[%dma_wait3A_154, %dma_wait3A_155, %dma_wait3A_156] : memref<2x128x128xf32, #tpu.memory_space<vmem>> -> memref<1x128x128xf32, #tpu.memory_space<vmem>>
      %dma_wait3A_158 = tpu.memref_squeeze %dma_wait3A_157 : memref<1x128x128xf32, #tpu.memory_space<vmem>> -> memref<128x128xf32, #tpu.memory_space<vmem>>
      %dma_wait3A_159 = tpu.memref_slice %arg7[%mul3A_153] : memref<10000xi32, #tpu.memory_space<vmem>> -> memref<128xi32, #tpu.memory_space<vmem>>
      %dma_wait3A_160 = arith.constant 0 : i32
      %dma_wait3A_161 = arith.constant 0 : i32
      %dma_wait3A_162 = tpu.memref_slice %arg2[%dma_wait3A_160, %dma_wait3A_161] : memref<10240x128xf32, #tpu.memory_space<hbm>> -> memref<10240x128xf32, #tpu.memory_space<hbm>>
      tpu.wait_indirect_dma semaphore(%arg14 : memref<!tpu.dma_semaphore, #tpu.memory_space<semaphore_mem>>) src(%dma_wait3A_162 : memref<10240x128xf32, #tpu.memory_space<hbm>>) dst(%dma_wait3A_158 : memref<128x128xf32, #tpu.memory_space<vmem>>)
      %mul3A_163 = arith.constant 128 : i32
      %mul3A_164 = arith.muli %add3A_132, %mul3A_163 : i32
      %add3A_165 = arith.addi %mul3A_2, %mul3A_164 : i32
      %dma_wait3A_166 = arith.constant 1 : i32
      %dma_wait3A_167 = arith.constant 0 : i32
      %dma_wait3A_168 = tpu.memref_slice %arg8[%dma_wait3A_166, %dma_wait3A_167] : memref<2x128xi32, #tpu.memory_space<vmem>> -> memref<1x128xi32, #tpu.memory_space<vmem>>
      %dma_wait3A_169 = tpu.memref_squeeze %dma_wait3A_168 : memref<1x128xi32, #tpu.memory_space<vmem>> -> memref<128xi32, #tpu.memory_space<vmem>>
      %dma_wait3A_170 = tpu.memref_slice %arg4[%add3A_165] : memref<320000xi32, #tpu.memory_space<hbm>> -> memref<128xi32, #tpu.memory_space<hbm>>
      %dma_wait3A_171 = arith.constant 0 : i32
      %dma_wait3A_172 = tpu.memref_slice %arg8[%dma_wait3A_166, %dma_wait3A_171] : memref<2x128xi32, #tpu.memory_space<vmem>> -> memref<1x128xi32, #tpu.memory_space<vmem>>
      %dma_wait3A_173 = tpu.memref_squeeze %dma_wait3A_172 : memref<1x128xi32, #tpu.memory_space<vmem>> -> memref<128xi32, #tpu.memory_space<vmem>>
      %dma_wait3A_174 = tpu.memref_slice %arg4[%add3A_165] : memref<320000xi32, #tpu.memory_space<hbm>> -> memref<128xi32, #tpu.memory_space<hbm>>
      tpu.wait_dma2 semaphore(%arg14 : memref<!tpu.dma_semaphore, #tpu.memory_space<semaphore_mem>>) src(%dma_wait3A_174 : memref<128xi32, #tpu.memory_space<hbm>>) dst(%dma_wait3A_173 : memref<128xi32, #tpu.memory_space<vmem>>)
      %dma_start3A_175 = arith.constant 1 : i32
      %dma_start3A_176 = arith.constant 1 : i32
      %dma_start3A_177 = arith.constant 0 : i32
      %dma_start3A_178 = arith.constant 0 : i32
      %dma_start3A_179 = tpu.memref_slice %arg11[%dma_start3A_175, %dma_start3A_177, %dma_start3A_178] : memref<2x128x128xf32, #tpu.memory_space<vmem>> -> memref<1x128x128xf32, #tpu.memory_space<vmem>>
      %dma_start3A_180 = tpu.memref_squeeze %dma_start3A_179 : memref<1x128x128xf32, #tpu.memory_space<vmem>> -> memref<128x128xf32, #tpu.memory_space<vmem>>
      %dma_start3A_181 = arith.constant 0 : i32
      %dma_start3A_182 = tpu.memref_slice %arg8[%dma_start3A_176, %dma_start3A_181] : memref<2x128xi32, #tpu.memory_space<vmem>> -> memref<1x128xi32, #tpu.memory_space<vmem>>
      %dma_start3A_183 = tpu.memref_squeeze %dma_start3A_182 : memref<1x128xi32, #tpu.memory_space<vmem>> -> memref<128xi32, #tpu.memory_space<vmem>>
      %dma_start3A_184 = arith.constant 0 : i32
      %dma_start3A_185 = arith.constant 0 : i32
      %dma_start3A_186 = tpu.memref_slice %arg12[%dma_start3A_184, %dma_start3A_185] : memref<10240x128xf32, #tpu.memory_space<vmem_shared>> -> memref<10240x128xf32, #tpu.memory_space<vmem_shared>>
      tpu.enqueue_indirect_dma source(%dma_start3A_180 : memref<128x128xf32, #tpu.memory_space<vmem>>) target(%dma_start3A_186 : memref<10240x128xf32, #tpu.memory_space<vmem_shared>>) offsets(%dma_start3A_183 : memref<128xi32, #tpu.memory_space<vmem>>) semaphore(%arg16 : memref<!tpu.dma_semaphore, #tpu.memory_space<semaphore_mem>>) {add = true}
      %scan3A_187 = arith.constant 0 : i32
      scf.yield %scan3A_187 : i32
    }
    %scan3A_49 = arith.constant 39 : i32
    %dma_wait3A = arith.constant 1 : i32
    %dma_wait3A_50 = arith.constant 1 : i32
    %dma_wait3A_51 = arith.constant 0 : i32
    %dma_wait3A_52 = arith.constant 0 : i32
    %dma_wait3A_53 = tpu.memref_slice %arg11[%dma_wait3A, %dma_wait3A_51, %dma_wait3A_52] : memref<2x128x128xf32, #tpu.memory_space<vmem>> -> memref<1x128x128xf32, #tpu.memory_space<vmem>>
    %dma_wait3A_54 = tpu.memref_squeeze %dma_wait3A_53 : memref<1x128x128xf32, #tpu.memory_space<vmem>> -> memref<128x128xf32, #tpu.memory_space<vmem>>
    %dma_wait3A_55 = arith.constant 0 : i32
    %dma_wait3A_56 = tpu.memref_slice %arg8[%dma_wait3A_50, %dma_wait3A_55] : memref<2x128xi32, #tpu.memory_space<vmem>> -> memref<1x128xi32, #tpu.memory_space<vmem>>
    %dma_wait3A_57 = tpu.memref_squeeze %dma_wait3A_56 : memref<1x128xi32, #tpu.memory_space<vmem>> -> memref<128xi32, #tpu.memory_space<vmem>>
    %dma_wait3A_58 = arith.constant 0 : i32
    %dma_wait3A_59 = arith.constant 0 : i32
    %dma_wait3A_60 = tpu.memref_slice %arg12[%dma_wait3A_58, %dma_wait3A_59] : memref<10240x128xf32, #tpu.memory_space<vmem_shared>> -> memref<10240x128xf32, #tpu.memory_space<vmem_shared>>
    tpu.wait_indirect_dma semaphore(%arg16 : memref<!tpu.dma_semaphore, #tpu.memory_space<semaphore_mem>>) src(%dma_wait3A_54 : memref<128x128xf32, #tpu.memory_space<vmem>>) dst(%dma_wait3A_60 : memref<10240x128xf32, #tpu.memory_space<vmem_shared>>)
    %get3A = arith.constant 9984 : index
    %get3A_61 = tpu.vector_load %arg7[%get3A] {strides = array<i32>} : memref<10000xi32, #tpu.memory_space<vmem>>, vector<16xi32>,
    %get3A_62 = vector.shape_cast %get3A_61 : vector<16xi32> to vector<16xi32>
    %swap3A = arith.constant 0 : index
    %swap3A_63 = tpu.vector_load %arg9[%swap3A] {strides = array<i32>} : memref<16xi32, #tpu.memory_space<vmem>>, vector<16xi32>,
    %swap3A_64 = vector.shape_cast %swap3A_63 : vector<16xi32> to vector<16xi32>
    %swap3A_65 = vector.shape_cast %get3A_62 : vector<16xi32> to vector<16xi32>
    tpu.vector_store %arg9[%swap3A], %swap3A_65 {strides = array<i32>} : memref<16xi32, #tpu.memory_space<vmem>>, vector<16xi32>,
    %add3A_66 = arith.constant 9984 : i32
    %add3A_67 = arith.addi %mul3A_2, %add3A_66 : i32
    "tpu.region"() ({
      %run_scoped3A_70 = tpu.sem_alloc : memref<!tpu.dma_semaphore, #tpu.memory_space<semaphore_mem>>
      %dma_start3A_71 = tpu.memref_slice %arg4[%add3A_67] : memref<320000xi32, #tpu.memory_space<hbm>> -> memref<16xi32, #tpu.memory_space<hbm>>
      %dma_start3A_72 = tpu.memref_slice %arg4[%add3A_67] : memref<320000xi32, #tpu.memory_space<hbm>> -> memref<16xi32, #tpu.memory_space<hbm>>
      tpu.enqueue_dma source(%dma_start3A_72 : memref<16xi32, #tpu.memory_space<hbm>>) target(%arg10 : memref<16xi32, #tpu.memory_space<vmem>>) target_semaphore(%run_scoped3A_70 : memref<!tpu.dma_semaphore, #tpu.memory_space<semaphore_mem>>)
      %dma_wait3A_73 = tpu.memref_slice %arg4[%add3A_67] : memref<320000xi32, #tpu.memory_space<hbm>> -> memref<16xi32, #tpu.memory_space<hbm>>
      %dma_wait3A_74 = tpu.memref_slice %arg4[%add3A_67] : memref<320000xi32, #tpu.memory_space<hbm>> -> memref<16xi32, #tpu.memory_space<hbm>>
      tpu.wait_dma2 semaphore(%run_scoped3A_70 : memref<!tpu.dma_semaphore, #tpu.memory_space<semaphore_mem>>) src(%dma_wait3A_74 : memref<16xi32, #tpu.memory_space<hbm>>) dst(%arg10 : memref<16xi32, #tpu.memory_space<vmem>>)
      tpu.yield
    }) : () -> ()
    %run_scoped3A = arith.constant 0 : i32
    "tpu.region"() ({
      %run_scoped3A_70 = tpu.sem_alloc : memref<!tpu.dma_semaphore, #tpu.memory_space<semaphore_mem>>
      %dma_start3A_71 = arith.constant 0 : i32
      %dma_start3A_72 = arith.constant 0 : i32
      %dma_start3A_73 = tpu.memref_slice %arg11[%run_scoped3A, %dma_start3A_71, %dma_start3A_72] : memref<2x128x128xf32, #tpu.memory_space<vmem>> -> memref<1x128x128xf32, #tpu.memory_space<vmem>>
      %dma_start3A_74 = tpu.memref_squeeze %dma_start3A_73 : memref<1x128x128xf32, #tpu.memory_space<vmem>> -> memref<128x128xf32, #tpu.memory_space<vmem>>
      %dma_start3A_75 = arith.constant 0 : i32
      %dma_start3A_76 = arith.constant 0 : i32
      %dma_start3A_77 = tpu.memref_slice %dma_start3A_74[%dma_start3A_75, %dma_start3A_76] : memref<128x128xf32, #tpu.memory_space<vmem>> -> memref<16x128xf32, #tpu.memory_space<vmem>>
      %dma_start3A_78 = arith.constant 0 : i32
      %dma_start3A_79 = arith.constant 0 : i32
      %dma_start3A_80 = tpu.memref_slice %arg2[%dma_start3A_78, %dma_start3A_79] : memref<10240x128xf32, #tpu.memory_space<hbm>> -> memref<10240x128xf32, #tpu.memory_space<hbm>>
      tpu.enqueue_indirect_dma source(%dma_start3A_80 : memref<10240x128xf32, #tpu.memory_space<hbm>>) target(%dma_start3A_77 : memref<16x128xf32, #tpu.memory_space<vmem>>) offsets(%arg9 : memref<16xi32, #tpu.memory_space<vmem>>) semaphore(%run_scoped3A_70 : memref<!tpu.dma_semaphore, #tpu.memory_space<semaphore_mem>>)
      %dma_wait3A_81 = arith.constant 0 : i32
      %dma_wait3A_82 = arith.constant 0 : i32
      %dma_wait3A_83 = tpu.memref_slice %arg11[%run_scoped3A, %dma_wait3A_81, %dma_wait3A_82] : memref<2x128x128xf32, #tpu.memory_space<vmem>> -> memref<1x128x128xf32, #tpu.memory_space<vmem>>
      %dma_wait3A_84 = tpu.memref_squeeze %dma_wait3A_83 : memref<1x128x128xf32, #tpu.memory_space<vmem>> -> memref<128x128xf32, #tpu.memory_space<vmem>>
      %dma_wait3A_85 = arith.constant 0 : i32
      %dma_wait3A_86 = arith.constant 0 : i32
      %dma_wait3A_87 = tpu.memref_slice %dma_wait3A_84[%dma_wait3A_85, %dma_wait3A_86] : memref<128x128xf32, #tpu.memory_space<vmem>> -> memref<16x128xf32, #tpu.memory_space<vmem>>
      %dma_wait3A_88 = arith.constant 0 : i32
      %dma_wait3A_89 = arith.constant 0 : i32
      %dma_wait3A_90 = tpu.memref_slice %arg2[%dma_wait3A_88, %dma_wait3A_89] : memref<10240x128xf32, #tpu.memory_space<hbm>> -> memref<10240x128xf32, #tpu.memory_space<hbm>>
      tpu.wait_indirect_dma semaphore(%run_scoped3A_70 : memref<!tpu.dma_semaphore, #tpu.memory_space<semaphore_mem>>) src(%dma_wait3A_90 : memref<10240x128xf32, #tpu.memory_space<hbm>>) dst(%dma_wait3A_87 : memref<16x128xf32, #tpu.memory_space<vmem>>)
      tpu.yield
    }) : () -> ()
    %run_scoped3A_68 = arith.constant 0 : i32
    "tpu.region"() ({
      %run_scoped3A_70 = tpu.sem_alloc : memref<!tpu.dma_semaphore, #tpu.memory_space<semaphore_mem>>
      %dma_start3A_71 = arith.constant 0 : i32
      %dma_start3A_72 = arith.constant 0 : i32
      %dma_start3A_73 = tpu.memref_slice %arg11[%run_scoped3A_68, %dma_start3A_71, %dma_start3A_72] : memref<2x128x128xf32, #tpu.memory_space<vmem>> -> memref<1x128x128xf32, #tpu.memory_space<vmem>>
      %dma_start3A_74 = tpu.memref_squeeze %dma_start3A_73 : memref<1x128x128xf32, #tpu.memory_space<vmem>> -> memref<128x128xf32, #tpu.memory_space<vmem>>
      %dma_start3A_75 = arith.constant 0 : i32
      %dma_start3A_76 = arith.constant 0 : i32
      %dma_start3A_77 = tpu.memref_slice %dma_start3A_74[%dma_start3A_75, %dma_start3A_76] : memref<128x128xf32, #tpu.memory_space<vmem>> -> memref<16x128xf32, #tpu.memory_space<vmem>>
      %dma_start3A_78 = arith.constant 0 : i32
      %dma_start3A_79 = arith.constant 0 : i32
      %dma_start3A_80 = tpu.memref_slice %arg12[%dma_start3A_78, %dma_start3A_79] : memref<10240x128xf32, #tpu.memory_space<vmem_shared>> -> memref<10240x128xf32, #tpu.memory_space<vmem_shared>>
      tpu.enqueue_indirect_dma source(%dma_start3A_77 : memref<16x128xf32, #tpu.memory_space<vmem>>) target(%dma_start3A_80 : memref<10240x128xf32, #tpu.memory_space<vmem_shared>>) offsets(%arg10 : memref<16xi32, #tpu.memory_space<vmem>>) semaphore(%run_scoped3A_70 : memref<!tpu.dma_semaphore, #tpu.memory_space<semaphore_mem>>) {add = true}
      %dma_wait3A_81 = arith.constant 0 : i32
      %dma_wait3A_82 = arith.constant 0 : i32
      %dma_wait3A_83 = tpu.memref_slice %arg11[%run_scoped3A_68, %dma_wait3A_81, %dma_wait3A_82] : memref<2x128x128xf32, #tpu.memory_space<vmem>> -> memref<1x128x128xf32, #tpu.memory_space<vmem>>
      %dma_wait3A_84 = tpu.memref_squeeze %dma_wait3A_83 : memref<1x128x128xf32, #tpu.memory_space<vmem>> -> memref<128x128xf32, #tpu.memory_space<vmem>>
      %dma_wait3A_85 = arith.constant 0 : i32
      %dma_wait3A_86 = arith.constant 0 : i32
      %dma_wait3A_87 = tpu.memref_slice %dma_wait3A_84[%dma_wait3A_85, %dma_wait3A_86] : memref<128x128xf32, #tpu.memory_space<vmem>> -> memref<16x128xf32, #tpu.memory_space<vmem>>
      %dma_wait3A_88 = arith.constant 0 : i32
      %dma_wait3A_89 = arith.constant 0 : i32
      %dma_wait3A_90 = tpu.memref_slice %arg12[%dma_wait3A_88, %dma_wait3A_89] : memref<10240x128xf32, #tpu.memory_space<vmem_shared>> -> memref<10240x128xf32, #tpu.memory_space<vmem_shared>>
      tpu.wait_indirect_dma semaphore(%run_scoped3A_70 : memref<!tpu.dma_semaphore, #tpu.memory_space<semaphore_mem>>) src(%dma_wait3A_87 : memref<16x128xf32, #tpu.memory_space<vmem>>) dst(%dma_wait3A_90 : memref<10240x128xf32, #tpu.memory_space<vmem_shared>>)
      tpu.yield
    }) : () -> ()
    %barrier3A_69 = arith.constant 0 : index
    tpu.barrier barrier_id(%barrier3A_69)
    "tpu.region"() ({
      %run_scoped3A_70 = tpu.sem_alloc : memref<!tpu.dma_semaphore, #tpu.memory_space<semaphore_mem>>
      %dma_start3A_71 = arith.constant 0 : i32
      %dma_start3A_72 = tpu.memref_slice %arg6[%arg0, %mul3A_4, %dma_start3A_71] : memref<2x10240x128xf32, #tpu.memory_space<hbm>> -> memref<1x640x128xf32, #tpu.memory_space<hbm>>
      %dma_start3A_73 = tpu.memref_squeeze %dma_start3A_72 : memref<1x640x128xf32, #tpu.memory_space<hbm>> -> memref<640x128xf32, #tpu.memory_space<hbm>>
      %dma_start3A_74 = arith.constant 0 : i32
      %dma_start3A_75 = tpu.memref_slice %arg12[%mul3A_4, %dma_start3A_74] : memref<10240x128xf32, #tpu.memory_space<vmem_shared>> -> memref<640x128xf32, #tpu.memory_space<vmem_shared>>
      tpu.enqueue_dma source(%dma_start3A_75 : memref<640x128xf32, #tpu.memory_space<vmem_shared>>) target(%dma_start3A_73 : memref<640x128xf32, #tpu.memory_space<hbm>>) target_semaphore(%run_scoped3A_70 : memref<!tpu.dma_semaphore, #tpu.memory_space<semaphore_mem>>)
      %dma_wait3A_76 = arith.constant 0 : i32
      %dma_wait3A_77 = tpu.memref_slice %arg6[%arg0, %mul3A_4, %dma_wait3A_76] : memref<2x10240x128xf32, #tpu.memory_space<hbm>> -> memref<1x640x128xf32, #tpu.memory_space<hbm>>
      %dma_wait3A_78 = tpu.memref_squeeze %dma_wait3A_77 : memref<1x640x128xf32, #tpu.memory_space<hbm>> -> memref<640x128xf32, #tpu.memory_space<hbm>>
      %dma_wait3A_79 = arith.constant 0 : i32
      %dma_wait3A_80 = tpu.memref_slice %arg12[%mul3A_4, %dma_wait3A_79] : memref<10240x128xf32, #tpu.memory_space<vmem_shared>> -> memref<640x128xf32, #tpu.memory_space<vmem_shared>>
      tpu.wait_dma2 semaphore(%run_scoped3A_70 : memref<!tpu.dma_semaphore, #tpu.memory_space<semaphore_mem>>) src(%dma_wait3A_80 : memref<640x128xf32, #tpu.memory_space<vmem_shared>>) dst(%dma_wait3A_78 : memref<640x128xf32, #tpu.memory_space<hbm>>)
      tpu.yield
    }) : () -> ()
    return
  }
}

module attributes {stable_mosaic.version = 14 : i64} {
  func.func @_mm1_body(%arg0: memref<2x10240xf32, #tpu.memory_space<vmem>>, %arg1: memref<10000x128xf32, #tpu.memory_space<vmem>>, %arg2: memref<128x128xf32, #tpu.memory_space<vmem>>, %arg3: memref<10240x128xf32, #tpu.memory_space<vmem>>) attributes {dimension_semantics = [], scalar_prefetch = 0 : i64, scratch_operands = 0 : i64, tpu.core_type = #tpu.core_type<tc>} {
    %get3A = arith.constant 0 : index
    %get3A_0 = arith.constant 0 : index
    %get3A_1 = vector.load %arg0[%get3A, %get3A_0] : memref<2x10240xf32, #tpu.memory_space<vmem>>, vector<1x10000xf32>
    %get3A_2 = vector.shape_cast %get3A_1 : vector<1x10000xf32> to vector<10000xf32>
    %get3A_3 = arith.constant 1 : index
    %get3A_4 = arith.constant 0 : index
    %get3A_5 = vector.load %arg0[%get3A_3, %get3A_4] : memref<2x10240xf32, #tpu.memory_space<vmem>>, vector<1x10000xf32>
    %get3A_6 = vector.shape_cast %get3A_5 : vector<1x10000xf32> to vector<10000xf32>
    %add3A = arith.addf %get3A_2, %get3A_6 : vector<10000xf32>
    %add3A_7 = arith.constant 1.000000e+00 : f32
    %add3A_8 = vector.broadcast %add3A_7 : f32 to vector<10000xf32>
    %add3A_9 = arith.addf %add3A, %add3A_8 : vector<10000xf32>
    %rsqrt3A = math.rsqrt %add3A_9 : vector<10000xf32>
    %reshape3A = vector.shape_cast %rsqrt3A : vector<10000xf32> to vector<10000x1xf32>
    %get3A_10 = arith.constant 0 : index
    %get3A_11 = arith.constant 0 : index
    %get3A_12 = vector.load %arg1[%get3A_10, %get3A_11] : memref<10000x128xf32, #tpu.memory_space<vmem>>, vector<10000x128xf32>
    %get3A_13 = arith.constant 0 : index
    %get3A_14 = arith.constant 0 : index
    %get3A_15 = vector.load %arg2[%get3A_13, %get3A_14] : memref<128x128xf32, #tpu.memory_space<vmem>>, vector<128x128xf32>
    %dot_general3A = arith.constant dense<0.000000e+00> : vector<10000x128xf32>
    %dot_general3A_16 = tpu.matmul %get3A_12, %get3A_15, %dot_general3A {dimension_numbers = #tpu.dot_dimension_numbers<[1], [0], [0], [1], [0, 0, 1, 1], [], []>, transpose_lhs_hint = false} : vector<10000x128xf32>, vector<128x128xf32>, vector<10000x128xf32> -> vector<10000x128xf32>
    %mul3A = vector.broadcast %reshape3A : vector<10000x1xf32> to vector<10000x128xf32>
    %mul3A_17 = arith.mulf %dot_general3A_16, %mul3A : vector<10000x128xf32>
    %swap3A = arith.constant 0 : index
    %swap3A_18 = arith.constant 0 : index
    %swap3A_19 = vector.load %arg3[%swap3A, %swap3A_18] : memref<10240x128xf32, #tpu.memory_space<vmem>>, vector<10000x128xf32>
    tpu.vector_store %arg3[%swap3A, %swap3A_18], %mul3A_17 {strides = array<i32>} : memref<10240x128xf32, #tpu.memory_space<vmem>>, vector<10000x128xf32>,
    %broadcast_in_dim3A = arith.constant 0.000000e+00 : f32
    %broadcast_in_dim3A_20 = vector.broadcast %broadcast_in_dim3A : f32 to vector<240x128xf32>
    %swap3A_21 = arith.constant 10000 : index
    %swap3A_22 = arith.constant 0 : index
    %swap3A_23 = vector.load %arg3[%swap3A_21, %swap3A_22] : memref<10240x128xf32, #tpu.memory_space<vmem>>, vector<240x128xf32>
    tpu.vector_store %arg3[%swap3A_21, %swap3A_22], %broadcast_in_dim3A_20 {strides = array<i32>} : memref<10240x128xf32, #tpu.memory_space<vmem>>, vector<240x128xf32>,
    return
  }
}

module attributes {stable_mosaic.version = 14 : i64} {
  func.func @_mid_body(%arg0: memref<2x10240x128xf32, #tpu.memory_space<vmem>>, %arg1: memref<2x10240xf32, #tpu.memory_space<vmem>>, %arg2: memref<128xf32, #tpu.memory_space<vmem>>, %arg3: memref<128xf32, #tpu.memory_space<vmem>>, %arg4: memref<128xf32, #tpu.memory_space<vmem>>, %arg5: memref<128x128xf32, #tpu.memory_space<vmem>>, %arg6: memref<10240x128xf32, #tpu.memory_space<vmem>>) attributes {dimension_semantics = [], scalar_prefetch = 0 : i64, scratch_operands = 0 : i64, tpu.core_type = #tpu.core_type<tc>} {
    %get3A = arith.constant 0 : index
    %get3A_0 = arith.constant 0 : index
    %get3A_1 = vector.load %arg1[%get3A, %get3A_0] : memref<2x10240xf32, #tpu.memory_space<vmem>>, vector<1x10000xf32>
    %get3A_2 = vector.shape_cast %get3A_1 : vector<1x10000xf32> to vector<10000xf32>
    %get3A_3 = arith.constant 1 : index
    %get3A_4 = arith.constant 0 : index
    %get3A_5 = vector.load %arg1[%get3A_3, %get3A_4] : memref<2x10240xf32, #tpu.memory_space<vmem>>, vector<1x10000xf32>
    %get3A_6 = vector.shape_cast %get3A_5 : vector<1x10000xf32> to vector<10000xf32>
    %add3A = arith.addf %get3A_2, %get3A_6 : vector<10000xf32>
    %add3A_7 = arith.constant 1.000000e+00 : f32
    %add3A_8 = vector.broadcast %add3A_7 : f32 to vector<10000xf32>
    %add3A_9 = arith.addf %add3A, %add3A_8 : vector<10000xf32>
    %rsqrt3A = math.rsqrt %add3A_9 : vector<10000xf32>
    %reshape3A = vector.shape_cast %rsqrt3A : vector<10000xf32> to vector<10000x1xf32>
    %get3A_10 = arith.constant 0 : index
    %get3A_11 = arith.constant 0 : index
    %get3A_12 = arith.constant 0 : index
    %get3A_13 = vector.load %arg0[%get3A_10, %get3A_11, %get3A_12] : memref<2x10240x128xf32, #tpu.memory_space<vmem>>, vector<1x10000x128xf32>
    %get3A_14 = vector.shape_cast %get3A_13 : vector<1x10000x128xf32> to vector<10000x128xf32>
    %get3A_15 = arith.constant 1 : index
    %get3A_16 = arith.constant 0 : index
    %get3A_17 = arith.constant 0 : index
    %get3A_18 = vector.load %arg0[%get3A_15, %get3A_16, %get3A_17] : memref<2x10240x128xf32, #tpu.memory_space<vmem>>, vector<1x10000x128xf32>
    %get3A_19 = vector.shape_cast %get3A_18 : vector<1x10000x128xf32> to vector<10000x128xf32>
    %add3A_20 = arith.addf %get3A_14, %get3A_19 : vector<10000x128xf32>
    %mul3A = vector.broadcast %reshape3A : vector<10000x1xf32> to vector<10000x128xf32>
    %mul3A_21 = arith.mulf %add3A_20, %mul3A : vector<10000x128xf32>
    %get3A_22 = arith.constant 0 : index
    %get3A_23 = vector.load %arg2[%get3A_22] : memref<128xf32, #tpu.memory_space<vmem>>, vector<128xf32>
    %reshape3A_24 = vector.shape_cast %get3A_23 : vector<128xf32> to vector<1x128xf32>
    %add3A_25 = vector.broadcast %reshape3A_24 : vector<1x128xf32> to vector<10000x128xf32>
    %add3A_26 = arith.addf %mul3A_21, %add3A_25 : vector<10000x128xf32>
    %get3A_27 = arith.constant 0 : index
    %get3A_28 = vector.load %arg3[%get3A_27] : memref<128xf32, #tpu.memory_space<vmem>>, vector<128xf32>
    %reshape3A_29 = vector.shape_cast %get3A_28 : vector<128xf32> to vector<1x128xf32>
    %sqrt3A = arith.constant 1.000010e+00 : f32
    %sqrt3A_30 = math.sqrt %sqrt3A : f32
    %div3A = arith.constant 1.000000e+00 : f32
    %div3A_31 = arith.divf %div3A, %sqrt3A_30 : f32
    %mul3A_32 = vector.broadcast %div3A_31 : f32 to vector<1x128xf32>
    %mul3A_33 = arith.mulf %reshape3A_29, %mul3A_32 : vector<1x128xf32>
    %mul3A_34 = vector.broadcast %mul3A_33 : vector<1x128xf32> to vector<10000x128xf32>
    %mul3A_35 = arith.mulf %add3A_26, %mul3A_34 : vector<10000x128xf32>
    %get3A_36 = arith.constant 0 : index
    %get3A_37 = vector.load %arg4[%get3A_36] : memref<128xf32, #tpu.memory_space<vmem>>, vector<128xf32>
    %reshape3A_38 = vector.shape_cast %get3A_37 : vector<128xf32> to vector<1x128xf32>
    %add3A_39 = vector.broadcast %reshape3A_38 : vector<1x128xf32> to vector<10000x128xf32>
    %add3A_40 = arith.addf %mul3A_35, %add3A_39 : vector<10000x128xf32>
    %max3A = arith.constant 0.000000e+00 : f32
    %max3A_41 = vector.broadcast %max3A : f32 to vector<10000x128xf32>
    %max3A_42 = arith.maximumf %add3A_40, %max3A_41 : vector<10000x128xf32>
    %get3A_43 = arith.constant 0 : index
    %get3A_44 = arith.constant 0 : index
    %get3A_45 = vector.load %arg5[%get3A_43, %get3A_44] : memref<128x128xf32, #tpu.memory_space<vmem>>, vector<128x128xf32>
    %dot_general3A = arith.constant dense<0.000000e+00> : vector<10000x128xf32>
    %dot_general3A_46 = tpu.matmul %max3A_42, %get3A_45, %dot_general3A {dimension_numbers = #tpu.dot_dimension_numbers<[1], [0], [0], [1], [0, 0, 1, 1], [], []>, transpose_lhs_hint = false} : vector<10000x128xf32>, vector<128x128xf32>, vector<10000x128xf32> -> vector<10000x128xf32>
    %mul3A_47 = vector.broadcast %reshape3A : vector<10000x1xf32> to vector<10000x128xf32>
    %mul3A_48 = arith.mulf %dot_general3A_46, %mul3A_47 : vector<10000x128xf32>
    %swap3A = arith.constant 0 : index
    %swap3A_49 = arith.constant 0 : index
    %swap3A_50 = vector.load %arg6[%swap3A, %swap3A_49] : memref<10240x128xf32, #tpu.memory_space<vmem>>, vector<10000x128xf32>
    tpu.vector_store %arg6[%swap3A, %swap3A_49], %mul3A_48 {strides = array<i32>} : memref<10240x128xf32, #tpu.memory_space<vmem>>, vector<10000x128xf32>,
    %broadcast_in_dim3A = arith.constant 0.000000e+00 : f32
    %broadcast_in_dim3A_51 = vector.broadcast %broadcast_in_dim3A : f32 to vector<240x128xf32>
    %swap3A_52 = arith.constant 10000 : index
    %swap3A_53 = arith.constant 0 : index
    %swap3A_54 = vector.load %arg6[%swap3A_52, %swap3A_53] : memref<10240x128xf32, #tpu.memory_space<vmem>>, vector<240x128xf32>
    tpu.vector_store %arg6[%swap3A_52, %swap3A_53], %broadcast_in_dim3A_51 {strides = array<i32>} : memref<10240x128xf32, #tpu.memory_space<vmem>>, vector<240x128xf32>,
    return
  }
}

module attributes {stable_mosaic.version = 14 : i64} {
  func.func @_final_body(%arg0: memref<2x10240x128xf32, #tpu.memory_space<vmem>>, %arg1: memref<2x10240xf32, #tpu.memory_space<vmem>>, %arg2: memref<128xf32, #tpu.memory_space<vmem>>, %arg3: memref<128x128xf32, #tpu.memory_space<vmem>>, %arg4: memref<128xf32, #tpu.memory_space<vmem>>, %arg5: memref<128x128xf32, #tpu.memory_space<vmem>>, %arg6: memref<128xf32, #tpu.memory_space<vmem>>, %arg7: memref<1x128xf32, #tpu.memory_space<vmem>>) attributes {dimension_semantics = [], scalar_prefetch = 0 : i64, scratch_operands = 0 : i64, tpu.core_type = #tpu.core_type<tc>} {
    %get3A = arith.constant 0 : index
    %get3A_0 = arith.constant 0 : index
    %get3A_1 = vector.load %arg1[%get3A, %get3A_0] : memref<2x10240xf32, #tpu.memory_space<vmem>>, vector<1x10000xf32>
    %get3A_2 = vector.shape_cast %get3A_1 : vector<1x10000xf32> to vector<10000xf32>
    %get3A_3 = arith.constant 1 : index
    %get3A_4 = arith.constant 0 : index
    %get3A_5 = vector.load %arg1[%get3A_3, %get3A_4] : memref<2x10240xf32, #tpu.memory_space<vmem>>, vector<1x10000xf32>
    %get3A_6 = vector.shape_cast %get3A_5 : vector<1x10000xf32> to vector<10000xf32>
    %add3A = arith.addf %get3A_2, %get3A_6 : vector<10000xf32>
    %add3A_7 = arith.constant 1.000000e+00 : f32
    %add3A_8 = vector.broadcast %add3A_7 : f32 to vector<10000xf32>
    %add3A_9 = arith.addf %add3A, %add3A_8 : vector<10000xf32>
    %rsqrt3A = math.rsqrt %add3A_9 : vector<10000xf32>
    %reshape3A = vector.shape_cast %rsqrt3A : vector<10000xf32> to vector<10000x1xf32>
    %get3A_10 = arith.constant 0 : index
    %get3A_11 = arith.constant 0 : index
    %get3A_12 = arith.constant 0 : index
    %get3A_13 = vector.load %arg0[%get3A_10, %get3A_11, %get3A_12] : memref<2x10240x128xf32, #tpu.memory_space<vmem>>, vector<1x10000x128xf32>
    %get3A_14 = vector.shape_cast %get3A_13 : vector<1x10000x128xf32> to vector<10000x128xf32>
    %get3A_15 = arith.constant 1 : index
    %get3A_16 = arith.constant 0 : index
    %get3A_17 = arith.constant 0 : index
    %get3A_18 = vector.load %arg0[%get3A_15, %get3A_16, %get3A_17] : memref<2x10240x128xf32, #tpu.memory_space<vmem>>, vector<1x10000x128xf32>
    %get3A_19 = vector.shape_cast %get3A_18 : vector<1x10000x128xf32> to vector<10000x128xf32>
    %add3A_20 = arith.addf %get3A_14, %get3A_19 : vector<10000x128xf32>
    %mul3A = vector.broadcast %reshape3A : vector<10000x1xf32> to vector<10000x128xf32>
    %mul3A_21 = arith.mulf %add3A_20, %mul3A : vector<10000x128xf32>
    %get3A_22 = arith.constant 0 : index
    %get3A_23 = vector.load %arg2[%get3A_22] : memref<128xf32, #tpu.memory_space<vmem>>, vector<128xf32>
    %reshape3A_24 = vector.shape_cast %get3A_23 : vector<128xf32> to vector<1x128xf32>
    %add3A_25 = vector.broadcast %reshape3A_24 : vector<1x128xf32> to vector<10000x128xf32>
    %add3A_26 = arith.addf %mul3A_21, %add3A_25 : vector<10000x128xf32>
    %get3A_27 = arith.constant 0 : index
    %get3A_28 = arith.constant 0 : index
    %get3A_29 = vector.load %arg3[%get3A_27, %get3A_28] : memref<128x128xf32, #tpu.memory_space<vmem>>, vector<128x128xf32>
    %dot_general3A = arith.constant dense<0.000000e+00> : vector<10000x128xf32>
    %dot_general3A_30 = tpu.matmul %add3A_26, %get3A_29, %dot_general3A {dimension_numbers = #tpu.dot_dimension_numbers<[1], [0], [0], [1], [0, 0, 1, 1], [], []>, transpose_lhs_hint = false} : vector<10000x128xf32>, vector<128x128xf32>, vector<10000x128xf32> -> vector<10000x128xf32>
    %get3A_31 = arith.constant 0 : index
    %get3A_32 = vector.load %arg4[%get3A_31] : memref<128xf32, #tpu.memory_space<vmem>>, vector<128xf32>
    %reshape3A_33 = vector.shape_cast %get3A_32 : vector<128xf32> to vector<1x128xf32>
    %add3A_34 = vector.broadcast %reshape3A_33 : vector<1x128xf32> to vector<10000x128xf32>
    %add3A_35 = arith.addf %dot_general3A_30, %add3A_34 : vector<10000x128xf32>
    %reduce_max3A = arith.constant dense<0xFF800000> : vector<10000xf32>
    %reduce_max3A_36 = vector.multi_reduction <maximumf>, %add3A_35, %reduce_max3A [1] : vector<10000x128xf32> to vector<10000xf32>
    %broadcast_in_dim3A = vector.shape_cast %reduce_max3A_36 : vector<10000xf32> to vector<10000x1xf32>
    %sub3A = vector.broadcast %broadcast_in_dim3A : vector<10000x1xf32> to vector<10000x128xf32>
    %sub3A_37 = arith.subf %add3A_35, %sub3A : vector<10000x128xf32>
    %exp3A = math.exp %sub3A_37 : vector<10000x128xf32>
    %reduce_sum3A = arith.constant dense<0.000000e+00> : vector<10000xf32>
    %reduce_sum3A_38 = vector.multi_reduction <add>, %exp3A, %reduce_sum3A [1] : vector<10000x128xf32> to vector<10000xf32>
    %broadcast_in_dim3A_39 = vector.shape_cast %reduce_sum3A_38 : vector<10000xf32> to vector<10000x1xf32>
    %div3A = vector.broadcast %broadcast_in_dim3A_39 : vector<10000x1xf32> to vector<10000x128xf32>
    %div3A_40 = arith.divf %exp3A, %div3A : vector<10000x128xf32>
    %add3A_41 = arith.constant 9.99999971E-10 : f32
    %add3A_42 = vector.broadcast %add3A_41 : f32 to vector<10000x128xf32>
    %add3A_43 = arith.addf %div3A_40, %add3A_42 : vector<10000x128xf32>
    %log3A = math.log %add3A_43 : vector<10000x128xf32>
    %mul3A_44 = arith.mulf %div3A_40, %log3A : vector<10000x128xf32>
    %reduce_sum3A_45 = arith.constant dense<0.000000e+00> : vector<10000xf32>
    %reduce_sum3A_46 = vector.multi_reduction <add>, %mul3A_44, %reduce_sum3A_45 [1] : vector<10000x128xf32> to vector<10000xf32>
    %broadcast_in_dim3A_47 = vector.shape_cast %reduce_sum3A_46 : vector<10000xf32> to vector<10000x1xf32>
    %neg3A = arith.constant 0.000000e+00 : f32
    %neg3A_48 = vector.broadcast %neg3A : f32 to vector<10000x1xf32>
    %neg3A_49 = arith.subf %neg3A_48, %broadcast_in_dim3A_47 : vector<10000x1xf32>
    %add3A_50 = arith.constant 1.000000e-10 : f32
    %add3A_51 = vector.broadcast %add3A_50 : f32 to vector<10000x1xf32>
    %add3A_52 = arith.addf %neg3A_49, %add3A_51 : vector<10000x1xf32>
    %div3A_53 = arith.constant 1.000000e+00 : f32
    %div3A_54 = vector.broadcast %div3A_53 : f32 to vector<10000x1xf32>
    %div3A_55 = arith.divf %div3A_54, %add3A_52 : vector<10000x1xf32>
    %reduce_min3A = arith.constant dense<0x7F800000> : vector<1xf32>
    %reduce_min3A_56 = vector.multi_reduction <minimumf>, %div3A_55, %reduce_min3A [0] : vector<10000x1xf32> to vector<1xf32>
    %broadcast_in_dim3A_57 = vector.shape_cast %reduce_min3A_56 : vector<1xf32> to vector<1x1xf32>
    %reduce_max3A_58 = arith.constant dense<0xFF800000> : vector<1xf32>
    %reduce_max3A_59 = vector.multi_reduction <maximumf>, %div3A_55, %reduce_max3A_58 [0] : vector<10000x1xf32> to vector<1xf32>
    %broadcast_in_dim3A_60 = vector.shape_cast %reduce_max3A_59 : vector<1xf32> to vector<1x1xf32>
    %sub3A_61 = vector.broadcast %broadcast_in_dim3A_57 : vector<1x1xf32> to vector<10000x1xf32>
    %sub3A_62 = arith.subf %div3A_55, %sub3A_61 : vector<10000x1xf32>
    %sub3A_63 = arith.subf %broadcast_in_dim3A_60, %broadcast_in_dim3A_57 : vector<1x1xf32>
    %div3A_64 = vector.broadcast %sub3A_63 : vector<1x1xf32> to vector<10000x1xf32>
    %div3A_65 = arith.divf %sub3A_62, %div3A_64 : vector<10000x1xf32>
    %reduce_max3A_66 = arith.constant dense<0xFF800000> : vector<1xf32>
    %reduce_max3A_67 = vector.multi_reduction <maximumf>, %div3A_65, %reduce_max3A_66 [0] : vector<10000x1xf32> to vector<1xf32>
    %broadcast_in_dim3A_68 = vector.shape_cast %reduce_max3A_67 : vector<1xf32> to vector<1x1xf32>
    %sub3A_69 = vector.broadcast %broadcast_in_dim3A_68 : vector<1x1xf32> to vector<10000x1xf32>
    %sub3A_70 = arith.subf %div3A_65, %sub3A_69 : vector<10000x1xf32>
    %exp3A_71 = math.exp %sub3A_70 : vector<10000x1xf32>
    %reduce_sum3A_72 = arith.constant dense<0.000000e+00> : vector<1xf32>
    %reduce_sum3A_73 = vector.multi_reduction <add>, %exp3A_71, %reduce_sum3A_72 [0] : vector<10000x1xf32> to vector<1xf32>
    %broadcast_in_dim3A_74 = vector.shape_cast %reduce_sum3A_73 : vector<1xf32> to vector<1x1xf32>
    %div3A_75 = vector.broadcast %broadcast_in_dim3A_74 : vector<1x1xf32> to vector<10000x1xf32>
    %div3A_76 = arith.divf %exp3A_71, %div3A_75 : vector<10000x1xf32>
    %mul3A_77 = vector.broadcast %div3A_76 : vector<10000x1xf32> to vector<10000x128xf32>
    %mul3A_78 = arith.mulf %add3A_35, %mul3A_77 : vector<10000x128xf32>
    %reduce_sum3A_79 = arith.constant dense<0.000000e+00> : vector<128xf32>
    %reduce_sum3A_80 = vector.multi_reduction <add>, %mul3A_78, %reduce_sum3A_79 [0] : vector<10000x128xf32> to vector<128xf32>
    %broadcast_in_dim3A_81 = vector.shape_cast %reduce_sum3A_80 : vector<128xf32> to vector<1x128xf32>
    %get3A_82 = arith.constant 0 : index
    %get3A_83 = arith.constant 0 : index
    %get3A_84 = vector.load %arg5[%get3A_82, %get3A_83] : memref<128x128xf32, #tpu.memory_space<vmem>>, vector<128x128xf32>
    %dot_general3A_85 = arith.constant dense<0.000000e+00> : vector<1x128xf32>
    %dot_general3A_86 = tpu.matmul %broadcast_in_dim3A_81, %get3A_84, %dot_general3A_85 {dimension_numbers = #tpu.dot_dimension_numbers<[1], [0], [0], [1], [0, 0, 1, 1], [], []>, transpose_lhs_hint = false} : vector<1x128xf32>, vector<128x128xf32>, vector<1x128xf32> -> vector<1x128xf32>
    %get3A_87 = arith.constant 0 : index
    %get3A_88 = vector.load %arg6[%get3A_87] : memref<128xf32, #tpu.memory_space<vmem>>, vector<128xf32>
    %reshape3A_89 = vector.shape_cast %get3A_88 : vector<128xf32> to vector<1x128xf32>
    %add3A_90 = arith.addf %dot_general3A_86, %reshape3A_89 : vector<1x128xf32>
    %swap3A = arith.constant 0 : index
    %swap3A_91 = arith.constant 0 : index
    %swap3A_92 = vector.load %arg7[%swap3A, %swap3A_91] : memref<1x128xf32, #tpu.memory_space<vmem>>, vector<1x128xf32>
    tpu.vector_store %arg7[%swap3A, %swap3A_91], %add3A_90 {strides = array<i32>} : memref<1x128xf32, #tpu.memory_space<vmem>>, vector<1x128xf32>,
    return
  }
}

</mosaic_0001>

<sc_bundles>
// kernel: kernel.11.cloned.1.call-start
scs
__scs_entry_jumppad:
0x0: {  	(pc) =	sbr.rel $0x88, $3  }
0x1: {  	(tag) =	ssettag $0x0;
	lr =	simm.s32 $0x1  }
0x2: {  	[smem:$0x3F95] =	sst lr;
	_ =	strace $0xD0000000  }
0x3: {  	_ = 	snop  }
0x4: {  	_ = 	snop  }
0x5: {  	_ = 	snop  }
0x6: {  	_ = 	snop  }
0x7: {  	_ = 	snop  }
__scs_overlays_trampoline_lowered:
0x8: {  	[smem:$0x3FA4] =	sst s0  }
0x9: {  	[smem:$0x3FA5] =	sst s1  }
0xa: {  	[smem:$0x3FA6] =	sst s2  }
0xb: {  	[smem:$0x3FA7] =	sst s3  }
0xc: {  	[smem:$0x3FA8] =	sst s4  }
0xd: {  	[smem:$0x3FA9] =	sst s5  }
0xe: {  	[smem:$0x3FAA] =	sst s6  }
0xf: {  	[smem:$0x3FAB] =	sst s7  }
0x10: {  	[smem:$0x3FAC] =	sst s8  }
0x11: {  	[smem:$0x3FAD] =	sst s9;
	s0 =	simm.s32 @!p0 $0x0  }
0x12: {  	s1 =	sld [smem:$0x3F93];
	s0 =	simm.s32 @p0 $0x1  }
0x13: {  	[smem:$0x3FAE] =	sst s0;
	s0 =	simm.s32 @!p1 $0x0  }
0x14: {  	s2 =	sld [smem:$0x3F92];
	s0 =	simm.s32 @p1 $0x1  }
0x15: {  	[smem:$0x3FAF] =	sst s0;
	s0 =	simm.s32 @!p2 $0x0  }
0x16: {  	s3 =	sld [smem:$0x3FDB];
	s0 =	simm.s32 @p2 $0x1  }
0x17: {  	s4 =	simm.s32 $0x1BF5;
	[smem:$0x3FB1] =	sst s0  }
0x18: {  	s0 =	sld [smem:$0x3F94];
	_ =	swait.ge [sflag:s4], $0x0  }
0x19: {  	s7 =	sld [smem:$0x3F95]  }
0x1a: {  	s8 =	sadd.s32 $0xFFFFE003, lr  }
0x1b: {  	s9 =	sadd.s32 $0xFFFFFEF7, lr;
	s5 =	simm.s32 $0xFFFFFFFF;
	p2 =	slt.u32 s8, $0xFFFFF086  }
0x1c: {  	p1 =	slt.u32 s9, $0xF7A;
	s5 =	simm.s32 @!p2 $0x0  }
0x1d: {  	s5 =	simm.s32 @p1 $0x1;
	p0 =	seq.s32 s7, s2  }
0x1e: {  	s7 =	smul.u32 @!p0 $0xF7A, s2;
	p2 =	seq.s32 @!p0 s5, $0x0  }
0x1f: {  	s9 =	smul.u32 $0xF7A, s1;
	s8 =	simm.s32 @!p0 $0x1BF5;
	p2 =	por !p2, p0  }
0x20: {  	[sflag:s8] =	ssyncset.s32 @!p0 $0xFFFFF086;
	s6 =	sadd.s32 @!p0 s3, s7;
	s7 =	simm.s32 @!p0 $0x108  }
0x21: {  	s3 =	sadd.s32 s3, s9;
	s6 =	sadd.s32 @!p0 $0x88, s6;
	s7 =	simm.s32 @p2 $0x1082  }
0x22: {  	[simem:s7], [sflag:s8] =	dma.local @!p0 [hbm:s6], $0xF7A  }
0x23: {  	s9 =	sor.u32 $0xD0000000, s2;
	s6 =	simm.s32 $0x108;
	_ =	swait.ge @!p0 [sflag:s8], $0x0  }
0x24: {  	s3 =	sadd.s32 $0x88, s3;
	s6 =	simm.s32 @!p1 $0x1082;
	[sflag:s4] =	ssyncset.s32 $0xFFFFF086  }
0x25: {  	[simem:s6], [sflag:s4] =	dma.local [hbm:s3], $0xF7A  }
0x26: {  	[smem:$0x3F95] =	sst s1;
	(tag) =	ssettag s2;
	_ =	strace s9  }
0x27: {  	s1 =	sld [smem:$0x3FA5]  }
0x28: {  	s2 =	sld [smem:$0x3FA6]  }
0x29: {  	s4 =	sld [smem:$0x3FA8]  }
0x2a: {  	p0 =	seq.s32 s5, $0x0;
	s5 =	sld [smem:$0x3FA9]  }
0x2b: {  	s6 =	sld [smem:$0x3FAA]  }
0x2c: {  	s7 =	sld [smem:$0x3FAB]  }
0x2d: {  	s3 =	simm.s32 $0x108;
	s8 =	sld [smem:$0x3FAC]  }
0x2e: {  	s3 =	simm.s32 @!p0 $0x1082;
	s9 =	sld [smem:$0x3FAD]  }
0x2f: {  	lr =	sadd.s32 s0, s3;
	s0 =	sld [smem:$0x3FA4]  }
0x30: {  	s3 =	sld [smem:$0x3FA7]  }
0x31: {  	[smem:$0x3FB0] =	sst s10  }
0x32: {  	s10 =	sld [smem:$0x3FAE];
	_ =	sdelay $0x3  }
0x33: {  	p0 =	seq.s32 s10, $0x1;
	s10 =	sld [smem:$0x3FB0];
	_ =	sdelay $0x3  }
0x34: {  	[smem:$0x3FB0] =	sst s10  }
0x35: {  	s10 =	sld [smem:$0x3FAF];
	_ =	sdelay $0x3  }
0x36: {  	p1 =	seq.s32 s10, $0x1;
	s10 =	sld [smem:$0x3FB0];
	_ =	sdelay $0x3  }
0x37: {  	[smem:$0x3FB0] =	sst s10  }
0x38: {  	s10 =	sld [smem:$0x3FB1]  }
0x39: {  	_ = 	snop;
	(pc) =	sbr.ind lr, $3  }
0x3a: {  	_ = 	snop  }
0x3b: {  	_ = 	snop  }
0x3c: {  	p2 =	seq.s32 s10, $0x1;
	s10 =	sld [smem:$0x3FB0]  }
0x3d: {  	_ =	shalt  }
0x3e: {  	_ =	shalt  }
0x3f: {  	_ =	shalt  }
0x40: {  	_ =	shalt  }
0x41: {  	_ =	shalt  }
0x42: {  	_ =	shalt  }
0x43: {  	_ =	shalt  }
0x44: {  	_ =	shalt  }
0x45: {  	_ =	shalt  }
0x46: {  	_ =	shalt  }
0x47: {  	_ =	shalt  }
0x48: {  	_ =	shalt  }
0x49: {  	_ =	shalt  }
0x4a: {  	_ =	shalt  }
0x4b: {  	_ =	shalt  }
0x4c: {  	_ =	shalt  }
0x4d: {  	_ =	shalt  }
0x4e: {  	_ =	shalt  }
0x4f: {  	_ =	shalt  }
0x50: {  	_ =	shalt  }
0x51: {  	_ =	shalt  }
0x52: {  	_ =	shalt  }
0x53: {  	_ =	shalt  }
0x54: {  	_ =	shalt  }
0x55: {  	_ =	shalt  }
0x56: {  	_ =	shalt  }
0x57: {  	_ =	shalt  }
0x58: {  	_ =	shalt  }
0x59: {  	_ =	shalt  }
0x5a: {  	_ =	shalt  }
0x5b: {  	_ =	shalt  }
0x5c: {  	_ =	shalt  }
0x5d: {  	_ =	shalt  }
0x5e: {  	_ =	shalt  }
0x5f: {  	_ =	shalt  }
0x60: {  	_ =	shalt  }
0x61: {  	_ =	shalt  }
0x62: {  	_ =	shalt  }
0x63: {  	_ =	shalt  }
0x64: {  	_ =	shalt  }
0x65: {  	_ =	shalt  }
0x66: {  	_ =	shalt  }
0x67: {  	_ =	shalt  }
0x68: {  	_ =	shalt  }
0x69: {  	_ =	shalt  }
0x6a: {  	_ =	shalt  }
0x6b: {  	_ =	shalt  }
0x6c: {  	_ =	shalt  }
0x6d: {  	_ =	shalt  }
0x6e: {  	_ =	shalt  }
0x6f: {  	_ =	shalt  }
0x70: {  	_ =	shalt  }
0x71: {  	_ =	shalt  }
0x72: {  	_ =	shalt  }
0x73: {  	_ =	shalt  }
0x74: {  	_ =	shalt  }
0x75: {  	_ =	shalt  }
0x76: {  	_ =	shalt  }
0x77: {  	_ =	shalt  }
0x78: {  	_ =	shalt  }
0x79: {  	_ =	shalt  }
0x7a: {  	_ =	shalt  }
0x7b: {  	_ =	shalt  }
0x7c: {  	_ =	shalt  }
0x7d: {  	_ =	shalt  }
0x7e: {  	_ =	shalt  }
0x7f: {  	_ =	shalt  }
0x80: {  	_ =	shalt  }
0x81: {  	_ =	shalt  }
0x82: {  	_ =	shalt  }
0x83: {  	_ =	shalt  }
0x84: {  	_ =	shalt  }
0x85: {  	_ =	shalt  }
0x86: {  	_ =	shalt  }
0x87: {  	_ =	shalt  }
.Lfunc_end0:
.L_simem_size_0:
called_computation.1_lowered:
.L_overlay_start_0:
0x88: {  	s2 =	sld [smem:$0x3FD9]  }
0x89: {  	s3 =	sld [smem:$0x3FFE];
	_ =	sdelay $0x1  }
0x8a: {  	s1 =	srdreg.scid  }
0x8b: {  	s0 =	sand.u32 $0x1, s1  }
0x8c: {  	s16 =	sshll.u32 s0, $0xA;
	s2 =	sadd.s32 s3, s2  }
0x8d: {  	s2 =	sadd.s32 s2, s16  }
0x8e: {  	[smem:$0x3FBC] =	sst s2  }
0x8f: {  	_ = 	snop  }
0x90: {  	(tm) =	ssettm $0x1  }
0x91: {  	s17 =	sld [smem:$0x3FFB];
	_ =	sdelay $0x3  }
0x92: {  	_ =	strace s17  }
0x93: {  	s2 =	sld [smem:$0x3FFC];
	_ =	sdelay $0x3  }
0x94: {  	_ =	strace s2  }
0x95: {  	s2 =	sld [smem:$0x3FFD];
	_ =	sdelay $0x3  }
0x96: {  	_ =	strace s2  }
0x97: {  	_ =	strace $0x8FFFFFFF  }
0x98: {  	s18 =	sld [smem:$0x3FDB];
	_ =	sdelay $0x1  }
0x99: {  	s19 =	simm.s32 $_scs_section_size  }
0x9a: {  	s4 =	simm.s32 $_size__tile_overlayer_lowered;
	s5 =	simm.s32 $_tile_overlayer_lowered  }
0x9b: {  	s22 =	simm.s32 $0x1BFF;
	s21 =	sshll.u32 s5, $0x1;
	s2 =	sadd.s32 s19, s18  }
0x9c: {  	s6 =	simm.s32 $0x0;
	s20 =	sshll.u32 s4, $0x1;
	s4 =	sadd.s32 s21, s2  }
0x9d: {  	[timem:s6], [sflag:s22] =	dma.local [hbm:s4], s20  }
0x9e: {  	_ =	swait.ge [sflag:s22], s20  }
0x9f: {  	s3 =	ssub.s32 $0x0, s20;
	[sflag:s22] =	ssyncset.done $0x0  }
0xa0: {  	[sflag:s22] =	ssyncadd.s32 s3;
	_ =	sdelay $0x1  }
0xa1: {  	s23 =	simm.s32 $0x1B8B  }
0xa2: {  	_ =	swait.ge [sflag:s23], $0x1  }
0xa3: {  	[sflag:s23] =	ssyncset.done $0x0  }
0xa4: {  	s25 =	simm.s32 $0x1B8E;
	s24 =	sld [smem:$0x3FFE];
	[sflag:s23] =	ssyncadd.s32 $0xFFFFFFFF  }
0xa5: {  	s26 =	simm.s32 $execute0_lowered;
	[smem:$0x3FD2] =	sst s25  }
0xa6: {  	s4 =	sshll.u32 s26, $0x1;
	_ =	strace $0x80000049;
	[dreg:$0x1] =	wrdreg $0xFFFFFFFF  }
0xa7: {  	s28 =	simm.s32 $_size_execute0_lowered;
	s2 =	sadd.s32 s2, s4;
	[dreg:$0x0] =	wrdreg $0x0  }
0xa8: {  	s4 =	sshll.u32 s28, $0x1;
	[dreg:$0x2] =	wrdreg s2  }
0xa9: {  	[dreg:$0x3] =	wrdreg s4  }
0xaa: {  	[dreg:$0x4] =	wrdreg $0xC0  }
0xab: {  	_ =	task [dreg:s6], $0x5FFFF  }
0xac: {  	[dreg:$0x1] =	wrdreg $0xFFFFFFFF  }
0xad: {  	[dreg:$0x0] =	wrdreg $0x60  }
0xae: {  	[dreg:$0x2] =	wrdreg s24  }
0xaf: {  	[dreg:$0x3] =	wrdreg $0xA9800  }
0xb0: {  	[dreg:$0x4] =	wrdreg $0x9  }
0xb1: {  	_ =	task.clear_ibuf [dreg:s6], $0x5FFFF;
	_ =	strace $0x90000049  }
0xb2: {  	s29 =	simm.s32 $0x9;
	_ =	strace $0x8000004B  }
0xb3: {  	_ =	swait.ge [sflag:s29], $0x1  }
0xb4: {  	[sflag:s29] =	ssyncadd.s32 $0xFFFFFFFF  }
0xb5: {  	_ =	strace $0x9000004B  }
0xb6: {  	_ =	sfence  }
0xb7: {  	s30 =	sld [smem:$0x0];
	_ =	sdelay $0x2  }
0xb8: {  	s31 =	sshll.u32 s1, $0xD;
	s1 =	sshrl.u32 s1, $0x2  }
0xb9: {  	s3 =	sand.u32 $0x4000, s31;
	s1 =	sadd.s32 s1, s30  }
0xba: {  	s0 =	sor.u32 s3, s0;
	s1 =	sshll.u32 s1, $0x11  }
0xbb: {  	s0 =	sor.u32 s1, s0  }
0xbc: {  	s0 =	sadd.s32 $0x8F2B, s0  }
0xbd: {  	[sflag:s0] =	ssyncadd.remote.s32 $0x1  }
0xbe: {  	_ =	sfence.sel $0xFFFF  }
0xbf: {  	[dreg:$0x0] =	wrdreg $0xFFFFFFFF;
	(pc) =	sbr.abs _section_cstart, $3  }
0xc0: {  	[dreg:$0x1] =	wrdreg $0xFFFFFFFF  }
0xc1: {  	_ =	task.clear_ibuf [dreg:s6], $0x2FFFF;
	_ =	strace $0x9FFFFFFF  }
0xc2: {  	(tm) =	ssettm $0x7FFFFFFF  }
0xc3: {  	_ =	shalt  }
tec
execute0_lowered:
.L_overlay_start_1:
0x0: {  	(tag) =	ssettag $0x1  }
0x1: {  	s0 =	srdreg.scid;
	s1 =	rddreg [dreg:$0x0]  }
0x2: {  	s15 =	stileid.u32;
	s2 =	rddreg [dreg:$0x1];
	s18 =	simm.s32 $0x5  }
0x3: {  	s19 =	simm.s32 $0x6980;
	s28 =	simm.s32 $0x2;
	s8 =	smul.u32 $0x14000, s15  }
0x4: {  	s30 =	simm.s32 $0x2900;
	s31 =	simm.s32 $0x10;
	s11 =	smul.u32 $0x50000, s15  }
0x5: {  	s0 =	sand.u32 $0x1, s0;
	s5 =	sadd.s32 $0xC800, s1;
	s13 =	smul.u32 $0x2800, s15  }
0x6: {  	s16 =	sadd.s32 $0x3E600, s1;
	s14 =	smul.u32 $0x2710, s15;
	s25 =	sshll.u32 s15, $0x6  }
0x7: {  	s3 =	sshll.u32 s0, $0x4;
	s6 =	smul.u32 $0x140000, s0;
	s20 =	ssub.s32 $0x2, s0  }
0x8: {  	p0 =	seq.s32 s0, $0x0;
	s0 =	smul.u32 $0x27100, s0;
	s4 =	sor.u32 s15, s3  }
0x9: {  	s3 =	simm.s32 $0x0;
	s10 =	sshrl.u32 s20, $0x1;
	s22 =	sshrl.u32 s11, $0x2  }
0xa: {  	s4 =	smul.u32 $0x2710, s4;
	[smem:$0x7FF] =	sst s3;
	s6 =	sadd.s32 s8, s6  }
0xb: {  	s21 =	ssub.s32 s20, s10;
	s17 =	sadd.s32 s22, s2;
	s10 =	smov.u32 s16  }
0xc: {  	s0 =	sadd.s32 s14, s0;
	s14 =	sor.u32 $0x1C05, s25;
	s20 =	simm.s32 $0x2980  }
0xd: {  	s22 =	simm.s32 $0x4;
	s25 =	simm.s32 $0x1;
	_ =	strace $0x8000004A  }
0xe: {  	s6 =	sshrl.u32 s6, $0x3;
	s11 =	smax.u32 s21, $0x1;
	s26 =	sadd.s32 $0x80, s0  }
0xf: {  	s17 =	sshrl.u32 s17, $0x3;
	s21 =	simm.s32 $0x2780;
	s7 =	sshrl.u32 s4, $0x3  }
0x10: {  	s4 =	sadd.s32 $0x16600, s1;
	s29 =	sshrl.u32 s26, $0x3;
	s9 =	sadd.s32 s7, s1  }
0x11: {  	s26 =	simm.s32 $0x3;
	s7 =	sadd.s32 s5, s7;
	s23 =	sadd.s32 $0x2A00, s9  }
0x12: {  	s1 =	sadd.s32 s6, s1;
	s24 =	sadd.s32 $0x4E0, s7;
	[dreg:$0x3] =	wrdreg s23  }
0x13: {  	s15 =	sadd.s32 s29, s5;
	s1 =	sadd.s32 $0x66600, s1;
	[dreg:$0x4] =	wrdreg s24  }
0x14: {  	s12 =	sadd.s32 $0x4D0, s7;
	[dreg:$0x5] =	wrdreg s1;
	s1 =	smov.u32 s16  }
0x15: {  	s16 =	sadd.s32 $0x100, s0;
	s23 =	simm.s32 $0x80;
	s1 =	smov.u32 @p0 s4  }
0x16: {  	s24 =	simm.s32 $0x2800;
	s0 =	simm.s32 $0x0;
	s13 =	sadd.s32 s1, s13  }
.LBB2_1:
0x17: {  	[spmem:s17], [sflag:s14] =	dma.local [hbm:s13], $0x2800  }
0x18: {  	_ =	swait.ge [sflag:s18], $0x2800  }
0x19: {  	[sflag:s18] =	ssyncset.done $0x0  }
0x1a: {  	s1 =	rddreg [dreg:$0x3];
	[sflag:s18] =	ssyncadd.s32 $0xFFFFD800  }
0x1b: {  	[tilespmem:s3], [sflag:$0x5] =	stream.linear.gather [hbm4b:s1+s3], $0x2710, $0x38;
	[tilespmem:$0x1E980] =	vst v63  }
0x1c: {  	_ =	swait.ge [sflag:s18], $0x2710  }
0x1d: {  	[sflag:s18] =	ssyncset.done $0x0  }
0x1e: {  	[sflag:s18] =	ssyncadd.s32 $0xFFFFD8F0  }
0x1f: {  	[bflag:$0x0] =	sbarrier.arrive $0xFFFF  }
0x20: {  	[tilespmem:s19], [sflag:$0x4] =	stream.linear.gather [hbm4b:s10+s3], $0x4000, $0x38;
	[tilespmem:$0x1E980] =	vst v63  }
0x21: {  	_ = 	snop  }
0x22: {  	[tilespmem:s20], [sflag:$0x1] =	stream.indirect.gather [hbm4b:s4+s23], $0x80, s3, s23, $0xb8;
	[tilespmem:$0x1E980] =	vst v63  }
0x23: {  	_ = 	snop  }
0x24: {  	[tilespmem:s21], [sflag:$0x1] =	stream.linear.gather [hbm4b:s7+s3], $0x80, $0x38;
	[tilespmem:$0x1E980] =	vst v63  }
0x25: {  	_ =	swait.ge [sflag:s22], $0x4000  }
0x26: {  	[sflag:s22] =	ssyncset.done $0x0  }
0x27: {  	[sflag:s22] =	ssyncadd.s32 $0xFFFFC000  }
0x28: {  	[tilespmem:s19], [sflag:$0x2] =	stream.indirect.gather [hbm4b:s4+s23], $0x80, s23, s23, $0xb8;
	[tilespmem:$0x1E980] =	vst v63  }
0x29: {  	s6 =	sadd.s32 $0x0, s15  }
0x2a: {  	[tilespmem:s24], [sflag:$0x2] =	stream.linear.gather [hbm4b:s6+s3], $0x80, $0x38;
	[tilespmem:$0x1E980] =	vst v63  }
0x2b: {  	_ =	swait.ge [sflag:s25], $0x4000  }
0x2c: {  	[sflag:s25] =	ssyncset.done $0x0  }
0x2d: {  	[sflag:s25] =	ssyncadd.s32 $0xFFFFC000  }
0x2e: {  	_ =	swait.ge [sflag:s25], $0x80  }
0x2f: {  	[sflag:s25] =	ssyncset.done $0x0  }
0x30: {  	[sflag:s25] =	ssyncadd.s32 $0xFFFFFF80  }
0x31: {  	[spmem:s2] =	stream.indirect.scatter.add.f32 [tilespmem:s20], [sflag:$0x3], $0x80, s21, s23, $0xb8;
	[tilespmem:$0x1E980] =	vst v63  }
0x32: {  	_ =	swait.ge [sflag:s26], $0x4000  }
0x33: {  	[sflag:s26] =	ssyncset.done $0x0  }
0x34: {  	s8 =	simm.s32 $0x100;
	s6 =	sshrl.u32 s16, $0x3;
	[sflag:s26] =	ssyncadd.s32 $0xFFFFC000  }
0x35: {  	[tilespmem:s20], [sflag:$0x1] =	stream.indirect.gather [hbm4b:s4+s23], $0x80, s8, s23, $0xb8;
	[tilespmem:$0x1E980] =	vst v63  }
0x36: {  	s9 =	sadd.s32 s5, s6  }
0x37: {  	[tilespmem:s21], [sflag:$0x1] =	stream.linear.gather [hbm4b:s9+s3], $0x80, $0x38;
	[tilespmem:$0x1E980] =	vst v63  }
0x38: {  	_ =	swait.ge [sflag:s28], $0x4000  }
0x39: {  	[sflag:s28] =	ssyncset.done $0x0  }
0x3a: {  	[sflag:s28] =	ssyncadd.s32 $0xFFFFC000  }
0x3b: {  	_ =	swait.ge [sflag:s28], $0x80  }
0x3c: {  	s29 =	simm.s32 $0x20;
	[sflag:s28] =	ssyncset.done $0x0  }
0x3d: {  	s1 =	simm.s32 $0x180;
	s6 =	sadd.s32 $0x100, s16;
	[sflag:s28] =	ssyncadd.s32 $0xFFFFFF80  }
.LBB2_2:
0x3e: {  	[spmem:s2] =	stream.indirect.scatter.add.f32 [tilespmem:s19], [sflag:$0x4], $0x80, s24, s23, $0xb8;
	[tilespmem:$0x1E980] =	vst v63  }
0x3f: {  	s8 =	smov.u32 s29  }
0x40: {  	p0 =	sne.s32 s29, $0x4A0;
	s29 =	sadd.s32 $0x20, s29;
	_ =	swait.ge [sflag:s22], $0x4000  }
0x41: {  	[sflag:s22] =	ssyncset.done $0x0  }
0x42: {  	[sflag:s22] =	ssyncadd.s32 $0xFFFFC000  }
0x43: {  	[tilespmem:s19], [sflag:$0x2] =	stream.indirect.gather [hbm4b:s4+s23], $0x80, s1, s23, $0xb8;
	[tilespmem:$0x1E980] =	vst v63  }
0x44: {  	s8 =	sadd.s32 s8, s15  }
0x45: {  	[tilespmem:s24], [sflag:$0x2] =	stream.linear.gather [hbm4b:s8+s3], $0x80, $0x38;
	[tilespmem:$0x1E980] =	vst v63  }
0x46: {  	_ =	swait.ge [sflag:s25], $0x4000  }
0x47: {  	[sflag:s25] =	ssyncset.done $0x0  }
0x48: {  	[sflag:s25] =	ssyncadd.s32 $0xFFFFC000  }
0x49: {  	_ =	swait.ge [sflag:s25], $0x80  }
0x4a: {  	[sflag:s25] =	ssyncset.done $0x0  }
0x4b: {  	[sflag:s25] =	ssyncadd.s32 $0xFFFFFF80  }
0x4c: {  	[spmem:s2] =	stream.indirect.scatter.add.f32 [tilespmem:s20], [sflag:$0x3], $0x80, s21, s23, $0xb8;
	[tilespmem:$0x1E980] =	vst v63  }
0x4d: {  	_ =	swait.ge [sflag:s26], $0x4000  }
0x4e: {  	[sflag:s26] =	ssyncset.done $0x0  }
0x4f: {  	s9 =	sshrl.u32 s6, $0x3;
	s8 =	sadd.s32 $0x80, s1;
	[sflag:s26] =	ssyncadd.s32 $0xFFFFC000  }
0x50: {  	[tilespmem:s20], [sflag:$0x1] =	stream.indirect.gather [hbm4b:s4+s23], $0x80, s8, s23, $0xb8;
	[tilespmem:$0x1E980] =	vst v63  }
0x51: {  	s8 =	sadd.s32 s5, s9  }
0x52: {  	[tilespmem:s21], [sflag:$0x1] =	stream.linear.gather [hbm4b:s8+s3], $0x80, $0x38;
	[tilespmem:$0x1E980] =	vst v63  }
0x53: {  	_ =	swait.ge [sflag:s28], $0x4000  }
.Ltmp0:
0x54: {  	[sflag:s28] =	ssyncset.done $0x0;
	(pc) =	sbr.rel @p0 .LBB2_2-.Ltmp0, $4  }
0x55: {  	[sflag:s28] =	ssyncadd.s32 $0xFFFFC000  }
0x56: {  	_ =	swait.ge [sflag:s28], $0x80  }
0x57: {  	[sflag:s28] =	ssyncset.done $0x0  }
0x58: {  	s6 =	sadd.s32 $0x100, s6;
	s1 =	sadd.s32 $0x100, s1;
	[sflag:s28] =	ssyncadd.s32 $0xFFFFFF80  }
0x59: {  	[spmem:s2] =	stream.indirect.scatter.add.f32 [tilespmem:s19], [sflag:$0x4], $0x80, s24, s23, $0xb8;
	[tilespmem:$0x1E980] =	vst v63  }
0x5a: {  	_ =	swait.ge [sflag:s22], $0x4000  }
0x5b: {  	[sflag:s22] =	ssyncset.done $0x0  }
0x5c: {  	s1 =	simm.s32 $0x2680;
	[sflag:s22] =	ssyncadd.s32 $0xFFFFC000  }
0x5d: {  	[tilespmem:s19], [sflag:$0x2] =	stream.indirect.gather [hbm4b:s4+s23], $0x80, s1, s23, $0xb8;
	[tilespmem:$0x1E980] =	vst v63  }
0x5e: {  	_ = 	snop  }
0x5f: {  	[tilespmem:s24], [sflag:$0x2] =	stream.linear.gather [hbm4b:s12+s3], $0x80, $0x38;
	[tilespmem:$0x1E980] =	vst v63  }
0x60: {  	_ =	swait.ge [sflag:s25], $0x4000  }
0x61: {  	[sflag:s25] =	ssyncset.done $0x0  }
0x62: {  	[sflag:s25] =	ssyncadd.s32 $0xFFFFC000  }
0x63: {  	_ =	swait.ge [sflag:s25], $0x80  }
0x64: {  	[sflag:s25] =	ssyncset.done $0x0  }
0x65: {  	[sflag:s25] =	ssyncadd.s32 $0xFFFFFF80  }
0x66: {  	[spmem:s2] =	stream.indirect.scatter.add.f32 [tilespmem:s20], [sflag:$0x3], $0x80, s21, s23, $0xb8;
	[tilespmem:$0x1E980] =	vst v63  }
0x67: {  	_ =	swait.ge [sflag:s26], $0x4000  }
0x68: {  	[sflag:s26] =	ssyncset.done $0x0  }
0x69: {  	[sflag:s26] =	ssyncadd.s32 $0xFFFFC000  }
0x6a: {  	_ =	swait.ge [sflag:s28], $0x4000  }
0x6b: {  	[sflag:s28] =	ssyncset.done $0x0  }
0x6c: {  	[sflag:s28] =	ssyncadd.s32 $0xFFFFC000  }
0x6d: {  	_ =	swait.ge [sflag:s28], $0x80  }
0x6e: {  	[sflag:s28] =	ssyncset.done $0x0  }
0x6f: {  	[sflag:s28] =	ssyncadd.s32 $0xFFFFFF80  }
0x70: {  	[spmem:s2] =	stream.indirect.scatter.add.f32 [tilespmem:s19], [sflag:$0x4], $0x80, s24, s23, $0xb8;
	[tilespmem:$0x1E980] =	vst v63  }
0x71: {  	_ =	swait.ge [sflag:s22], $0x4000  }
0x72: {  	[sflag:s22] =	ssyncset.done $0x0  }
0x73: {  	[sflag:s22] =	ssyncadd.s32 $0xFFFFC000  }
0x74: {  	v0 =	vld [tilespmem:$0x2700];
	_ =	sdelay $0x4  }
0x75: {  	s8 =	rddreg [dreg:$0x4];
	[tilespmem:$0x2880] =	vst v0  }
0x76: {  	[tilespmem:s30], [sflag:$0x5] =	stream.linear.gather [hbm4b:s8+s3], $0x10, $0x38;
	[tilespmem:$0x1E980] =	vst v63  }
0x77: {  	_ =	swait.ge [sflag:s18], $0x10  }
0x78: {  	[sflag:s18] =	ssyncset.done $0x0  }
0x79: {  	s9 =	simm.s32 $0x2880;
	[sflag:s18] =	ssyncadd.s32 $0xFFFFFFF0  }
0x7a: {  	[tilespmem:s20], [sflag:$0x5] =	stream.indirect.gather [hbm4b:s4+s31], $0x80, s9, s31, $0xb8;
	[tilespmem:$0x1E980] =	vst v63  }
0x7b: {  	_ =	swait.ge [sflag:s18], $0x800  }
0x7c: {  	[sflag:s18] =	ssyncset.done $0x0  }
0x7d: {  	[sflag:s18] =	ssyncadd.s32 $0xFFFFF800  }
0x7e: {  	[spmem:s2] =	stream.indirect.scatter.add.f32 [tilespmem:s20], [sflag:$0x5], $0x80, s30, s31, $0xb8;
	[tilespmem:$0x1E980] =	vst v63  }
0x7f: {  	_ =	swait.ge [sflag:s18], $0x800  }
0x80: {  	[sflag:s18] =	ssyncset.done $0x0  }
0x81: {  	s0 =	sadd.s32 $0x1, s0;
	[sflag:s18] =	ssyncadd.s32 $0xFFFFF800  }
0x82: {  	p0 =	sne.s32 s0, s11;
	[bflag:$0x0] =	sbarrier.arrive $0xFFFF  }
.Ltmp1:
0x83: {  	s29 =	rddreg [dreg:$0x5];
	(pc) =	sbr.rel @p0 .LBB2_1-.Ltmp1, $4  }
0x84: {  	[hbm:s29], [sflag:s14] =	dma.local [spmem:s17], $0x2800  }
0x85: {  	_ =	swait.ge [sflag:s18], $0x2800  }
0x86: {  	[sflag:s18] =	ssyncset.done $0x0  }
0x87: {  	[sflag:s18] =	ssyncadd.s32 $0xFFFFD800  }
0x88: {  	_ =	sfence.sel $0x180000  }
0x89: {  	[bflag:$0x0] =	sbarrier.arrive $0xFFFF  }
0x8a: {  	_ =	strace $0x9000004A  }
0x8b: {  	s0 =	stileid.u32;
	[bflag:$0x2] =	sbarrier.arrive $0xFFFF  }
0x8c: {  	p0 =	sne.s32 s0, $0x0;
	s0 =	rddreg [dreg:$0x2]  }
0x8d: {  	s0 =	sadd.s32 @!p0 $0x100000, s0  }
0x8e: {  	[sflag:s0] =	ssyncadd.tile.s32 @!p0 $0x1;
	_ =	shalt  }
.Lfunc_end2:
_tile_overlayer_lowered:
.L_overlay_start_2:
0x8f: {  	(tag) =	ssettag $0x2  }
0x90: {  	s0 =	rddreg [dreg:$0x0];
	s2 =	stileid.u32  }
0x91: {  	s1 =	rddreg [dreg:$0x1];
	p0 =	sne.s32 s2, $0x0  }
0x92: {  	s3 =	rddreg [dreg:$0x2];
	[bflag:$0x3] =	sbarrier.arrive $0xFFFF;
	s2 =	simm.s32 @!p0 $0x1C05  }
0x93: {  	[timem:s3], [sflag:s2] =	dma.local @!p0 [hbm:s0], s1  }
0x94: {  	s0 =	simm.s32 @!p0 $0x5  }
0x95: {  	_ =	swait.ge @!p0 [sflag:s0], s1  }
0x96: {  	s1 =	ssub.s32 @!p0 $0x0, s1;
	[sflag:s0] =	ssyncset.done @!p0 $0x0  }
0x97: {  	[sflag:s0] =	ssyncadd.s32 @!p0 s1  }
0x98: {  	[bflag:$0x3] =	sbarrier.arrive $0xFFFF  }
0x99: {  	_ =	shalt  }

// kernel: kernel.14.cloned.1.call-start
scs
__scs_entry_jumppad:
0x0: {  	(pc) =	sbr.rel $0x88, $3  }
0x1: {  	(tag) =	ssettag $0x0;
	lr =	simm.s32 $0x1  }
0x2: {  	[smem:$0x3F95] =	sst lr;
	_ =	strace $0xD0000000  }
0x3: {  	_ = 	snop  }
0x4: {  	_ = 	snop  }
0x5: {  	_ = 	snop  }
0x6: {  	_ = 	snop  }
0x7: {  	_ = 	snop  }
__scs_overlays_trampoline_lowered:
0x8: {  	[smem:$0x3FA4] =	sst s0  }
0x9: {  	[smem:$0x3FA5] =	sst s1  }
0xa: {  	[smem:$0x3FA6] =	sst s2  }
0xb: {  	[smem:$0x3FA7] =	sst s3  }
0xc: {  	[smem:$0x3FA8] =	sst s4  }
0xd: {  	[smem:$0x3FA9] =	sst s5  }
0xe: {  	[smem:$0x3FAA] =	sst s6  }
0xf: {  	[smem:$0x3FAB] =	sst s7  }
0x10: {  	[smem:$0x3FAC] =	sst s8  }
0x11: {  	[smem:$0x3FAD] =	sst s9;
	s0 =	simm.s32 @!p0 $0x0  }
0x12: {  	s1 =	sld [smem:$0x3F93];
	s0 =	simm.s32 @p0 $0x1  }
0x13: {  	[smem:$0x3FAE] =	sst s0;
	s0 =	simm.s32 @!p1 $0x0  }
0x14: {  	s2 =	sld [smem:$0x3F92];
	s0 =	simm.s32 @p1 $0x1  }
0x15: {  	[smem:$0x3FAF] =	sst s0;
	s0 =	simm.s32 @!p2 $0x0  }
0x16: {  	s3 =	sld [smem:$0x3FDB];
	s0 =	simm.s32 @p2 $0x1  }
0x17: {  	s4 =	simm.s32 $0x1BF5;
	[smem:$0x3FB1] =	sst s0  }
0x18: {  	s0 =	sld [smem:$0x3F94];
	_ =	swait.ge [sflag:s4], $0x0  }
0x19: {  	s7 =	sld [smem:$0x3F95]  }
0x1a: {  	s8 =	sadd.s32 $0xFFFFE003, lr  }
0x1b: {  	s9 =	sadd.s32 $0xFFFFFEF7, lr;
	s5 =	simm.s32 $0xFFFFFFFF;
	p2 =	slt.u32 s8, $0xFFFFF086  }
0x1c: {  	p1 =	slt.u32 s9, $0xF7A;
	s5 =	simm.s32 @!p2 $0x0  }
0x1d: {  	s5 =	simm.s32 @p1 $0x1;
	p0 =	seq.s32 s7, s2  }
0x1e: {  	s7 =	smul.u32 @!p0 $0xF7A, s2;
	p2 =	seq.s32 @!p0 s5, $0x0  }
0x1f: {  	s9 =	smul.u32 $0xF7A, s1;
	s8 =	simm.s32 @!p0 $0x1BF5;
	p2 =	por !p2, p0  }
0x20: {  	[sflag:s8] =	ssyncset.s32 @!p0 $0xFFFFF086;
	s6 =	sadd.s32 @!p0 s3, s7;
	s7 =	simm.s32 @!p0 $0x108  }
0x21: {  	s3 =	sadd.s32 s3, s9;
	s6 =	sadd.s32 @!p0 $0x88, s6;
	s7 =	simm.s32 @p2 $0x1082  }
0x22: {  	[simem:s7], [sflag:s8] =	dma.local @!p0 [hbm:s6], $0xF7A  }
0x23: {  	s9 =	sor.u32 $0xD0000000, s2;
	s6 =	simm.s32 $0x108;
	_ =	swait.ge @!p0 [sflag:s8], $0x0  }
0x24: {  	s3 =	sadd.s32 $0x88, s3;
	s6 =	simm.s32 @!p1 $0x1082;
	[sflag:s4] =	ssyncset.s32 $0xFFFFF086  }
0x25: {  	[simem:s6], [sflag:s4] =	dma.local [hbm:s3], $0xF7A  }
0x26: {  	[smem:$0x3F95] =	sst s1;
	(tag) =	ssettag s2;
	_ =	strace s9  }
0x27: {  	s1 =	sld [smem:$0x3FA5]  }
0x28: {  	s2 =	sld [smem:$0x3FA6]  }
0x29: {  	s4 =	sld [smem:$0x3FA8]  }
0x2a: {  	p0 =	seq.s32 s5, $0x0;
	s5 =	sld [smem:$0x3FA9]  }
0x2b: {  	s6 =	sld [smem:$0x3FAA]  }
0x2c: {  	s7 =	sld [smem:$0x3FAB]  }
0x2d: {  	s3 =	simm.s32 $0x108;
	s8 =	sld [smem:$0x3FAC]  }
0x2e: {  	s3 =	simm.s32 @!p0 $0x1082;
	s9 =	sld [smem:$0x3FAD]  }
0x2f: {  	lr =	sadd.s32 s0, s3;
	s0 =	sld [smem:$0x3FA4]  }
0x30: {  	s3 =	sld [smem:$0x3FA7]  }
0x31: {  	[smem:$0x3FB0] =	sst s10  }
0x32: {  	s10 =	sld [smem:$0x3FAE];
	_ =	sdelay $0x3  }
0x33: {  	p0 =	seq.s32 s10, $0x1;
	s10 =	sld [smem:$0x3FB0];
	_ =	sdelay $0x3  }
0x34: {  	[smem:$0x3FB0] =	sst s10  }
0x35: {  	s10 =	sld [smem:$0x3FAF];
	_ =	sdelay $0x3  }
0x36: {  	p1 =	seq.s32 s10, $0x1;
	s10 =	sld [smem:$0x3FB0];
	_ =	sdelay $0x3  }
0x37: {  	[smem:$0x3FB0] =	sst s10  }
0x38: {  	s10 =	sld [smem:$0x3FB1]  }
0x39: {  	_ = 	snop;
	(pc) =	sbr.ind lr, $3  }
0x3a: {  	_ = 	snop  }
0x3b: {  	_ = 	snop  }
0x3c: {  	p2 =	seq.s32 s10, $0x1;
	s10 =	sld [smem:$0x3FB0]  }
0x3d: {  	_ =	shalt  }
0x3e: {  	_ =	shalt  }
0x3f: {  	_ =	shalt  }
0x40: {  	_ =	shalt  }
0x41: {  	_ =	shalt  }
0x42: {  	_ =	shalt  }
0x43: {  	_ =	shalt  }
0x44: {  	_ =	shalt  }
0x45: {  	_ =	shalt  }
0x46: {  	_ =	shalt  }
0x47: {  	_ =	shalt  }
0x48: {  	_ =	shalt  }
0x49: {  	_ =	shalt  }
0x4a: {  	_ =	shalt  }
0x4b: {  	_ =	shalt  }
0x4c: {  	_ =	shalt  }
0x4d: {  	_ =	shalt  }
0x4e: {  	_ =	shalt  }
0x4f: {  	_ =	shalt  }
0x50: {  	_ =	shalt  }
0x51: {  	_ =	shalt  }
0x52: {  	_ =	shalt  }
0x53: {  	_ =	shalt  }
0x54: {  	_ =	shalt  }
0x55: {  	_ =	shalt  }
0x56: {  	_ =	shalt  }
0x57: {  	_ =	shalt  }
0x58: {  	_ =	shalt  }
0x59: {  	_ =	shalt  }
0x5a: {  	_ =	shalt  }
0x5b: {  	_ =	shalt  }
0x5c: {  	_ =	shalt  }
0x5d: {  	_ =	shalt  }
0x5e: {  	_ =	shalt  }
0x5f: {  	_ =	shalt  }
0x60: {  	_ =	shalt  }
0x61: {  	_ =	shalt  }
0x62: {  	_ =	shalt  }
0x63: {  	_ =	shalt  }
0x64: {  	_ =	shalt  }
0x65: {  	_ =	shalt  }
0x66: {  	_ =	shalt  }
0x67: {  	_ =	shalt  }
0x68: {  	_ =	shalt  }
0x69: {  	_ =	shalt  }
0x6a: {  	_ =	shalt  }
0x6b: {  	_ =	shalt  }
0x6c: {  	_ =	shalt  }
0x6d: {  	_ =	shalt  }
0x6e: {  	_ =	shalt  }
0x6f: {  	_ =	shalt  }
0x70: {  	_ =	shalt  }
0x71: {  	_ =	shalt  }
0x72: {  	_ =	shalt  }
0x73: {  	_ =	shalt  }
0x74: {  	_ =	shalt  }
0x75: {  	_ =	shalt  }
0x76: {  	_ =	shalt  }
0x77: {  	_ =	shalt  }
0x78: {  	_ =	shalt  }
0x79: {  	_ =	shalt  }
0x7a: {  	_ =	shalt  }
0x7b: {  	_ =	shalt  }
0x7c: {  	_ =	shalt  }
0x7d: {  	_ =	shalt  }
0x7e: {  	_ =	shalt  }
0x7f: {  	_ =	shalt  }
0x80: {  	_ =	shalt  }
0x81: {  	_ =	shalt  }
0x82: {  	_ =	shalt  }
0x83: {  	_ =	shalt  }
0x84: {  	_ =	shalt  }
0x85: {  	_ =	shalt  }
0x86: {  	_ =	shalt  }
0x87: {  	_ =	shalt  }
.Lfunc_end0:
.L_simem_size_0:
called_computation.2_lowered:
.L_overlay_start_0:
0x88: {  	s2 =	sld [smem:$0x3FD9]  }
0x89: {  	s3 =	sld [smem:$0x3FFE];
	_ =	sdelay $0x1  }
0x8a: {  	s1 =	srdreg.scid  }
0x8b: {  	s0 =	sand.u32 $0x1, s1  }
0x8c: {  	s16 =	sshll.u32 s0, $0xA;
	s2 =	sadd.s32 s3, s2  }
0x8d: {  	s2 =	sadd.s32 s2, s16  }
0x8e: {  	[smem:$0x3FBC] =	sst s2  }
0x8f: {  	_ = 	snop  }
0x90: {  	(tm) =	ssettm $0x1  }
0x91: {  	s17 =	sld [smem:$0x3FFB];
	_ =	sdelay $0x3  }
0x92: {  	_ =	strace s17  }
0x93: {  	s2 =	sld [smem:$0x3FFC];
	_ =	sdelay $0x3  }
0x94: {  	_ =	strace s2  }
0x95: {  	s2 =	sld [smem:$0x3FFD];
	_ =	sdelay $0x3  }
0x96: {  	_ =	strace s2  }
0x97: {  	_ =	strace $0x8FFFFFFF  }
0x98: {  	s18 =	sld [smem:$0x3FDB];
	_ =	sdelay $0x1  }
0x99: {  	s19 =	simm.s32 $_scs_section_size  }
0x9a: {  	s4 =	simm.s32 $_size__tile_overlayer_lowered;
	s5 =	simm.s32 $_tile_overlayer_lowered  }
0x9b: {  	s22 =	simm.s32 $0x1BFF;
	s21 =	sshll.u32 s5, $0x1;
	s2 =	sadd.s32 s19, s18  }
0x9c: {  	s6 =	simm.s32 $0x0;
	s20 =	sshll.u32 s4, $0x1;
	s4 =	sadd.s32 s21, s2  }
0x9d: {  	[timem:s6], [sflag:s22] =	dma.local [hbm:s4], s20  }
0x9e: {  	_ =	swait.ge [sflag:s22], s20  }
0x9f: {  	s3 =	ssub.s32 $0x0, s20;
	[sflag:s22] =	ssyncset.done $0x0  }
0xa0: {  	[sflag:s22] =	ssyncadd.s32 s3;
	_ =	sdelay $0x1  }
0xa1: {  	s23 =	simm.s32 $0x1B8B  }
0xa2: {  	_ =	swait.ge [sflag:s23], $0x1  }
0xa3: {  	[sflag:s23] =	ssyncset.done $0x0  }
0xa4: {  	s25 =	simm.s32 $0x1B8E;
	s24 =	sld [smem:$0x3FFE];
	[sflag:s23] =	ssyncadd.s32 $0xFFFFFFFF  }
0xa5: {  	s26 =	simm.s32 $execute0_lowered;
	[smem:$0x3FD2] =	sst s25  }
0xa6: {  	s4 =	sshll.u32 s26, $0x1;
	_ =	strace $0x8000004C;
	[dreg:$0x1] =	wrdreg $0xFFFFFFFF  }
0xa7: {  	s28 =	simm.s32 $_size_execute0_lowered;
	s2 =	sadd.s32 s2, s4;
	[dreg:$0x0] =	wrdreg $0x0  }
0xa8: {  	s4 =	sshll.u32 s28, $0x1;
	[dreg:$0x2] =	wrdreg s2  }
0xa9: {  	[dreg:$0x3] =	wrdreg s4  }
0xaa: {  	[dreg:$0x4] =	wrdreg $0xC0  }
0xab: {  	_ =	task [dreg:s6], $0x5FFFF  }
0xac: {  	[dreg:$0x1] =	wrdreg $0xFFFFFFFF  }
0xad: {  	[dreg:$0x0] =	wrdreg $0x60  }
0xae: {  	[dreg:$0x2] =	wrdreg s24  }
0xaf: {  	[dreg:$0x3] =	wrdreg $0xA9800  }
0xb0: {  	[dreg:$0x4] =	wrdreg $0x9  }
0xb1: {  	_ =	task.clear_ibuf [dreg:s6], $0x5FFFF;
	_ =	strace $0x9000004C  }
0xb2: {  	s29 =	simm.s32 $0x9;
	_ =	strace $0x8000004E  }
0xb3: {  	_ =	swait.ge [sflag:s29], $0x1  }
0xb4: {  	[sflag:s29] =	ssyncadd.s32 $0xFFFFFFFF  }
0xb5: {  	_ =	strace $0x9000004E  }
0xb6: {  	_ =	sfence  }
0xb7: {  	s30 =	sld [smem:$0x0];
	_ =	sdelay $0x2  }
0xb8: {  	s31 =	sshll.u32 s1, $0xD;
	s1 =	sshrl.u32 s1, $0x2  }
0xb9: {  	s3 =	sand.u32 $0x4000, s31;
	s1 =	sadd.s32 s1, s30  }
0xba: {  	s0 =	sor.u32 s3, s0;
	s1 =	sshll.u32 s1, $0x11  }
0xbb: {  	s0 =	sor.u32 s1, s0  }
0xbc: {  	s0 =	sadd.s32 $0x8F2B, s0  }
0xbd: {  	[sflag:s0] =	ssyncadd.remote.s32 $0x1  }
0xbe: {  	_ =	sfence.sel $0xFFFF  }
0xbf: {  	[dreg:$0x0] =	wrdreg $0xFFFFFFFF;
	(pc) =	sbr.abs _section_cstart, $3  }
0xc0: {  	[dreg:$0x1] =	wrdreg $0xFFFFFFFF  }
0xc1: {  	_ =	task.clear_ibuf [dreg:s6], $0x2FFFF;
	_ =	strace $0x9FFFFFFF  }
0xc2: {  	(tm) =	ssettm $0x7FFFFFFF  }
0xc3: {  	_ =	shalt  }
tec
execute0_lowered:
.L_overlay_start_1:
0x0: {  	(tag) =	ssettag $0x1  }
0x1: {  	s0 =	srdreg.scid;
	s1 =	rddreg [dreg:$0x0]  }
0x2: {  	s15 =	stileid.u32;
	s2 =	rddreg [dreg:$0x1];
	s18 =	simm.s32 $0x5  }
0x3: {  	s19 =	simm.s32 $0x6980;
	s28 =	simm.s32 $0x2;
	s8 =	smul.u32 $0x14000, s15  }
0x4: {  	s30 =	simm.s32 $0x2900;
	s31 =	simm.s32 $0x10;
	s11 =	smul.u32 $0x50000, s15  }
0x5: {  	s0 =	sand.u32 $0x1, s0;
	s5 =	sadd.s32 $0xC800, s1;
	s13 =	smul.u32 $0x2800, s15  }
0x6: {  	s16 =	sadd.s32 $0x3E600, s1;
	s14 =	smul.u32 $0x2710, s15;
	s25 =	sshll.u32 s15, $0x6  }
0x7: {  	s3 =	sshll.u32 s0, $0x4;
	s6 =	smul.u32 $0x140000, s0;
	s20 =	ssub.s32 $0x2, s0  }
0x8: {  	p0 =	seq.s32 s0, $0x0;
	s0 =	smul.u32 $0x27100, s0;
	s4 =	sor.u32 s15, s3  }
0x9: {  	s3 =	simm.s32 $0x0;
	s10 =	sshrl.u32 s20, $0x1;
	s22 =	sshrl.u32 s11, $0x2  }
0xa: {  	s4 =	smul.u32 $0x2710, s4;
	[smem:$0x7FF] =	sst s3;
	s6 =	sadd.s32 s8, s6  }
0xb: {  	s21 =	ssub.s32 s20, s10;
	s17 =	sadd.s32 s22, s2;
	s10 =	smov.u32 s16  }
0xc: {  	s0 =	sadd.s32 s14, s0;
	s14 =	sor.u32 $0x1C05, s25;
	s20 =	simm.s32 $0x2980  }
0xd: {  	s22 =	simm.s32 $0x4;
	s25 =	simm.s32 $0x1;
	_ =	strace $0x8000004D  }
0xe: {  	s6 =	sshrl.u32 s6, $0x3;
	s11 =	smax.u32 s21, $0x1;
	s26 =	sadd.s32 $0x80, s0  }
0xf: {  	s17 =	sshrl.u32 s17, $0x3;
	s21 =	simm.s32 $0x2780;
	s7 =	sshrl.u32 s4, $0x3  }
0x10: {  	s4 =	sadd.s32 $0x16600, s1;
	s29 =	sshrl.u32 s26, $0x3;
	s9 =	sadd.s32 s7, s1  }
0x11: {  	s26 =	simm.s32 $0x3;
	s7 =	sadd.s32 s5, s7;
	s23 =	sadd.s32 $0x2A00, s9  }
0x12: {  	s1 =	sadd.s32 s6, s1;
	s24 =	sadd.s32 $0x4E0, s7;
	[dreg:$0x3] =	wrdreg s23  }
0x13: {  	s15 =	sadd.s32 s29, s5;
	s1 =	sadd.s32 $0x66600, s1;
	[dreg:$0x4] =	wrdreg s24  }
0x14: {  	s12 =	sadd.s32 $0x4D0, s7;
	[dreg:$0x5] =	wrdreg s1;
	s1 =	smov.u32 s16  }
0x15: {  	s16 =	sadd.s32 $0x100, s0;
	s23 =	simm.s32 $0x80;
	s1 =	smov.u32 @p0 s4  }
0x16: {  	s24 =	simm.s32 $0x2800;
	s0 =	simm.s32 $0x0;
	s13 =	sadd.s32 s1, s13  }
.LBB2_1:
0x17: {  	[spmem:s17], [sflag:s14] =	dma.local [hbm:s13], $0x2800  }
0x18: {  	_ =	swait.ge [sflag:s18], $0x2800  }
0x19: {  	[sflag:s18] =	ssyncset.done $0x0  }
0x1a: {  	s1 =	rddreg [dreg:$0x3];
	[sflag:s18] =	ssyncadd.s32 $0xFFFFD800  }
0x1b: {  	[tilespmem:s3], [sflag:$0x5] =	stream.linear.gather [hbm4b:s1+s3], $0x2710, $0x38;
	[tilespmem:$0x1E980] =	vst v63  }
0x1c: {  	_ =	swait.ge [sflag:s18], $0x2710  }
0x1d: {  	[sflag:s18] =	ssyncset.done $0x0  }
0x1e: {  	[sflag:s18] =	ssyncadd.s32 $0xFFFFD8F0  }
0x1f: {  	[bflag:$0x0] =	sbarrier.arrive $0xFFFF  }
0x20: {  	[tilespmem:s19], [sflag:$0x4] =	stream.linear.gather [hbm4b:s10+s3], $0x4000, $0x38;
	[tilespmem:$0x1E980] =	vst v63  }
0x21: {  	_ = 	snop  }
0x22: {  	[tilespmem:s20], [sflag:$0x1] =	stream.indirect.gather [hbm4b:s4+s23], $0x80, s3, s23, $0xb8;
	[tilespmem:$0x1E980] =	vst v63  }
0x23: {  	_ = 	snop  }
0x24: {  	[tilespmem:s21], [sflag:$0x1] =	stream.linear.gather [hbm4b:s7+s3], $0x80, $0x38;
	[tilespmem:$0x1E980] =	vst v63  }
0x25: {  	_ =	swait.ge [sflag:s22], $0x4000  }
0x26: {  	[sflag:s22] =	ssyncset.done $0x0  }
0x27: {  	[sflag:s22] =	ssyncadd.s32 $0xFFFFC000  }
0x28: {  	[tilespmem:s19], [sflag:$0x2] =	stream.indirect.gather [hbm4b:s4+s23], $0x80, s23, s23, $0xb8;
	[tilespmem:$0x1E980] =	vst v63  }
0x29: {  	s6 =	sadd.s32 $0x0, s15  }
0x2a: {  	[tilespmem:s24], [sflag:$0x2] =	stream.linear.gather [hbm4b:s6+s3], $0x80, $0x38;
	[tilespmem:$0x1E980] =	vst v63  }
0x2b: {  	_ =	swait.ge [sflag:s25], $0x4000  }
0x2c: {  	[sflag:s25] =	ssyncset.done $0x0  }
0x2d: {  	[sflag:s25] =	ssyncadd.s32 $0xFFFFC000  }
0x2e: {  	_ =	swait.ge [sflag:s25], $0x80  }
0x2f: {  	[sflag:s25] =	ssyncset.done $0x0  }
0x30: {  	[sflag:s25] =	ssyncadd.s32 $0xFFFFFF80  }
0x31: {  	[spmem:s2] =	stream.indirect.scatter.add.f32 [tilespmem:s20], [sflag:$0x3], $0x80, s21, s23, $0xb8;
	[tilespmem:$0x1E980] =	vst v63  }
0x32: {  	_ =	swait.ge [sflag:s26], $0x4000  }
0x33: {  	[sflag:s26] =	ssyncset.done $0x0  }
0x34: {  	s8 =	simm.s32 $0x100;
	s6 =	sshrl.u32 s16, $0x3;
	[sflag:s26] =	ssyncadd.s32 $0xFFFFC000  }
0x35: {  	[tilespmem:s20], [sflag:$0x1] =	stream.indirect.gather [hbm4b:s4+s23], $0x80, s8, s23, $0xb8;
	[tilespmem:$0x1E980] =	vst v63  }
0x36: {  	s9 =	sadd.s32 s5, s6  }
0x37: {  	[tilespmem:s21], [sflag:$0x1] =	stream.linear.gather [hbm4b:s9+s3], $0x80, $0x38;
	[tilespmem:$0x1E980] =	vst v63  }
0x38: {  	_ =	swait.ge [sflag:s28], $0x4000  }
0x39: {  	[sflag:s28] =	ssyncset.done $0x0  }
0x3a: {  	[sflag:s28] =	ssyncadd.s32 $0xFFFFC000  }
0x3b: {  	_ =	swait.ge [sflag:s28], $0x80  }
0x3c: {  	s29 =	simm.s32 $0x20;
	[sflag:s28] =	ssyncset.done $0x0  }
0x3d: {  	s1 =	simm.s32 $0x180;
	s6 =	sadd.s32 $0x100, s16;
	[sflag:s28] =	ssyncadd.s32 $0xFFFFFF80  }
.LBB2_2:
0x3e: {  	[spmem:s2] =	stream.indirect.scatter.add.f32 [tilespmem:s19], [sflag:$0x4], $0x80, s24, s23, $0xb8;
	[tilespmem:$0x1E980] =	vst v63  }
0x3f: {  	s8 =	smov.u32 s29  }
0x40: {  	p0 =	sne.s32 s29, $0x4A0;
	s29 =	sadd.s32 $0x20, s29;
	_ =	swait.ge [sflag:s22], $0x4000  }
0x41: {  	[sflag:s22] =	ssyncset.done $0x0  }
0x42: {  	[sflag:s22] =	ssyncadd.s32 $0xFFFFC000  }
0x43: {  	[tilespmem:s19], [sflag:$0x2] =	stream.indirect.gather [hbm4b:s4+s23], $0x80, s1, s23, $0xb8;
	[tilespmem:$0x1E980] =	vst v63  }
0x44: {  	s8 =	sadd.s32 s8, s15  }
0x45: {  	[tilespmem:s24], [sflag:$0x2] =	stream.linear.gather [hbm4b:s8+s3], $0x80, $0x38;
	[tilespmem:$0x1E980] =	vst v63  }
0x46: {  	_ =	swait.ge [sflag:s25], $0x4000  }
0x47: {  	[sflag:s25] =	ssyncset.done $0x0  }
0x48: {  	[sflag:s25] =	ssyncadd.s32 $0xFFFFC000  }
0x49: {  	_ =	swait.ge [sflag:s25], $0x80  }
0x4a: {  	[sflag:s25] =	ssyncset.done $0x0  }
0x4b: {  	[sflag:s25] =	ssyncadd.s32 $0xFFFFFF80  }
0x4c: {  	[spmem:s2] =	stream.indirect.scatter.add.f32 [tilespmem:s20], [sflag:$0x3], $0x80, s21, s23, $0xb8;
	[tilespmem:$0x1E980] =	vst v63  }
0x4d: {  	_ =	swait.ge [sflag:s26], $0x4000  }
0x4e: {  	[sflag:s26] =	ssyncset.done $0x0  }
0x4f: {  	s9 =	sshrl.u32 s6, $0x3;
	s8 =	sadd.s32 $0x80, s1;
	[sflag:s26] =	ssyncadd.s32 $0xFFFFC000  }
0x50: {  	[tilespmem:s20], [sflag:$0x1] =	stream.indirect.gather [hbm4b:s4+s23], $0x80, s8, s23, $0xb8;
	[tilespmem:$0x1E980] =	vst v63  }
0x51: {  	s8 =	sadd.s32 s5, s9  }
0x52: {  	[tilespmem:s21], [sflag:$0x1] =	stream.linear.gather [hbm4b:s8+s3], $0x80, $0x38;
	[tilespmem:$0x1E980] =	vst v63  }
0x53: {  	_ =	swait.ge [sflag:s28], $0x4000  }
.Ltmp0:
0x54: {  	[sflag:s28] =	ssyncset.done $0x0;
	(pc) =	sbr.rel @p0 .LBB2_2-.Ltmp0, $4  }
0x55: {  	[sflag:s28] =	ssyncadd.s32 $0xFFFFC000  }
0x56: {  	_ =	swait.ge [sflag:s28], $0x80  }
0x57: {  	[sflag:s28] =	ssyncset.done $0x0  }
0x58: {  	s6 =	sadd.s32 $0x100, s6;
	s1 =	sadd.s32 $0x100, s1;
	[sflag:s28] =	ssyncadd.s32 $0xFFFFFF80  }
0x59: {  	[spmem:s2] =	stream.indirect.scatter.add.f32 [tilespmem:s19], [sflag:$0x4], $0x80, s24, s23, $0xb8;
	[tilespmem:$0x1E980] =	vst v63  }
0x5a: {  	_ =	swait.ge [sflag:s22], $0x4000  }
0x5b: {  	[sflag:s22] =	ssyncset.done $0x0  }
0x5c: {  	s1 =	simm.s32 $0x2680;
	[sflag:s22] =	ssyncadd.s32 $0xFFFFC000  }
0x5d: {  	[tilespmem:s19], [sflag:$0x2] =	stream.indirect.gather [hbm4b:s4+s23], $0x80, s1, s23, $0xb8;
	[tilespmem:$0x1E980] =	vst v63  }
0x5e: {  	_ = 	snop  }
0x5f: {  	[tilespmem:s24], [sflag:$0x2] =	stream.linear.gather [hbm4b:s12+s3], $0x80, $0x38;
	[tilespmem:$0x1E980] =	vst v63  }
0x60: {  	_ =	swait.ge [sflag:s25], $0x4000  }
0x61: {  	[sflag:s25] =	ssyncset.done $0x0  }
0x62: {  	[sflag:s25] =	ssyncadd.s32 $0xFFFFC000  }
0x63: {  	_ =	swait.ge [sflag:s25], $0x80  }
0x64: {  	[sflag:s25] =	ssyncset.done $0x0  }
0x65: {  	[sflag:s25] =	ssyncadd.s32 $0xFFFFFF80  }
0x66: {  	[spmem:s2] =	stream.indirect.scatter.add.f32 [tilespmem:s20], [sflag:$0x3], $0x80, s21, s23, $0xb8;
	[tilespmem:$0x1E980] =	vst v63  }
0x67: {  	_ =	swait.ge [sflag:s26], $0x4000  }
0x68: {  	[sflag:s26] =	ssyncset.done $0x0  }
0x69: {  	[sflag:s26] =	ssyncadd.s32 $0xFFFFC000  }
0x6a: {  	_ =	swait.ge [sflag:s28], $0x4000  }
0x6b: {  	[sflag:s28] =	ssyncset.done $0x0  }
0x6c: {  	[sflag:s28] =	ssyncadd.s32 $0xFFFFC000  }
0x6d: {  	_ =	swait.ge [sflag:s28], $0x80  }
0x6e: {  	[sflag:s28] =	ssyncset.done $0x0  }
0x6f: {  	[sflag:s28] =	ssyncadd.s32 $0xFFFFFF80  }
0x70: {  	[spmem:s2] =	stream.indirect.scatter.add.f32 [tilespmem:s19], [sflag:$0x4], $0x80, s24, s23, $0xb8;
	[tilespmem:$0x1E980] =	vst v63  }
0x71: {  	_ =	swait.ge [sflag:s22], $0x4000  }
0x72: {  	[sflag:s22] =	ssyncset.done $0x0  }
0x73: {  	[sflag:s22] =	ssyncadd.s32 $0xFFFFC000  }
0x74: {  	v0 =	vld [tilespmem:$0x2700];
	_ =	sdelay $0x4  }
0x75: {  	s8 =	rddreg [dreg:$0x4];
	[tilespmem:$0x2880] =	vst v0  }
0x76: {  	[tilespmem:s30], [sflag:$0x5] =	stream.linear.gather [hbm4b:s8+s3], $0x10, $0x38;
	[tilespmem:$0x1E980] =	vst v63  }
0x77: {  	_ =	swait.ge [sflag:s18], $0x10  }
0x78: {  	[sflag:s18] =	ssyncset.done $0x0  }
0x79: {  	s9 =	simm.s32 $0x2880;
	[sflag:s18] =	ssyncadd.s32 $0xFFFFFFF0  }
0x7a: {  	[tilespmem:s20], [sflag:$0x5] =	stream.indirect.gather [hbm4b:s4+s31], $0x80, s9, s31, $0xb8;
	[tilespmem:$0x1E980] =	vst v63  }
0x7b: {  	_ =	swait.ge [sflag:s18], $0x800  }
0x7c: {  	[sflag:s18] =	ssyncset.done $0x0  }
0x7d: {  	[sflag:s18] =	ssyncadd.s32 $0xFFFFF800  }
0x7e: {  	[spmem:s2] =	stream.indirect.scatter.add.f32 [tilespmem:s20], [sflag:$0x5], $0x80, s30, s31, $0xb8;
	[tilespmem:$0x1E980] =	vst v63  }
0x7f: {  	_ =	swait.ge [sflag:s18], $0x800  }
0x80: {  	[sflag:s18] =	ssyncset.done $0x0  }
0x81: {  	s0 =	sadd.s32 $0x1, s0;
	[sflag:s18] =	ssyncadd.s32 $0xFFFFF800  }
0x82: {  	p0 =	sne.s32 s0, s11;
	[bflag:$0x0] =	sbarrier.arrive $0xFFFF  }
.Ltmp1:
0x83: {  	s29 =	rddreg [dreg:$0x5];
	(pc) =	sbr.rel @p0 .LBB2_1-.Ltmp1, $4  }
0x84: {  	[hbm:s29], [sflag:s14] =	dma.local [spmem:s17], $0x2800  }
0x85: {  	_ =	swait.ge [sflag:s18], $0x2800  }
0x86: {  	[sflag:s18] =	ssyncset.done $0x0  }
0x87: {  	[sflag:s18] =	ssyncadd.s32 $0xFFFFD800  }
0x88: {  	_ =	sfence.sel $0x180000  }
0x89: {  	[bflag:$0x0] =	sbarrier.arrive $0xFFFF  }
0x8a: {  	_ =	strace $0x9000004D  }
0x8b: {  	s0 =	stileid.u32;
	[bflag:$0x2] =	sbarrier.arrive $0xFFFF  }
0x8c: {  	p0 =	sne.s32 s0, $0x0;
	s0 =	rddreg [dreg:$0x2]  }
0x8d: {  	s0 =	sadd.s32 @!p0 $0x100000, s0  }
0x8e: {  	[sflag:s0] =	ssyncadd.tile.s32 @!p0 $0x1;
	_ =	shalt  }
.Lfunc_end2:
_tile_overlayer_lowered:
.L_overlay_start_2:
0x8f: {  	(tag) =	ssettag $0x2  }
0x90: {  	s0 =	rddreg [dreg:$0x0];
	s2 =	stileid.u32  }
0x91: {  	s1 =	rddreg [dreg:$0x1];
	p0 =	sne.s32 s2, $0x0  }
0x92: {  	s3 =	rddreg [dreg:$0x2];
	[bflag:$0x3] =	sbarrier.arrive $0xFFFF;
	s2 =	simm.s32 @!p0 $0x1C05  }
0x93: {  	[timem:s3], [sflag:s2] =	dma.local @!p0 [hbm:s0], s1  }
0x94: {  	s0 =	simm.s32 @!p0 $0x5  }
0x95: {  	_ =	swait.ge @!p0 [sflag:s0], s1  }
0x96: {  	s1 =	ssub.s32 @!p0 $0x0, s1;
	[sflag:s0] =	ssyncset.done @!p0 $0x0  }
0x97: {  	[sflag:s0] =	ssyncadd.s32 @!p0 s1  }
0x98: {  	[bflag:$0x3] =	sbarrier.arrive $0xFFFF  }
0x99: {  	_ =	shalt  }

// kernel: kernel.8.cloned.1.call-start
scs
__scs_entry_jumppad:
0x0: {  	(pc) =	sbr.rel $0x88, $3  }
0x1: {  	(tag) =	ssettag $0x0;
	lr =	simm.s32 $0x1  }
0x2: {  	[smem:$0x3F95] =	sst lr;
	_ =	strace $0xD0000000  }
0x3: {  	_ = 	snop  }
0x4: {  	_ = 	snop  }
0x5: {  	_ = 	snop  }
0x6: {  	_ = 	snop  }
0x7: {  	_ = 	snop  }
__scs_overlays_trampoline_lowered:
0x8: {  	[smem:$0x3FA4] =	sst s0  }
0x9: {  	[smem:$0x3FA5] =	sst s1  }
0xa: {  	[smem:$0x3FA6] =	sst s2  }
0xb: {  	[smem:$0x3FA7] =	sst s3  }
0xc: {  	[smem:$0x3FA8] =	sst s4  }
0xd: {  	[smem:$0x3FA9] =	sst s5  }
0xe: {  	[smem:$0x3FAA] =	sst s6  }
0xf: {  	[smem:$0x3FAB] =	sst s7  }
0x10: {  	[smem:$0x3FAC] =	sst s8  }
0x11: {  	[smem:$0x3FAD] =	sst s9;
	s0 =	simm.s32 @!p0 $0x0  }
0x12: {  	s1 =	sld [smem:$0x3F93];
	s0 =	simm.s32 @p0 $0x1  }
0x13: {  	[smem:$0x3FAE] =	sst s0;
	s0 =	simm.s32 @!p1 $0x0  }
0x14: {  	s2 =	sld [smem:$0x3F92];
	s0 =	simm.s32 @p1 $0x1  }
0x15: {  	[smem:$0x3FAF] =	sst s0;
	s0 =	simm.s32 @!p2 $0x0  }
0x16: {  	s3 =	sld [smem:$0x3FDB];
	s0 =	simm.s32 @p2 $0x1  }
0x17: {  	s4 =	simm.s32 $0x1BF5;
	[smem:$0x3FB1] =	sst s0  }
0x18: {  	s0 =	sld [smem:$0x3F94];
	_ =	swait.ge [sflag:s4], $0x0  }
0x19: {  	s7 =	sld [smem:$0x3F95]  }
0x1a: {  	s8 =	sadd.s32 $0xFFFFE003, lr  }
0x1b: {  	s9 =	sadd.s32 $0xFFFFFEF7, lr;
	s5 =	simm.s32 $0xFFFFFFFF;
	p2 =	slt.u32 s8, $0xFFFFF086  }
0x1c: {  	p1 =	slt.u32 s9, $0xF7A;
	s5 =	simm.s32 @!p2 $0x0  }
0x1d: {  	s5 =	simm.s32 @p1 $0x1;
	p0 =	seq.s32 s7, s2  }
0x1e: {  	s7 =	smul.u32 @!p0 $0xF7A, s2;
	p2 =	seq.s32 @!p0 s5, $0x0  }
0x1f: {  	s9 =	smul.u32 $0xF7A, s1;
	s8 =	simm.s32 @!p0 $0x1BF5;
	p2 =	por !p2, p0  }
0x20: {  	[sflag:s8] =	ssyncset.s32 @!p0 $0xFFFFF086;
	s6 =	sadd.s32 @!p0 s3, s7;
	s7 =	simm.s32 @!p0 $0x108  }
0x21: {  	s3 =	sadd.s32 s3, s9;
	s6 =	sadd.s32 @!p0 $0x88, s6;
	s7 =	simm.s32 @p2 $0x1082  }
0x22: {  	[simem:s7], [sflag:s8] =	dma.local @!p0 [hbm:s6], $0xF7A  }
0x23: {  	s9 =	sor.u32 $0xD0000000, s2;
	s6 =	simm.s32 $0x108;
	_ =	swait.ge @!p0 [sflag:s8], $0x0  }
0x24: {  	s3 =	sadd.s32 $0x88, s3;
	s6 =	simm.s32 @!p1 $0x1082;
	[sflag:s4] =	ssyncset.s32 $0xFFFFF086  }
0x25: {  	[simem:s6], [sflag:s4] =	dma.local [hbm:s3], $0xF7A  }
0x26: {  	[smem:$0x3F95] =	sst s1;
	(tag) =	ssettag s2;
	_ =	strace s9  }
0x27: {  	s1 =	sld [smem:$0x3FA5]  }
0x28: {  	s2 =	sld [smem:$0x3FA6]  }
0x29: {  	s4 =	sld [smem:$0x3FA8]  }
0x2a: {  	p0 =	seq.s32 s5, $0x0;
	s5 =	sld [smem:$0x3FA9]  }
0x2b: {  	s6 =	sld [smem:$0x3FAA]  }
0x2c: {  	s7 =	sld [smem:$0x3FAB]  }
0x2d: {  	s3 =	simm.s32 $0x108;
	s8 =	sld [smem:$0x3FAC]  }
0x2e: {  	s3 =	simm.s32 @!p0 $0x1082;
	s9 =	sld [smem:$0x3FAD]  }
0x2f: {  	lr =	sadd.s32 s0, s3;
	s0 =	sld [smem:$0x3FA4]  }
0x30: {  	s3 =	sld [smem:$0x3FA7]  }
0x31: {  	[smem:$0x3FB0] =	sst s10  }
0x32: {  	s10 =	sld [smem:$0x3FAE];
	_ =	sdelay $0x3  }
0x33: {  	p0 =	seq.s32 s10, $0x1;
	s10 =	sld [smem:$0x3FB0];
	_ =	sdelay $0x3  }
0x34: {  	[smem:$0x3FB0] =	sst s10  }
0x35: {  	s10 =	sld [smem:$0x3FAF];
	_ =	sdelay $0x3  }
0x36: {  	p1 =	seq.s32 s10, $0x1;
	s10 =	sld [smem:$0x3FB0];
	_ =	sdelay $0x3  }
0x37: {  	[smem:$0x3FB0] =	sst s10  }
0x38: {  	s10 =	sld [smem:$0x3FB1]  }
0x39: {  	_ = 	snop;
	(pc) =	sbr.ind lr, $3  }
0x3a: {  	_ = 	snop  }
0x3b: {  	_ = 	snop  }
0x3c: {  	p2 =	seq.s32 s10, $0x1;
	s10 =	sld [smem:$0x3FB0]  }
0x3d: {  	_ =	shalt  }
0x3e: {  	_ =	shalt  }
0x3f: {  	_ =	shalt  }
0x40: {  	_ =	shalt  }
0x41: {  	_ =	shalt  }
0x42: {  	_ =	shalt  }
0x43: {  	_ =	shalt  }
0x44: {  	_ =	shalt  }
0x45: {  	_ =	shalt  }
0x46: {  	_ =	shalt  }
0x47: {  	_ =	shalt  }
0x48: {  	_ =	shalt  }
0x49: {  	_ =	shalt  }
0x4a: {  	_ =	shalt  }
0x4b: {  	_ =	shalt  }
0x4c: {  	_ =	shalt  }
0x4d: {  	_ =	shalt  }
0x4e: {  	_ =	shalt  }
0x4f: {  	_ =	shalt  }
0x50: {  	_ =	shalt  }
0x51: {  	_ =	shalt  }
0x52: {  	_ =	shalt  }
0x53: {  	_ =	shalt  }
0x54: {  	_ =	shalt  }
0x55: {  	_ =	shalt  }
0x56: {  	_ =	shalt  }
0x57: {  	_ =	shalt  }
0x58: {  	_ =	shalt  }
0x59: {  	_ =	shalt  }
0x5a: {  	_ =	shalt  }
0x5b: {  	_ =	shalt  }
0x5c: {  	_ =	shalt  }
0x5d: {  	_ =	shalt  }
0x5e: {  	_ =	shalt  }
0x5f: {  	_ =	shalt  }
0x60: {  	_ =	shalt  }
0x61: {  	_ =	shalt  }
0x62: {  	_ =	shalt  }
0x63: {  	_ =	shalt  }
0x64: {  	_ =	shalt  }
0x65: {  	_ =	shalt  }
0x66: {  	_ =	shalt  }
0x67: {  	_ =	shalt  }
0x68: {  	_ =	shalt  }
0x69: {  	_ =	shalt  }
0x6a: {  	_ =	shalt  }
0x6b: {  	_ =	shalt  }
0x6c: {  	_ =	shalt  }
0x6d: {  	_ =	shalt  }
0x6e: {  	_ =	shalt  }
0x6f: {  	_ =	shalt  }
0x70: {  	_ =	shalt  }
0x71: {  	_ =	shalt  }
0x72: {  	_ =	shalt  }
0x73: {  	_ =	shalt  }
0x74: {  	_ =	shalt  }
0x75: {  	_ =	shalt  }
0x76: {  	_ =	shalt  }
0x77: {  	_ =	shalt  }
0x78: {  	_ =	shalt  }
0x79: {  	_ =	shalt  }
0x7a: {  	_ =	shalt  }
0x7b: {  	_ =	shalt  }
0x7c: {  	_ =	shalt  }
0x7d: {  	_ =	shalt  }
0x7e: {  	_ =	shalt  }
0x7f: {  	_ =	shalt  }
0x80: {  	_ =	shalt  }
0x81: {  	_ =	shalt  }
0x82: {  	_ =	shalt  }
0x83: {  	_ =	shalt  }
0x84: {  	_ =	shalt  }
0x85: {  	_ =	shalt  }
0x86: {  	_ =	shalt  }
0x87: {  	_ =	shalt  }
.Lfunc_end0:
.L_simem_size_0:
called_computation_lowered:
.L_overlay_start_0:
0x88: {  	s2 =	sld [smem:$0x3FD9]  }
0x89: {  	s3 =	sld [smem:$0x3FFE];
	_ =	sdelay $0x1  }
0x8a: {  	s1 =	srdreg.scid  }
0x8b: {  	s0 =	sand.u32 $0x1, s1  }
0x8c: {  	s16 =	sshll.u32 s0, $0xA;
	s2 =	sadd.s32 s3, s2  }
0x8d: {  	s2 =	sadd.s32 s2, s16  }
0x8e: {  	[smem:$0x3FBC] =	sst s2  }
0x8f: {  	_ = 	snop  }
0x90: {  	(tm) =	ssettm $0x1  }
0x91: {  	s17 =	sld [smem:$0x3FFB];
	_ =	sdelay $0x3  }
0x92: {  	_ =	strace s17  }
0x93: {  	s2 =	sld [smem:$0x3FFC];
	_ =	sdelay $0x3  }
0x94: {  	_ =	strace s2  }
0x95: {  	s2 =	sld [smem:$0x3FFD];
	_ =	sdelay $0x3  }
0x96: {  	_ =	strace s2  }
0x97: {  	_ =	strace $0x8FFFFFFF  }
0x98: {  	s18 =	sld [smem:$0x3FDB];
	_ =	sdelay $0x1  }
0x99: {  	s19 =	simm.s32 $_scs_section_size  }
0x9a: {  	s4 =	simm.s32 $_size__tile_overlayer_lowered;
	s5 =	simm.s32 $_tile_overlayer_lowered  }
0x9b: {  	s22 =	simm.s32 $0x1BFF;
	s21 =	sshll.u32 s5, $0x1;
	s2 =	sadd.s32 s19, s18  }
0x9c: {  	s6 =	simm.s32 $0x0;
	s20 =	sshll.u32 s4, $0x1;
	s4 =	sadd.s32 s21, s2  }
0x9d: {  	[timem:s6], [sflag:s22] =	dma.local [hbm:s4], s20  }
0x9e: {  	_ =	swait.ge [sflag:s22], s20  }
0x9f: {  	s3 =	ssub.s32 $0x0, s20;
	[sflag:s22] =	ssyncset.done $0x0  }
0xa0: {  	[sflag:s22] =	ssyncadd.s32 s3;
	_ =	sdelay $0x1  }
0xa1: {  	s23 =	simm.s32 $0x1B8B  }
0xa2: {  	_ =	swait.ge [sflag:s23], $0x1  }
0xa3: {  	[sflag:s23] =	ssyncset.done $0x0  }
0xa4: {  	s25 =	simm.s32 $0x1B8E;
	s24 =	sld [smem:$0x3FFE];
	[sflag:s23] =	ssyncadd.s32 $0xFFFFFFFF  }
0xa5: {  	s26 =	simm.s32 $execute0_lowered;
	[smem:$0x3FD2] =	sst s25  }
0xa6: {  	s4 =	sshll.u32 s26, $0x1;
	_ =	strace $0x80000046;
	[dreg:$0x1] =	wrdreg $0xFFFFFFFF  }
0xa7: {  	s28 =	simm.s32 $_size_execute0_lowered;
	s2 =	sadd.s32 s2, s4;
	[dreg:$0x0] =	wrdreg $0x0  }
0xa8: {  	s4 =	sshll.u32 s28, $0x1;
	[dreg:$0x2] =	wrdreg s2  }
0xa9: {  	[dreg:$0x3] =	wrdreg s4  }
0xaa: {  	[dreg:$0x4] =	wrdreg $0xC0  }
0xab: {  	_ =	task [dreg:s6], $0x5FFFF  }
0xac: {  	[dreg:$0x1] =	wrdreg $0xFFFFFFFF  }
0xad: {  	[dreg:$0x0] =	wrdreg $0x60  }
0xae: {  	[dreg:$0x2] =	wrdreg s24  }
0xaf: {  	[dreg:$0x3] =	wrdreg $0x2C000  }
0xb0: {  	[dreg:$0x4] =	wrdreg $0x9  }
0xb1: {  	_ =	task.clear_ibuf [dreg:s6], $0x5FFFF;
	_ =	strace $0x90000046  }
0xb2: {  	s29 =	simm.s32 $0x9;
	_ =	strace $0x80000048  }
0xb3: {  	_ =	swait.ge [sflag:s29], $0x1  }
0xb4: {  	[sflag:s29] =	ssyncadd.s32 $0xFFFFFFFF  }
0xb5: {  	_ =	strace $0x90000048  }
0xb6: {  	_ =	sfence  }
0xb7: {  	s30 =	sld [smem:$0x0];
	_ =	sdelay $0x2  }
0xb8: {  	s31 =	sshll.u32 s1, $0xD;
	s1 =	sshrl.u32 s1, $0x2  }
0xb9: {  	s3 =	sand.u32 $0x4000, s31;
	s1 =	sadd.s32 s1, s30  }
0xba: {  	s0 =	sor.u32 s3, s0;
	s1 =	sshll.u32 s1, $0x11  }
0xbb: {  	s0 =	sor.u32 s1, s0  }
0xbc: {  	s0 =	sadd.s32 $0x8F2B, s0  }
0xbd: {  	[sflag:s0] =	ssyncadd.remote.s32 $0x1  }
0xbe: {  	_ =	sfence.sel $0xFFFF  }
0xbf: {  	[dreg:$0x0] =	wrdreg $0xFFFFFFFF;
	(pc) =	sbr.abs _section_cstart, $3  }
0xc0: {  	[dreg:$0x1] =	wrdreg $0xFFFFFFFF  }
0xc1: {  	_ =	task.clear_ibuf [dreg:s6], $0x2FFFF;
	_ =	strace $0x9FFFFFFF  }
0xc2: {  	(tm) =	ssettm $0x7FFFFFFF  }
0xc3: {  	_ =	shalt  }
tec
execute0_lowered:
.L_overlay_start_1:
0x0: {  	(tag) =	ssettag $0x1  }
0x1: {  	s5 =	rddreg [dreg:$0x0]  }
0x2: {  	s2 =	rddreg [dreg:$0x1]  }
0x3: {  	s0 =	rddreg [dreg:$0x2]  }
0x4: {  	s3 =	simm.s32 $0x0;
	s4 =	srdreg.scid;
	s1 =	stileid.u32  }
0x5: {  	s11 =	simm.s32 $0x2800;
	s12 =	simm.s32 $0x2;
	s13 =	simm.s32 $0x80  }
0x6: {  	s14 =	simm.s32 $0x2780;
	s15 =	simm.s32 $0x2900;
	s16 =	simm.s32 $0x1  }
0x7: {  	s17 =	simm.s32 $0x10;
	s18 =	simm.s32 $0x2880;
	s21 =	simm.s32 $0x20  }
0x8: {  	s22 =	simm.s32 $0x0;
	[smem:$0x7FF] =	sst s3;
	s7 =	smul.u32 $0x500, s1  }
0x9: {  	s6 =	sand.u32 $0x1, s4;
	s4 =	sadd.s32 $0xC800, s5;
	s9 =	smul.u32 $0xA00, s1  }
0xa: {  	s19 =	sshll.u32 s1, $0x6;
	_ =	strace $0x80000047;
	s8 =	sshll.u32 s6, $0x7  }
0xb: {  	s31 =	sshll.u32 s6, $0x4;
	s6 =	ssub.s32 $0x2, s6;
	s19 =	sor.u32 $0x1C03, s19  }
0xc: {  	s7 =	sor.u32 s8, s7;
	s8 =	sor.u32 s1, s31;
	s10 =	sshrl.u32 s6, $0x1  }
0xd: {  	s9 =	sshrl.u32 s9, $0x2;
	s7 =	sshrl.u32 s7, $0x3;
	s8 =	smul.u32 $0x4E2, s8  }
0xe: {  	s10 =	ssub.s32 s6, s10;
	s7 =	sadd.s32 s7, s5;
	s5 =	sadd.s32 s9, s2  }
0xf: {  	s9 =	simm.s32 $0x2980;
	s6 =	sadd.s32 s4, s8;
	s7 =	sadd.s32 $0x16600, s7  }
0x10: {  	v0 =	vimm.f32 $1.000000000e+00;
	v1 =	vimm.f32 $0.0e+00;
	s8 =	smax.u32 s10, $0x1;
	s10 =	simm.s32 $0x3;
	s20 =	sshrl.u32 s5, $0x3  }
.LBB2_1:
0x11: {  	[tilespmem:$0x2900] =	vst v0  }
0x12: {  	[tilespmem:$0x2910] =	vst v0  }
0x13: {  	[tilespmem:$0x2920] =	vst v0  }
0x14: {  	[tilespmem:$0x2930] =	vst v0  }
0x15: {  	[tilespmem:$0x2940] =	vst v0  }
0x16: {  	[tilespmem:$0x2950] =	vst v0  }
0x17: {  	[tilespmem:$0x2960] =	vst v0  }
0x18: {  	[tilespmem:$0x2970] =	vst v0  }
0x19: {  	[tilespmem:$0x2980] =	vst v1  }
0x1a: {  	[tilespmem:$0x2990] =	vst v1  }
0x1b: {  	[tilespmem:$0x29A0] =	vst v1  }
0x1c: {  	[tilespmem:$0x29B0] =	vst v1  }
0x1d: {  	[tilespmem:$0x29C0] =	vst v1  }
0x1e: {  	[tilespmem:$0x29D0] =	vst v1  }
0x1f: {  	[tilespmem:$0x29E0] =	vst v1  }
0x20: {  	[tilespmem:$0x29F0] =	vst v1  }
0x21: {  	[tilespmem:$0x2A00] =	vst v1  }
0x22: {  	[tilespmem:$0x2A10] =	vst v1  }
0x23: {  	[tilespmem:$0x2A20] =	vst v1  }
0x24: {  	[tilespmem:$0x2A30] =	vst v1  }
0x25: {  	[tilespmem:$0x2A40] =	vst v1  }
0x26: {  	[tilespmem:$0x2A50] =	vst v1  }
0x27: {  	[tilespmem:$0x2A60] =	vst v1  }
0x28: {  	[tilespmem:$0x2A70] =	vst v1  }
0x29: {  	[tilespmem:$0x2A80] =	vst v1  }
0x2a: {  	[tilespmem:$0x2A90] =	vst v1  }
0x2b: {  	[tilespmem:$0x2AA0] =	vst v1  }
0x2c: {  	[tilespmem:$0x2AB0] =	vst v1  }
0x2d: {  	[tilespmem:$0x2AC0] =	vst v1  }
0x2e: {  	[tilespmem:$0x2AD0] =	vst v1  }
0x2f: {  	[tilespmem:$0x2AE0] =	vst v1  }
0x30: {  	[tilespmem:$0x2AF0] =	vst v1  }
0x31: {  	[tilespmem:$0x2B00] =	vst v1  }
0x32: {  	[tilespmem:$0x2B10] =	vst v1  }
0x33: {  	[tilespmem:$0x2B20] =	vst v1  }
0x34: {  	[tilespmem:$0x2B30] =	vst v1  }
0x35: {  	[tilespmem:$0x2B40] =	vst v1  }
0x36: {  	[tilespmem:$0x2B50] =	vst v1  }
0x37: {  	[tilespmem:$0x2B60] =	vst v1  }
0x38: {  	[tilespmem:$0x2B70] =	vst v1  }
0x39: {  	[tilespmem:$0x2B80] =	vst v1  }
0x3a: {  	[tilespmem:$0x2B90] =	vst v1  }
0x3b: {  	[tilespmem:$0x2BA0] =	vst v1  }
0x3c: {  	[tilespmem:$0x2BB0] =	vst v1  }
0x3d: {  	[tilespmem:$0x2BC0] =	vst v1  }
0x3e: {  	[tilespmem:$0x2BD0] =	vst v1  }
0x3f: {  	[tilespmem:$0x2BE0] =	vst v1  }
0x40: {  	[tilespmem:$0x2BF0] =	vst v1  }
0x41: {  	[spmem:s5] =	stream.linear.scatter [tilespmem:s9], [sflag:$0x3], $0x280, $0x38;
	[tilespmem:$0x2E80] =	vst v63  }
0x42: {  	_ =	swait.ge [sflag:s10], $0x280  }
0x43: {  	[sflag:s10] =	ssyncset.done $0x0  }
0x44: {  	[sflag:s10] =	ssyncadd.s32 $0xFFFFFD80  }
0x45: {  	[tilespmem:s3], [sflag:$0x3] =	stream.linear.gather [hbm4b:s6+s3], $0x2710, $0x38;
	[tilespmem:$0x2E80] =	vst v63  }
0x46: {  	_ =	swait.ge [sflag:s10], $0x2710  }
0x47: {  	[sflag:s10] =	ssyncset.done $0x0  }
0x48: {  	[sflag:s10] =	ssyncadd.s32 $0xFFFFD8F0  }
0x49: {  	s23 =	simm.s32 $0xFFFFFFFD;
	s24 =	simm.s32 $0x180;
	[bflag:$0x0] =	sbarrier.arrive $0xFFFF  }
0x4a: {  	[tilespmem:s11], [sflag:$0x2] =	stream.linear.gather [hbm4b:s4+s3], $0x80, $0x38;
	[tilespmem:$0x2E80] =	vst v63  }
.LBB2_2:
0x4b: {  	_ =	swait.ge [sflag:s12], $0x80  }
0x4c: {  	[sflag:s12] =	ssyncset.done $0x0  }
0x4d: {  	[sflag:s12] =	ssyncadd.s32 $0xFFFFFF80  }
0x4e: {  	v2 =	vld [tilespmem:s24+$0xFFFFFE80];
	_ =	sdelay $0x4  }
0x4f: {  	[tilespmem:$0x2780] =	vst v2  }
0x50: {  	v2 =	vld [tilespmem:s24+$0xFFFFFE90];
	_ =	sdelay $0x4  }
0x51: {  	[tilespmem:$0x2790] =	vst v2  }
0x52: {  	v2 =	vld [tilespmem:s24+$0xFFFFFEA0];
	_ =	sdelay $0x4  }
0x53: {  	[tilespmem:$0x27A0] =	vst v2  }
0x54: {  	v2 =	vld [tilespmem:s24+$0xFFFFFEB0];
	_ =	sdelay $0x4  }
0x55: {  	[tilespmem:$0x27B0] =	vst v2  }
0x56: {  	v2 =	vld [tilespmem:s24+$0xFFFFFEC0];
	_ =	sdelay $0x4  }
0x57: {  	[tilespmem:$0x27C0] =	vst v2  }
0x58: {  	v2 =	vld [tilespmem:s24+$0xFFFFFED0];
	_ =	sdelay $0x4  }
0x59: {  	[tilespmem:$0x27D0] =	vst v2  }
0x5a: {  	v2 =	vld [tilespmem:s24+$0xFFFFFEE0];
	_ =	sdelay $0x4  }
0x5b: {  	[tilespmem:$0x27E0] =	vst v2  }
0x5c: {  	v2 =	vld [tilespmem:s24+$0xFFFFFEF0];
	_ =	sdelay $0x4  }
0x5d: {  	[tilespmem:$0x27F0] =	vst v2  }
0x5e: {  	[spmem:s2] =	stream.indirect.scatter.add.f32 [tilespmem:s15], [sflag:$0x1], $0x1, s14, s13, $0xb8;
	[tilespmem:$0x2E80] =	vst v63  }
0x5f: {  	_ =	swait.ge [sflag:s16], $0x80  }
0x60: {  	[sflag:s16] =	ssyncset.done $0x0  }
0x61: {  	[sflag:s16] =	ssyncadd.s32 $0xFFFFFF80  }
0x62: {  	v2 =	vld [tilespmem:s24+$0xFFFFFF00];
	_ =	sdelay $0x4  }
0x63: {  	[tilespmem:$0x2800] =	vst v2  }
0x64: {  	v2 =	vld [tilespmem:s24+$0xFFFFFF10];
	_ =	sdelay $0x4  }
0x65: {  	[tilespmem:$0x2810] =	vst v2  }
0x66: {  	v2 =	vld [tilespmem:s24+$0xFFFFFF20];
	_ =	sdelay $0x4  }
0x67: {  	[tilespmem:$0x2820] =	vst v2  }
0x68: {  	v2 =	vld [tilespmem:s24+$0xFFFFFF30];
	_ =	sdelay $0x4  }
0x69: {  	[tilespmem:$0x2830] =	vst v2  }
0x6a: {  	v2 =	vld [tilespmem:s24+$0xFFFFFF40];
	_ =	sdelay $0x4  }
0x6b: {  	[tilespmem:$0x2840] =	vst v2  }
0x6c: {  	v2 =	vld [tilespmem:s24+$0xFFFFFF50];
	_ =	sdelay $0x4  }
0x6d: {  	[tilespmem:$0x2850] =	vst v2  }
0x6e: {  	v2 =	vld [tilespmem:s24+$0xFFFFFF60];
	_ =	sdelay $0x4  }
0x6f: {  	[tilespmem:$0x2860] =	vst v2  }
0x70: {  	v2 =	vld [tilespmem:s24+$0xFFFFFF70];
	_ =	sdelay $0x4  }
0x71: {  	[tilespmem:$0x2870] =	vst v2  }
0x72: {  	[spmem:s2] =	stream.indirect.scatter.add.f32 [tilespmem:s15], [sflag:$0x2], $0x1, s11, s13, $0xb8;
	[tilespmem:$0x2E80] =	vst v63  }
0x73: {  	_ =	swait.ge [sflag:s12], $0x80  }
0x74: {  	[sflag:s12] =	ssyncset.done $0x0  }
0x75: {  	[sflag:s12] =	ssyncadd.s32 $0xFFFFFF80  }
0x76: {  	v2 =	vld [tilespmem:s24+$0xFFFFFF80];
	_ =	sdelay $0x4  }
0x77: {  	[tilespmem:$0x2780] =	vst v2  }
0x78: {  	v2 =	vld [tilespmem:s24+$0xFFFFFF90];
	_ =	sdelay $0x4  }
0x79: {  	[tilespmem:$0x2790] =	vst v2  }
0x7a: {  	v2 =	vld [tilespmem:s24+$0xFFFFFFA0];
	_ =	sdelay $0x4  }
0x7b: {  	[tilespmem:$0x27A0] =	vst v2  }
0x7c: {  	v2 =	vld [tilespmem:s24+$0xFFFFFFB0];
	_ =	sdelay $0x4  }
0x7d: {  	[tilespmem:$0x27B0] =	vst v2  }
0x7e: {  	v2 =	vld [tilespmem:s24+$0xFFFFFFC0];
	_ =	sdelay $0x4  }
0x7f: {  	[tilespmem:$0x27C0] =	vst v2  }
0x80: {  	v2 =	vld [tilespmem:s24+$0xFFFFFFD0];
	_ =	sdelay $0x4  }
0x81: {  	[tilespmem:$0x27D0] =	vst v2  }
0x82: {  	v2 =	vld [tilespmem:s24+$0xFFFFFFE0];
	_ =	sdelay $0x4  }
0x83: {  	[tilespmem:$0x27E0] =	vst v2  }
0x84: {  	v2 =	vld [tilespmem:s24+$0xFFFFFFF0];
	_ =	sdelay $0x4  }
0x85: {  	[tilespmem:$0x27F0] =	vst v2  }
0x86: {  	[spmem:s2] =	stream.indirect.scatter.add.f32 [tilespmem:s15], [sflag:$0x1], $0x1, s14, s13, $0xb8;
	[tilespmem:$0x2E80] =	vst v63  }
0x87: {  	_ =	swait.ge [sflag:s16], $0x80  }
0x88: {  	[sflag:s16] =	ssyncset.done $0x0  }
0x89: {  	[sflag:s16] =	ssyncadd.s32 $0xFFFFFF80  }
0x8a: {  	v2 =	vld [tilespmem:s24+$0x0];
	_ =	sdelay $0x4  }
0x8b: {  	[tilespmem:$0x2800] =	vst v2  }
0x8c: {  	v2 =	vld [tilespmem:s24+$0x10];
	_ =	sdelay $0x4  }
0x8d: {  	[tilespmem:$0x2810] =	vst v2  }
0x8e: {  	v2 =	vld [tilespmem:s24+$0x20];
	_ =	sdelay $0x4  }
0x8f: {  	[tilespmem:$0x2820] =	vst v2  }
0x90: {  	v2 =	vld [tilespmem:s24+$0x30];
	_ =	sdelay $0x4  }
0x91: {  	[tilespmem:$0x2830] =	vst v2  }
0x92: {  	v2 =	vld [tilespmem:s24+$0x40];
	_ =	sdelay $0x4  }
0x93: {  	[tilespmem:$0x2840] =	vst v2  }
0x94: {  	v2 =	vld [tilespmem:s24+$0x50];
	_ =	sdelay $0x4  }
0x95: {  	[tilespmem:$0x2850] =	vst v2  }
0x96: {  	v2 =	vld [tilespmem:s24+$0x60];
	_ =	sdelay $0x4  }
0x97: {  	[tilespmem:$0x2860] =	vst v2  }
0x98: {  	v2 =	vld [tilespmem:s24+$0x70];
	_ =	sdelay $0x4  }
0x99: {  	[tilespmem:$0x2870] =	vst v2  }
0x9a: {  	[spmem:s2] =	stream.indirect.scatter.add.f32 [tilespmem:s15], [sflag:$0x2], $0x1, s11, s13, $0xb8;
	[tilespmem:$0x2E80] =	vst v63  }
0x9b: {  	_ =	swait.ge [sflag:s12], $0x80  }
0x9c: {  	[sflag:s12] =	ssyncset.done $0x0  }
0x9d: {  	[sflag:s12] =	ssyncadd.s32 $0xFFFFFF80  }
0x9e: {  	v2 =	vld [tilespmem:s24+$0x80];
	_ =	sdelay $0x4  }
0x9f: {  	[tilespmem:$0x2780] =	vst v2  }
0xa0: {  	v2 =	vld [tilespmem:s24+$0x90];
	_ =	sdelay $0x4  }
0xa1: {  	[tilespmem:$0x2790] =	vst v2  }
0xa2: {  	v2 =	vld [tilespmem:s24+$0xA0];
	_ =	sdelay $0x4  }
0xa3: {  	[tilespmem:$0x27A0] =	vst v2  }
0xa4: {  	v2 =	vld [tilespmem:s24+$0xB0];
	_ =	sdelay $0x4  }
0xa5: {  	[tilespmem:$0x27B0] =	vst v2  }
0xa6: {  	v2 =	vld [tilespmem:s24+$0xC0];
	_ =	sdelay $0x4  }
0xa7: {  	[tilespmem:$0x27C0] =	vst v2  }
0xa8: {  	v2 =	vld [tilespmem:s24+$0xD0];
	_ =	sdelay $0x4  }
0xa9: {  	[tilespmem:$0x27D0] =	vst v2  }
0xaa: {  	v2 =	vld [tilespmem:s24+$0xE0];
	_ =	sdelay $0x4  }
0xab: {  	[tilespmem:$0x27E0] =	vst v2  }
0xac: {  	v2 =	vld [tilespmem:s24+$0xF0];
	_ =	sdelay $0x4  }
0xad: {  	[tilespmem:$0x27F0] =	vst v2  }
0xae: {  	[spmem:s2] =	stream.indirect.scatter.add.f32 [tilespmem:s15], [sflag:$0x1], $0x1, s14, s13, $0xb8;
	[tilespmem:$0x2E80] =	vst v63  }
0xaf: {  	_ =	swait.ge [sflag:s16], $0x80  }
0xb0: {  	[sflag:s16] =	ssyncset.done $0x0  }
0xb1: {  	[sflag:s16] =	ssyncadd.s32 $0xFFFFFF80  }
0xb2: {  	v2 =	vld [tilespmem:s24+$0x100];
	_ =	sdelay $0x4  }
0xb3: {  	[tilespmem:$0x2800] =	vst v2  }
0xb4: {  	v2 =	vld [tilespmem:s24+$0x110];
	_ =	sdelay $0x4  }
0xb5: {  	[tilespmem:$0x2810] =	vst v2  }
0xb6: {  	v2 =	vld [tilespmem:s24+$0x120];
	_ =	sdelay $0x4  }
0xb7: {  	[tilespmem:$0x2820] =	vst v2  }
0xb8: {  	v2 =	vld [tilespmem:s24+$0x130];
	_ =	sdelay $0x4  }
0xb9: {  	[tilespmem:$0x2830] =	vst v2  }
0xba: {  	v2 =	vld [tilespmem:s24+$0x140];
	_ =	sdelay $0x4  }
0xbb: {  	[tilespmem:$0x2840] =	vst v2  }
0xbc: {  	v2 =	vld [tilespmem:s24+$0x150];
	_ =	sdelay $0x4  }
0xbd: {  	[tilespmem:$0x2850] =	vst v2  }
0xbe: {  	v2 =	vld [tilespmem:s24+$0x160];
	_ =	sdelay $0x4  }
0xbf: {  	[tilespmem:$0x2860] =	vst v2  }
0xc0: {  	s23 =	sadd.s32 $0x3, s23;
	v2 =	vld [tilespmem:s24+$0x170]  }
0xc1: {  	p0 =	slt.u32 s23, $0x24  }
.Ltmp0:
0xc2: {  	_ = 	snop;
	(pc) =	sbr.rel @p0 .LBB2_2-.Ltmp0, $3  }
0xc3: {  	_ =	sdelay $0x1  }
0xc4: {  	s24 =	sadd.s32 $0x300, s24;
	[tilespmem:$0x2870] =	vst v2  }
0xc5: {  	[spmem:s2] =	stream.indirect.scatter.add.f32 [tilespmem:s15], [sflag:$0x2], $0x1, s11, s13, $0xb8;
	[tilespmem:$0x2E80] =	vst v63  }
0xc6: {  	_ =	swait.ge [sflag:s12], $0x80  }
0xc7: {  	[sflag:s12] =	ssyncset.done $0x0  }
0xc8: {  	[sflag:s12] =	ssyncadd.s32 $0xFFFFFF80  }
0xc9: {  	v2 =	vld [tilespmem:$0x2700];
	_ =	sdelay $0x4  }
0xca: {  	[tilespmem:$0x2880] =	vst v2  }
0xcb: {  	[spmem:s2] =	stream.indirect.scatter.add.f32 [tilespmem:s15], [sflag:$0x3], $0x1, s18, s17, $0xb8;
	[tilespmem:$0x2E80] =	vst v63  }
0xcc: {  	_ =	swait.ge [sflag:s10], $0x10  }
0xcd: {  	s22 =	sadd.s32 $0x1, s22;
	[sflag:s10] =	ssyncset.done $0x0  }
0xce: {  	p0 =	sne.s32 s22, s8;
	[sflag:s10] =	ssyncadd.s32 $0xFFFFFFF0  }
.Ltmp1:
0xcf: {  	[bflag:$0x0] =	sbarrier.arrive $0xFFFF;
	(pc) =	sbr.rel @p0 .LBB2_1-.Ltmp1, $4  }
0xd0: {  	[hbm:s7@s21], [sflag:s19] =	dma.strided [spmem:s20@s17], $0x50, s16, $0x10   }
0xd1: {  	_ =	swait.ge [sflag:s10], $0x50  }
0xd2: {  	[sflag:s10] =	ssyncset.done $0x0  }
0xd3: {  	[sflag:s10] =	ssyncadd.s32 $0xFFFFFFB0  }
0xd4: {  	_ =	sfence.sel $0x180000  }
0xd5: {  	[bflag:$0x0] =	sbarrier.arrive $0xFFFF  }
0xd6: {  	p0 =	sne.s32 s1, $0x0;
	_ =	strace $0x90000047  }
0xd7: {  	s0 =	sadd.s32 @!p0 $0x100000, s0;
	[bflag:$0x2] =	sbarrier.arrive $0xFFFF  }
0xd8: {  	[sflag:s0] =	ssyncadd.tile.s32 @!p0 $0x1;
	_ =	shalt  }
.Lfunc_end2:
_tile_overlayer_lowered:
.L_overlay_start_2:
0xd9: {  	(tag) =	ssettag $0x2  }
0xda: {  	s0 =	rddreg [dreg:$0x0];
	s2 =	stileid.u32  }
0xdb: {  	s1 =	rddreg [dreg:$0x1];
	p0 =	sne.s32 s2, $0x0  }
0xdc: {  	s3 =	rddreg [dreg:$0x2];
	[bflag:$0x3] =	sbarrier.arrive $0xFFFF;
	s2 =	simm.s32 @!p0 $0x1C03  }
0xdd: {  	[timem:s3], [sflag:s2] =	dma.local @!p0 [hbm:s0], s1  }
0xde: {  	s0 =	simm.s32 @!p0 $0x3  }
0xdf: {  	_ =	swait.ge @!p0 [sflag:s0], s1  }
0xe0: {  	s1 =	ssub.s32 @!p0 $0x0, s1;
	[sflag:s0] =	ssyncset.done @!p0 $0x0  }
0xe1: {  	[sflag:s0] =	ssyncadd.s32 @!p0 s1  }
0xe2: {  	[bflag:$0x3] =	sbarrier.arrive $0xFFFF  }
0xe3: {  	_ =	shalt  }

</sc_bundles>
